<compile_context>
chip_gen: v7x
topology: tpu7x:2x2x1
jax: 0.10.2.dev20260603
libtpu: 0.0.44.dev20260713+nightly
codegen_flags: <defaults>
</compile_context>

<pallas_src>
import jax
import jax.numpy as jnp
from jax import lax
from jax.experimental import pallas as pl
from jax.experimental.pallas import tpu as pltpu
from jax.experimental.pallas import tpu_sc as plsc

N = 100000
E = 1600000
D = 50
H = 64
G = 128

DP = 64
CHUNK = 25088
NCH = 4
NPAD = NCH * CHUNK
TRASH = CHUNK
SPROWS = CHUNK + 16
K = 2000
NBLK = 50
GB = 128
DUMP = K + GB
SELSZ = K + GB + 16
NB2 = (K + GB) // GB + 1
RPT = CHUNK // 16

BN = 2048
NBLKS = NPAD // BN


def _sc_agg_body(xp_hbm, src_hbm, dst_hbm, out_hbm,
                 agg_s, src_v, dst_v, sel_src, sel_dst, sel2d, rows0, rows1,
                 gsem0, gsem1):
    c = lax.axis_index("c")
    s = lax.axis_index("s")

    z16 = jnp.zeros((16,), jnp.float32)
    t16 = jnp.full((16,), TRASH, jnp.int32)
    z16i = jnp.zeros((16,), jnp.int32)

    for p in range(2):
        chunk = c * 2 + p
        lo = chunk * CHUNK

        def zb_body(i, _):
            for q in range(DP // 16):
                rows0[i, pl.ds(q * 16, 16)] = z16
            return 0

        lax.fori_loop(0, GB, zb_body, 0)

        base = s * RPT
        for zi in range(RPT // GB):
            pltpu.sync_copy(rows0, agg_s.at[pl.ds(base + zi * GB, GB)])
        rem = RPT - (RPT // GB) * GB
        if rem:
            pltpu.sync_copy(rows0.at[pl.ds(0, rem)],
                            agg_s.at[pl.ds(base + RPT - rem, rem)])
        plsc.subcore_barrier()

        def blk_body(b, _):
            estart = s * (K * NBLK) + b * K
            pltpu.sync_copy(src_hbm.at[pl.ds(estart, K)], src_v)
            pltpu.sync_copy(dst_hbm.at[pl.ds(estart, K)], dst_v)

            def cmp_body(g, off):
                d16 = dst_v[pl.ds(g * 16, 16)]
                s16 = src_v[pl.ds(g * 16, 16)]
                m = (d16 >= lo) & (d16 < lo + CHUNK)
                mi = m.astype(jnp.int32)
                cs = plsc.cumsum(mi)
                pos = jnp.where(m, off + cs - 1, DUMP)
                plsc.store_scatter(sel_dst, [pos], d16 - lo)
                plsc.store_scatter(sel_src, [pos], s16)
                return off + cs[15]

            off = lax.fori_loop(0, K // 16, cmp_body, jnp.int32(0))

            for q in range(GB // 16):
                sel_dst[pl.ds(off + q * 16, 16)] = t16
                sel_src[pl.ds(off + q * 16, 16)] = z16i
            nb = (off + GB - 1) // GB

            def fire(j, buf, sem):
                pltpu.async_copy(
                    xp_hbm.at[sel_src.at[pl.ds(j * GB, GB)]], buf, sem)

            def stage_wait_scatter(j, buf, sem):
                for t in range(GB // 16):
                    sel2d[j, pl.ds(t * 16, 16)] = \
                        sel_dst[pl.ds(j * GB + t * 16, 16)]
                pltpu.make_async_copy(
                    xp_hbm.at[sel_src.at[pl.ds(j * GB, GB)]], buf, sem).wait()
                pltpu.sync_copy(buf, agg_s.at[sel2d.at[j]], add=True)

            @pl.when(nb > 0)
            def _():
                fire(0, rows0, gsem0)

            def pair_body(i, _):
                j0 = 2 * i
                j1 = j0 + 1

                @pl.when(j1 < nb)
                def _():
                    fire(j1, rows1, gsem1)

                stage_wait_scatter(j0, rows0, gsem0)

                @pl.when(j0 + 2 < nb)
                def _():
                    fire(j0 + 2, rows0, gsem0)

                @pl.when(j1 < nb)
                def _():
                    stage_wait_scatter(j1, rows1, gsem1)

                return 0

            lax.fori_loop(0, (nb + 1) // 2, pair_body, 0)
            return 0

        lax.fori_loop(0, NBLK, blk_body, 0)

        plsc.subcore_barrier()

        obase = chunk * CHUNK + s * RPT
        for zi in range(RPT // GB):
            pltpu.sync_copy(agg_s.at[pl.ds(base + zi * GB, GB)],
                            out_hbm.at[pl.ds(obase + zi * GB, GB)])
        if rem:
            pltpu.sync_copy(agg_s.at[pl.ds(base + RPT - rem, rem)],
                            out_hbm.at[pl.ds(obase + RPT - rem, rem)])


def _sc_agg(xp, src, dst):
    mesh = plsc.VectorSubcoreMesh(core_axis_name="c", subcore_axis_name="s")
    return pl.kernel(
        _sc_agg_body,
        out_type=jax.ShapeDtypeStruct((NPAD, DP), jnp.float32),
        mesh=mesh,
        compiler_params=pltpu.CompilerParams(needs_layout_passes=False,
                                             use_tc_tiling_on_sc=False),
        scratch_types=[
            pltpu.VMEM_SHARED((SPROWS, DP), jnp.float32),
            pltpu.VMEM((K,), jnp.int32),
            pltpu.VMEM((K,), jnp.int32),
            pltpu.VMEM((SELSZ,), jnp.int32),
            pltpu.VMEM((SELSZ,), jnp.int32),
            pltpu.VMEM((NB2, GB), jnp.int32),
            pltpu.VMEM((GB, DP), jnp.float32),
            pltpu.VMEM((GB, DP), jnp.float32),
            pltpu.SemaphoreType.DMA,
            pltpu.SemaphoreType.DMA,
        ],
    )(xp, src, dst)


def _tc_body(x_ref, a_ref, b_ref, wl_ref, bl_ref, wr_ref, wc_ref, bc_ref,
             out_ref, acc_ref, cnt_ref):
    i = pl.program_id(0)

    @pl.when(i == 0)
    def _():
        acc_ref[...] = jnp.zeros_like(acc_ref)
        cnt_ref[...] = jnp.zeros_like(cnt_ref)

    ag = a_ref[...]
    cnt = ag[:, D:D + 1]
    inv = 1.0 / jnp.maximum(cnt, 1.0)
    h = jnp.dot(ag * inv, wl_ref[...].T, preferred_element_type=jnp.float32)
    h = h + bl_ref[...]
    h = h + jnp.dot(x_ref[...], wr_ref[...].T,
                    preferred_element_type=jnp.float32)
    h = jnp.where(h > 0, h, 0.01 * h)

    bt = b_ref[0]
    oh = (lax.broadcasted_iota(jnp.int32, (G, BN), 0) == bt)
    oh = oh.astype(jnp.float32)
    acc_ref[...] += jnp.dot(oh, h, preferred_element_type=jnp.float32)
    cnt_ref[...] += jnp.sum(oh, axis=1, keepdims=True)

    @pl.when(i == NBLKS - 1)
    def _():
        pooled = acc_ref[...] / jnp.maximum(cnt_ref[...], 1.0)
        out_ref[...] = jnp.dot(pooled, wc_ref[...].T,
                               preferred_element_type=jnp.float32) + bc_ref[...]


def _tc_stage(xp, agg, bt3, W_lp, b_l2, W_rp, W_c, b_c2):
    return pl.pallas_call(
        _tc_body,
        grid=(NBLKS,),
        in_specs=[
            pl.BlockSpec((BN, DP), lambda i: (i, 0)),
            pl.BlockSpec((BN, DP), lambda i: (i, 0)),
            pl.BlockSpec((1, 1, BN), lambda i: (i, 0, 0)),
            pl.BlockSpec((H, DP), lambda i: (0, 0)),
            pl.BlockSpec((1, H), lambda i: (0, 0)),
            pl.BlockSpec((H, DP), lambda i: (0, 0)),
            pl.BlockSpec((2, H), lambda i: (0, 0)),
            pl.BlockSpec((1, 2), lambda i: (0, 0)),
        ],
        out_specs=pl.BlockSpec((G, 2), lambda i: (0, 0)),
        out_shape=jax.ShapeDtypeStruct((G, 2), jnp.float32),
        scratch_shapes=[pltpu.VMEM((G, H), jnp.float32),
                        pltpu.VMEM((G, 1), jnp.float32)],
    )(xp, agg, bt3, W_lp, b_l2, W_rp, W_c, b_c2)


def kernel(x, edge_index, batch, W_l, b_l, W_r, W_c, b_c):
    src = edge_index[0]
    dst = edge_index[1]
    ones = jnp.ones((N, 1), jnp.float32)
    xp = jnp.pad(jnp.concatenate([x, ones], axis=1),
                 ((0, NPAD - N), (0, DP - D - 1)))
    agg = _sc_agg(xp, src, dst)

    bt3 = jnp.concatenate(
        [batch, jnp.full((NPAD - N,), G, jnp.int32)]).reshape(NBLKS, 1, BN)
    W_lp = jnp.pad(W_l, ((0, 0), (0, DP - D)))
    W_rp = jnp.pad(W_r, ((0, 0), (0, DP - D)))
    b_l2 = b_l.reshape(1, H)
    b_c2 = b_c.reshape(1, 2)
    return _tc_stage(xp, agg, bt3, W_lp, b_l2, W_rp, W_c, b_c2)

# --- scband reference (transcript-rebuilt; emitter-appended) ---
"""Pipeline reference for scband-gcn-40020505264478 (READ-ONLY COPY).

The authoritative reference and input builder live on the scoring server;
editing this copy changes nothing except your own understanding.
"""

import jax, jax.numpy as jnp
import numpy as np

N = 100000
E = 1600000
D = 50
H = 64
G = 128


def setup_inputs(seed: int = 0) -> dict:
    key = jax.random.key(seed)
    k1, k2, k3, k4, k5, k6, k7, k8 = jax.random.split(key, 8)
    x = jax.random.normal(k1, (N, D), dtype=jnp.float32)
    edge_index = jax.random.randint(k2, (2, E), 0, N, dtype=jnp.int32)
    batch = jnp.sort(jax.random.randint(k3, (N,), 0, G, dtype=jnp.int32))
    # SAGEConv(50, 64): lin_l applied to mean-aggregated neighbors (with bias),
    # lin_r applied to root features (no bias)
    W_l = jax.random.normal(k4, (H, D), dtype=jnp.float32) * (1.0 / np.sqrt(D))
    b_l = jnp.zeros((H,), dtype=jnp.float32)
    W_r = jax.random.normal(k5, (H, D), dtype=jnp.float32) * (1.0 / np.sqrt(D))
    # classifier Linear(64, 2)
    W_c = jax.random.normal(k6, (2, H), dtype=jnp.float32) * (1.0 / np.sqrt(H))
    b_c = jnp.zeros((2,), dtype=jnp.float32)
    return {"x": x, "edge_index": edge_index, "batch": batch,
            "W_l": W_l, "b_l": b_l, "W_r": W_r, "W_c": W_c, "b_c": b_c}


def reference(x, edge_index, batch, W_l, b_l, W_r, W_c, b_c):
    src = edge_index[0]
    dst = edge_index[1]
    # SAGEConv with mean aggregation: gather source node feats, scatter-mean to dst
    msgs = jnp.take(x, src, axis=0)
    agg = jax.ops.segment_sum(msgs, dst, num_segments=N)
    cnt = jax.ops.segment_sum(jnp.ones((E,), dtype=jnp.float32), dst, num_segments=N)
    agg = agg / jnp.maximum(cnt, 1.0)[:, None]
    h = agg @ W_l.T + b_l + x @ W_r.T
    # leaky_relu (default negative_slope=0.01); dropout is identity in eval mode
    h = jax.nn.leaky_relu(h, negative_slope=0.01)
    # global_mean_pool over graph ids
    pooled_sum = jax.ops.segment_sum(h, batch, num_segments=G)
    pooled_cnt = jax.ops.segment_sum(jnp.ones((N,), dtype=jnp.float32), batch, num_segments=G)
    pooled = pooled_sum / jnp.maximum(pooled_cnt, 1.0)[:, None]
    out = pooled @ W_c.T + b_c
    return out

if __name__ == "__main__":
    import jax
    _d = setup_inputs()
    print(jax.jit(kernel)(*tuple(_d.values())))

</pallas_src>

<mosaic_0001>
#map = affine_map<(d0, d1) -> (0, 0)>
#map1 = affine_map<(d0, d1) -> (0)>
module attributes {stable_mosaic.version = 14 : i64} {
  func.func @_sc_agg_body(%arg0: i32, %arg1: i32, %arg2: memref<100352x64xf32, #tpu.memory_space<hbm>>, %arg3: memref<1600000xi32, #tpu.memory_space<hbm>>, %arg4: memref<1600000xi32, #tpu.memory_space<hbm>>, %arg5: memref<100352x64xf32, #tpu.memory_space<hbm>>, %arg6: memref<25104x64xf32, #tpu.memory_space<vmem_shared>>, %arg7: memref<2000xi32, #tpu.memory_space<vmem>>, %arg8: memref<2000xi32, #tpu.memory_space<vmem>>, %arg9: memref<2144xi32, #tpu.memory_space<vmem>>, %arg10: memref<2144xi32, #tpu.memory_space<vmem>>, %arg11: memref<17x128xi32, #tpu.memory_space<vmem>>, %arg12: memref<128x64xf32, #tpu.memory_space<vmem>>, %arg13: memref<128x64xf32, #tpu.memory_space<vmem>>, %arg14: memref<!tpu.dma_semaphore, #tpu.memory_space<semaphore_mem>>, %arg15: memref<!tpu.dma_semaphore, #tpu.memory_space<semaphore_mem>>) attributes {dimension_semantics = [#tpu.dimension_semantics<core_parallel>, #tpu.dimension_semantics<subcore_parallel>], iteration_bounds = array<i64: 2, 16>, scalar_prefetch = 0 : i64, scratch_operands = 10 : i64, tpu.core_type = #tpu.core_type<sc_vector_subcore>, window_params = [{transform_indices = #map}, {transform_indices = #map1}, {transform_indices = #map1}, {transform_indices = #map}]} {
    %broadcast_in_dim3A = arith.constant 0.000000e+00 : f32
    %broadcast_in_dim3A_0 = vector.broadcast %broadcast_in_dim3A : f32 to vector<16xf32>
    %broadcast_in_dim3A_1 = arith.constant 25088 : i32
    %broadcast_in_dim3A_2 = vector.broadcast %broadcast_in_dim3A_1 : i32 to vector<16xi32>
    %broadcast_in_dim3A_3 = arith.constant 0 : i32
    %broadcast_in_dim3A_4 = vector.broadcast %broadcast_in_dim3A_3 : i32 to vector<16xi32>
    %mul3A = arith.constant 2 : i32
    %mul3A_5 = arith.muli %arg0, %mul3A : i32
    %add3A = arith.constant 0 : i32
    %add3A_6 = arith.addi %mul3A_5, %add3A : i32
    %mul3A_7 = arith.constant 25088 : i32
    %mul3A_8 = arith.muli %add3A_6, %mul3A_7 : i32
    %scan3A = arith.constant 0 : i32
    %scan3A_9 = arith.constant 0 : i32
    %scan3A_10 = arith.constant 128 : i32
    %scan3A_11 = arith.addi %scan3A_9, %scan3A_10 : i32
    %scan3A_12 = arith.constant 1 : i32
    %scan3A_13 = scf.for %scan3A_226 = %scan3A_9 to %scan3A_11 step %scan3A_12 iter_args(%scan3A_227 = %scan3A) -> (i32)  : i32 {
      %swap3A = arith.index_cast %scan3A_226 : i32 to index
      %swap3A_228 = arith.constant 0 : index
      %swap3A_229 = tpu.vector_load %arg12[%swap3A, %swap3A_228] {strides = array<i32>} : memref<128x64xf32, #tpu.memory_space<vmem>>, vector<16xf32>,
      tpu.vector_store %arg12[%swap3A, %swap3A_228], %broadcast_in_dim3A_0 {strides = array<i32>} : memref<128x64xf32, #tpu.memory_space<vmem>>, vector<16xf32>,
      %swap3A_230 = arith.index_cast %scan3A_226 : i32 to index
      %swap3A_231 = arith.constant 16 : index
      %swap3A_232 = tpu.vector_load %arg12[%swap3A_230, %swap3A_231] {strides = array<i32>} : memref<128x64xf32, #tpu.memory_space<vmem>>, vector<16xf32>,
      tpu.vector_store %arg12[%swap3A_230, %swap3A_231], %broadcast_in_dim3A_0 {strides = array<i32>} : memref<128x64xf32, #tpu.memory_space<vmem>>, vector<16xf32>,
      %swap3A_233 = arith.index_cast %scan3A_226 : i32 to index
      %swap3A_234 = arith.constant 32 : index
      %swap3A_235 = tpu.vector_load %arg12[%swap3A_233, %swap3A_234] {strides = array<i32>} : memref<128x64xf32, #tpu.memory_space<vmem>>, vector<16xf32>,
      tpu.vector_store %arg12[%swap3A_233, %swap3A_234], %broadcast_in_dim3A_0 {strides = array<i32>} : memref<128x64xf32, #tpu.memory_space<vmem>>, vector<16xf32>,
      %swap3A_236 = arith.index_cast %scan3A_226 : i32 to index
      %swap3A_237 = arith.constant 48 : index
      %swap3A_238 = tpu.vector_load %arg12[%swap3A_236, %swap3A_237] {strides = array<i32>} : memref<128x64xf32, #tpu.memory_space<vmem>>, vector<16xf32>,
      tpu.vector_store %arg12[%swap3A_236, %swap3A_237], %broadcast_in_dim3A_0 {strides = array<i32>} : memref<128x64xf32, #tpu.memory_space<vmem>>, vector<16xf32>,
      %scan3A_239 = arith.constant 0 : i32
      scf.yield %scan3A_239 : i32
    }
    %scan3A_14 = arith.constant 128 : i32
    %mul3A_15 = arith.constant 1568 : i32
    %mul3A_16 = arith.muli %arg1, %mul3A_15 : i32
    %add3A_17 = arith.constant 0 : i32
    %add3A_18 = arith.addi %mul3A_16, %add3A_17 : i32
    "tpu.region"() ({
      %run_scoped3A = tpu.sem_alloc : memref<!tpu.dma_semaphore, #tpu.memory_space<semaphore_mem>>
      %dma_start3A = arith.constant 0 : i32
      %dma_start3A_226 = tpu.memref_slice %arg6[%add3A_18, %dma_start3A] : memref<25104x64xf32, #tpu.memory_space<vmem_shared>> -> memref<128x64xf32, #tpu.memory_space<vmem_shared>>
      %dma_start3A_227 = arith.constant 0 : i32
      %dma_start3A_228 = tpu.memref_slice %arg6[%add3A_18, %dma_start3A_227] : memref<25104x64xf32, #tpu.memory_space<vmem_shared>> -> memref<128x64xf32, #tpu.memory_space<vmem_shared>>
      tpu.enqueue_dma source(%arg12 : memref<128x64xf32, #tpu.memory_space<vmem>>) target(%dma_start3A_228 : memref<128x64xf32, #tpu.memory_space<vmem_shared>>) target_semaphore(%run_scoped3A : memref<!tpu.dma_semaphore, #tpu.memory_space<semaphore_mem>>)
      %dma_wait3A = arith.constant 0 : i32
      %dma_wait3A_229 = tpu.memref_slice %arg6[%add3A_18, %dma_wait3A] : memref<25104x64xf32, #tpu.memory_space<vmem_shared>> -> memref<128x64xf32, #tpu.memory_space<vmem_shared>>
      %dma_wait3A_230 = arith.constant 0 : i32
      %dma_wait3A_231 = tpu.memref_slice %arg6[%add3A_18, %dma_wait3A_230] : memref<25104x64xf32, #tpu.memory_space<vmem_shared>> -> memref<128x64xf32, #tpu.memory_space<vmem_shared>>
      tpu.wait_dma2 semaphore(%run_scoped3A : memref<!tpu.dma_semaphore, #tpu.memory_space<semaphore_mem>>) src(%arg12 : memref<128x64xf32, #tpu.memory_space<vmem>>) dst(%dma_wait3A_231 : memref<128x64xf32, #tpu.memory_space<vmem_shared>>)
      tpu.yield
    }) : () -> ()
    %add3A_19 = arith.constant 128 : i32
    %add3A_20 = arith.addi %mul3A_16, %add3A_19 : i32
    "tpu.region"() ({
      %run_scoped3A = tpu.sem_alloc : memref<!tpu.dma_semaphore, #tpu.memory_space<semaphore_mem>>
      %dma_start3A = arith.constant 0 : i32
      %dma_start3A_226 = tpu.memref_slice %arg6[%add3A_20, %dma_start3A] : memref<25104x64xf32, #tpu.memory_space<vmem_shared>> -> memref<128x64xf32, #tpu.memory_space<vmem_shared>>
      %dma_start3A_227 = arith.constant 0 : i32
      %dma_start3A_228 = tpu.memref_slice %arg6[%add3A_20, %dma_start3A_227] : memref<25104x64xf32, #tpu.memory_space<vmem_shared>> -> memref<128x64xf32, #tpu.memory_space<vmem_shared>>
      tpu.enqueue_dma source(%arg12 : memref<128x64xf32, #tpu.memory_space<vmem>>) target(%dma_start3A_228 : memref<128x64xf32, #tpu.memory_space<vmem_shared>>) target_semaphore(%run_scoped3A : memref<!tpu.dma_semaphore, #tpu.memory_space<semaphore_mem>>)
      %dma_wait3A = arith.constant 0 : i32
      %dma_wait3A_229 = tpu.memref_slice %arg6[%add3A_20, %dma_wait3A] : memref<25104x64xf32, #tpu.memory_space<vmem_shared>> -> memref<128x64xf32, #tpu.memory_space<vmem_shared>>
      %dma_wait3A_230 = arith.constant 0 : i32
      %dma_wait3A_231 = tpu.memref_slice %arg6[%add3A_20, %dma_wait3A_230] : memref<25104x64xf32, #tpu.memory_space<vmem_shared>> -> memref<128x64xf32, #tpu.memory_space<vmem_shared>>
      tpu.wait_dma2 semaphore(%run_scoped3A : memref<!tpu.dma_semaphore, #tpu.memory_space<semaphore_mem>>) src(%arg12 : memref<128x64xf32, #tpu.memory_space<vmem>>) dst(%dma_wait3A_231 : memref<128x64xf32, #tpu.memory_space<vmem_shared>>)
      tpu.yield
    }) : () -> ()
    %add3A_21 = arith.constant 256 : i32
    %add3A_22 = arith.addi %mul3A_16, %add3A_21 : i32
    "tpu.region"() ({
      %run_scoped3A = tpu.sem_alloc : memref<!tpu.dma_semaphore, #tpu.memory_space<semaphore_mem>>
      %dma_start3A = arith.constant 0 : i32
      %dma_start3A_226 = tpu.memref_slice %arg6[%add3A_22, %dma_start3A] : memref<25104x64xf32, #tpu.memory_space<vmem_shared>> -> memref<128x64xf32, #tpu.memory_space<vmem_shared>>
      %dma_start3A_227 = arith.constant 0 : i32
      %dma_start3A_228 = tpu.memref_slice %arg6[%add3A_22, %dma_start3A_227] : memref<25104x64xf32, #tpu.memory_space<vmem_shared>> -> memref<128x64xf32, #tpu.memory_space<vmem_shared>>
      tpu.enqueue_dma source(%arg12 : memref<128x64xf32, #tpu.memory_space<vmem>>) target(%dma_start3A_228 : memref<128x64xf32, #tpu.memory_space<vmem_shared>>) target_semaphore(%run_scoped3A : memref<!tpu.dma_semaphore, #tpu.memory_space<semaphore_mem>>)
      %dma_wait3A = arith.constant 0 : i32
      %dma_wait3A_229 = tpu.memref_slice %arg6[%add3A_22, %dma_wait3A] : memref<25104x64xf32, #tpu.memory_space<vmem_shared>> -> memref<128x64xf32, #tpu.memory_space<vmem_shared>>
      %dma_wait3A_230 = arith.constant 0 : i32
      %dma_wait3A_231 = tpu.memref_slice %arg6[%add3A_22, %dma_wait3A_230] : memref<25104x64xf32, #tpu.memory_space<vmem_shared>> -> memref<128x64xf32, #tpu.memory_space<vmem_shared>>
      tpu.wait_dma2 semaphore(%run_scoped3A : memref<!tpu.dma_semaphore, #tpu.memory_space<semaphore_mem>>) src(%arg12 : memref<128x64xf32, #tpu.memory_space<vmem>>) dst(%dma_wait3A_231 : memref<128x64xf32, #tpu.memory_space<vmem_shared>>)
      tpu.yield
    }) : () -> ()
    %add3A_23 = arith.constant 384 : i32
    %add3A_24 = arith.addi %mul3A_16, %add3A_23 : i32
    "tpu.region"() ({
      %run_scoped3A = tpu.sem_alloc : memref<!tpu.dma_semaphore, #tpu.memory_space<semaphore_mem>>
      %dma_start3A = arith.constant 0 : i32
      %dma_start3A_226 = tpu.memref_slice %arg6[%add3A_24, %dma_start3A] : memref<25104x64xf32, #tpu.memory_space<vmem_shared>> -> memref<128x64xf32, #tpu.memory_space<vmem_shared>>
      %dma_start3A_227 = arith.constant 0 : i32
      %dma_start3A_228 = tpu.memref_slice %arg6[%add3A_24, %dma_start3A_227] : memref<25104x64xf32, #tpu.memory_space<vmem_shared>> -> memref<128x64xf32, #tpu.memory_space<vmem_shared>>
      tpu.enqueue_dma source(%arg12 : memref<128x64xf32, #tpu.memory_space<vmem>>) target(%dma_start3A_228 : memref<128x64xf32, #tpu.memory_space<vmem_shared>>) target_semaphore(%run_scoped3A : memref<!tpu.dma_semaphore, #tpu.memory_space<semaphore_mem>>)
      %dma_wait3A = arith.constant 0 : i32
      %dma_wait3A_229 = tpu.memref_slice %arg6[%add3A_24, %dma_wait3A] : memref<25104x64xf32, #tpu.memory_space<vmem_shared>> -> memref<128x64xf32, #tpu.memory_space<vmem_shared>>
      %dma_wait3A_230 = arith.constant 0 : i32
      %dma_wait3A_231 = tpu.memref_slice %arg6[%add3A_24, %dma_wait3A_230] : memref<25104x64xf32, #tpu.memory_space<vmem_shared>> -> memref<128x64xf32, #tpu.memory_space<vmem_shared>>
      tpu.wait_dma2 semaphore(%run_scoped3A : memref<!tpu.dma_semaphore, #tpu.memory_space<semaphore_mem>>) src(%arg12 : memref<128x64xf32, #tpu.memory_space<vmem>>) dst(%dma_wait3A_231 : memref<128x64xf32, #tpu.memory_space<vmem_shared>>)
      tpu.yield
    }) : () -> ()
    %add3A_25 = arith.constant 512 : i32
    %add3A_26 = arith.addi %mul3A_16, %add3A_25 : i32
    "tpu.region"() ({
      %run_scoped3A = tpu.sem_alloc : memref<!tpu.dma_semaphore, #tpu.memory_space<semaphore_mem>>
      %dma_start3A = arith.constant 0 : i32
      %dma_start3A_226 = tpu.memref_slice %arg6[%add3A_26, %dma_start3A] : memref<25104x64xf32, #tpu.memory_space<vmem_shared>> -> memref<128x64xf32, #tpu.memory_space<vmem_shared>>
      %dma_start3A_227 = arith.constant 0 : i32
      %dma_start3A_228 = tpu.memref_slice %arg6[%add3A_26, %dma_start3A_227] : memref<25104x64xf32, #tpu.memory_space<vmem_shared>> -> memref<128x64xf32, #tpu.memory_space<vmem_shared>>
      tpu.enqueue_dma source(%arg12 : memref<128x64xf32, #tpu.memory_space<vmem>>) target(%dma_start3A_228 : memref<128x64xf32, #tpu.memory_space<vmem_shared>>) target_semaphore(%run_scoped3A : memref<!tpu.dma_semaphore, #tpu.memory_space<semaphore_mem>>)
      %dma_wait3A = arith.constant 0 : i32
      %dma_wait3A_229 = tpu.memref_slice %arg6[%add3A_26, %dma_wait3A] : memref<25104x64xf32, #tpu.memory_space<vmem_shared>> -> memref<128x64xf32, #tpu.memory_space<vmem_shared>>
      %dma_wait3A_230 = arith.constant 0 : i32
      %dma_wait3A_231 = tpu.memref_slice %arg6[%add3A_26, %dma_wait3A_230] : memref<25104x64xf32, #tpu.memory_space<vmem_shared>> -> memref<128x64xf32, #tpu.memory_space<vmem_shared>>
      tpu.wait_dma2 semaphore(%run_scoped3A : memref<!tpu.dma_semaphore, #tpu.memory_space<semaphore_mem>>) src(%arg12 : memref<128x64xf32, #tpu.memory_space<vmem>>) dst(%dma_wait3A_231 : memref<128x64xf32, #tpu.memory_space<vmem_shared>>)
      tpu.yield
    }) : () -> ()
    %add3A_27 = arith.constant 640 : i32
    %add3A_28 = arith.addi %mul3A_16, %add3A_27 : i32
    "tpu.region"() ({
      %run_scoped3A = tpu.sem_alloc : memref<!tpu.dma_semaphore, #tpu.memory_space<semaphore_mem>>
      %dma_start3A = arith.constant 0 : i32
      %dma_start3A_226 = tpu.memref_slice %arg6[%add3A_28, %dma_start3A] : memref<25104x64xf32, #tpu.memory_space<vmem_shared>> -> memref<128x64xf32, #tpu.memory_space<vmem_shared>>
      %dma_start3A_227 = arith.constant 0 : i32
      %dma_start3A_228 = tpu.memref_slice %arg6[%add3A_28, %dma_start3A_227] : memref<25104x64xf32, #tpu.memory_space<vmem_shared>> -> memref<128x64xf32, #tpu.memory_space<vmem_shared>>
      tpu.enqueue_dma source(%arg12 : memref<128x64xf32, #tpu.memory_space<vmem>>) target(%dma_start3A_228 : memref<128x64xf32, #tpu.memory_space<vmem_shared>>) target_semaphore(%run_scoped3A : memref<!tpu.dma_semaphore, #tpu.memory_space<semaphore_mem>>)
      %dma_wait3A = arith.constant 0 : i32
      %dma_wait3A_229 = tpu.memref_slice %arg6[%add3A_28, %dma_wait3A] : memref<25104x64xf32, #tpu.memory_space<vmem_shared>> -> memref<128x64xf32, #tpu.memory_space<vmem_shared>>
      %dma_wait3A_230 = arith.constant 0 : i32
      %dma_wait3A_231 = tpu.memref_slice %arg6[%add3A_28, %dma_wait3A_230] : memref<25104x64xf32, #tpu.memory_space<vmem_shared>> -> memref<128x64xf32, #tpu.memory_space<vmem_shared>>
      tpu.wait_dma2 semaphore(%run_scoped3A : memref<!tpu.dma_semaphore, #tpu.memory_space<semaphore_mem>>) src(%arg12 : memref<128x64xf32, #tpu.memory_space<vmem>>) dst(%dma_wait3A_231 : memref<128x64xf32, #tpu.memory_space<vmem_shared>>)
      tpu.yield
    }) : () -> ()
    %add3A_29 = arith.constant 768 : i32
    %add3A_30 = arith.addi %mul3A_16, %add3A_29 : i32
    "tpu.region"() ({
      %run_scoped3A = tpu.sem_alloc : memref<!tpu.dma_semaphore, #tpu.memory_space<semaphore_mem>>
      %dma_start3A = arith.constant 0 : i32
      %dma_start3A_226 = tpu.memref_slice %arg6[%add3A_30, %dma_start3A] : memref<25104x64xf32, #tpu.memory_space<vmem_shared>> -> memref<128x64xf32, #tpu.memory_space<vmem_shared>>
      %dma_start3A_227 = arith.constant 0 : i32
      %dma_start3A_228 = tpu.memref_slice %arg6[%add3A_30, %dma_start3A_227] : memref<25104x64xf32, #tpu.memory_space<vmem_shared>> -> memref<128x64xf32, #tpu.memory_space<vmem_shared>>
      tpu.enqueue_dma source(%arg12 : memref<128x64xf32, #tpu.memory_space<vmem>>) target(%dma_start3A_228 : memref<128x64xf32, #tpu.memory_space<vmem_shared>>) target_semaphore(%run_scoped3A : memref<!tpu.dma_semaphore, #tpu.memory_space<semaphore_mem>>)
      %dma_wait3A = arith.constant 0 : i32
      %dma_wait3A_229 = tpu.memref_slice %arg6[%add3A_30, %dma_wait3A] : memref<25104x64xf32, #tpu.memory_space<vmem_shared>> -> memref<128x64xf32, #tpu.memory_space<vmem_shared>>
      %dma_wait3A_230 = arith.constant 0 : i32
      %dma_wait3A_231 = tpu.memref_slice %arg6[%add3A_30, %dma_wait3A_230] : memref<25104x64xf32, #tpu.memory_space<vmem_shared>> -> memref<128x64xf32, #tpu.memory_space<vmem_shared>>
      tpu.wait_dma2 semaphore(%run_scoped3A : memref<!tpu.dma_semaphore, #tpu.memory_space<semaphore_mem>>) src(%arg12 : memref<128x64xf32, #tpu.memory_space<vmem>>) dst(%dma_wait3A_231 : memref<128x64xf32, #tpu.memory_space<vmem_shared>>)
      tpu.yield
    }) : () -> ()
    %add3A_31 = arith.constant 896 : i32
    %add3A_32 = arith.addi %mul3A_16, %add3A_31 : i32
    "tpu.region"() ({
      %run_scoped3A = tpu.sem_alloc : memref<!tpu.dma_semaphore, #tpu.memory_space<semaphore_mem>>
      %dma_start3A = arith.constant 0 : i32
      %dma_start3A_226 = tpu.memref_slice %arg6[%add3A_32, %dma_start3A] : memref<25104x64xf32, #tpu.memory_space<vmem_shared>> -> memref<128x64xf32, #tpu.memory_space<vmem_shared>>
      %dma_start3A_227 = arith.constant 0 : i32
      %dma_start3A_228 = tpu.memref_slice %arg6[%add3A_32, %dma_start3A_227] : memref<25104x64xf32, #tpu.memory_space<vmem_shared>> -> memref<128x64xf32, #tpu.memory_space<vmem_shared>>
      tpu.enqueue_dma source(%arg12 : memref<128x64xf32, #tpu.memory_space<vmem>>) target(%dma_start3A_228 : memref<128x64xf32, #tpu.memory_space<vmem_shared>>) target_semaphore(%run_scoped3A : memref<!tpu.dma_semaphore, #tpu.memory_space<semaphore_mem>>)
      %dma_wait3A = arith.constant 0 : i32
      %dma_wait3A_229 = tpu.memref_slice %arg6[%add3A_32, %dma_wait3A] : memref<25104x64xf32, #tpu.memory_space<vmem_shared>> -> memref<128x64xf32, #tpu.memory_space<vmem_shared>>
      %dma_wait3A_230 = arith.constant 0 : i32
      %dma_wait3A_231 = tpu.memref_slice %arg6[%add3A_32, %dma_wait3A_230] : memref<25104x64xf32, #tpu.memory_space<vmem_shared>> -> memref<128x64xf32, #tpu.memory_space<vmem_shared>>
      tpu.wait_dma2 semaphore(%run_scoped3A : memref<!tpu.dma_semaphore, #tpu.memory_space<semaphore_mem>>) src(%arg12 : memref<128x64xf32, #tpu.memory_space<vmem>>) dst(%dma_wait3A_231 : memref<128x64xf32, #tpu.memory_space<vmem_shared>>)
      tpu.yield
    }) : () -> ()
    %add3A_33 = arith.constant 1024 : i32
    %add3A_34 = arith.addi %mul3A_16, %add3A_33 : i32
    "tpu.region"() ({
      %run_scoped3A = tpu.sem_alloc : memref<!tpu.dma_semaphore, #tpu.memory_space<semaphore_mem>>
      %dma_start3A = arith.constant 0 : i32
      %dma_start3A_226 = tpu.memref_slice %arg6[%add3A_34, %dma_start3A] : memref<25104x64xf32, #tpu.memory_space<vmem_shared>> -> memref<128x64xf32, #tpu.memory_space<vmem_shared>>
      %dma_start3A_227 = arith.constant 0 : i32
      %dma_start3A_228 = tpu.memref_slice %arg6[%add3A_34, %dma_start3A_227] : memref<25104x64xf32, #tpu.memory_space<vmem_shared>> -> memref<128x64xf32, #tpu.memory_space<vmem_shared>>
      tpu.enqueue_dma source(%arg12 : memref<128x64xf32, #tpu.memory_space<vmem>>) target(%dma_start3A_228 : memref<128x64xf32, #tpu.memory_space<vmem_shared>>) target_semaphore(%run_scoped3A : memref<!tpu.dma_semaphore, #tpu.memory_space<semaphore_mem>>)
      %dma_wait3A = arith.constant 0 : i32
      %dma_wait3A_229 = tpu.memref_slice %arg6[%add3A_34, %dma_wait3A] : memref<25104x64xf32, #tpu.memory_space<vmem_shared>> -> memref<128x64xf32, #tpu.memory_space<vmem_shared>>
      %dma_wait3A_230 = arith.constant 0 : i32
      %dma_wait3A_231 = tpu.memref_slice %arg6[%add3A_34, %dma_wait3A_230] : memref<25104x64xf32, #tpu.memory_space<vmem_shared>> -> memref<128x64xf32, #tpu.memory_space<vmem_shared>>
      tpu.wait_dma2 semaphore(%run_scoped3A : memref<!tpu.dma_semaphore, #tpu.memory_space<semaphore_mem>>) src(%arg12 : memref<128x64xf32, #tpu.memory_space<vmem>>) dst(%dma_wait3A_231 : memref<128x64xf32, #tpu.memory_space<vmem_shared>>)
      tpu.yield
    }) : () -> ()
    %add3A_35 = arith.constant 1152 : i32
    %add3A_36 = arith.addi %mul3A_16, %add3A_35 : i32
    "tpu.region"() ({
      %run_scoped3A = tpu.sem_alloc : memref<!tpu.dma_semaphore, #tpu.memory_space<semaphore_mem>>
      %dma_start3A = arith.constant 0 : i32
      %dma_start3A_226 = tpu.memref_slice %arg6[%add3A_36, %dma_start3A] : memref<25104x64xf32, #tpu.memory_space<vmem_shared>> -> memref<128x64xf32, #tpu.memory_space<vmem_shared>>
      %dma_start3A_227 = arith.constant 0 : i32
      %dma_start3A_228 = tpu.memref_slice %arg6[%add3A_36, %dma_start3A_227] : memref<25104x64xf32, #tpu.memory_space<vmem_shared>> -> memref<128x64xf32, #tpu.memory_space<vmem_shared>>
      tpu.enqueue_dma source(%arg12 : memref<128x64xf32, #tpu.memory_space<vmem>>) target(%dma_start3A_228 : memref<128x64xf32, #tpu.memory_space<vmem_shared>>) target_semaphore(%run_scoped3A : memref<!tpu.dma_semaphore, #tpu.memory_space<semaphore_mem>>)
      %dma_wait3A = arith.constant 0 : i32
      %dma_wait3A_229 = tpu.memref_slice %arg6[%add3A_36, %dma_wait3A] : memref<25104x64xf32, #tpu.memory_space<vmem_shared>> -> memref<128x64xf32, #tpu.memory_space<vmem_shared>>
      %dma_wait3A_230 = arith.constant 0 : i32
      %dma_wait3A_231 = tpu.memref_slice %arg6[%add3A_36, %dma_wait3A_230] : memref<25104x64xf32, #tpu.memory_space<vmem_shared>> -> memref<128x64xf32, #tpu.memory_space<vmem_shared>>
      tpu.wait_dma2 semaphore(%run_scoped3A : memref<!tpu.dma_semaphore, #tpu.memory_space<semaphore_mem>>) src(%arg12 : memref<128x64xf32, #tpu.memory_space<vmem>>) dst(%dma_wait3A_231 : memref<128x64xf32, #tpu.memory_space<vmem_shared>>)
      tpu.yield
    }) : () -> ()
    %add3A_37 = arith.constant 1280 : i32
    %add3A_38 = arith.addi %mul3A_16, %add3A_37 : i32
    "tpu.region"() ({
      %run_scoped3A = tpu.sem_alloc : memref<!tpu.dma_semaphore, #tpu.memory_space<semaphore_mem>>
      %dma_start3A = arith.constant 0 : i32
      %dma_start3A_226 = tpu.memref_slice %arg6[%add3A_38, %dma_start3A] : memref<25104x64xf32, #tpu.memory_space<vmem_shared>> -> memref<128x64xf32, #tpu.memory_space<vmem_shared>>
      %dma_start3A_227 = arith.constant 0 : i32
      %dma_start3A_228 = tpu.memref_slice %arg6[%add3A_38, %dma_start3A_227] : memref<25104x64xf32, #tpu.memory_space<vmem_shared>> -> memref<128x64xf32, #tpu.memory_space<vmem_shared>>
      tpu.enqueue_dma source(%arg12 : memref<128x64xf32, #tpu.memory_space<vmem>>) target(%dma_start3A_228 : memref<128x64xf32, #tpu.memory_space<vmem_shared>>) target_semaphore(%run_scoped3A : memref<!tpu.dma_semaphore, #tpu.memory_space<semaphore_mem>>)
      %dma_wait3A = arith.constant 0 : i32
      %dma_wait3A_229 = tpu.memref_slice %arg6[%add3A_38, %dma_wait3A] : memref<25104x64xf32, #tpu.memory_space<vmem_shared>> -> memref<128x64xf32, #tpu.memory_space<vmem_shared>>
      %dma_wait3A_230 = arith.constant 0 : i32
      %dma_wait3A_231 = tpu.memref_slice %arg6[%add3A_38, %dma_wait3A_230] : memref<25104x64xf32, #tpu.memory_space<vmem_shared>> -> memref<128x64xf32, #tpu.memory_space<vmem_shared>>
      tpu.wait_dma2 semaphore(%run_scoped3A : memref<!tpu.dma_semaphore, #tpu.memory_space<semaphore_mem>>) src(%arg12 : memref<128x64xf32, #tpu.memory_space<vmem>>) dst(%dma_wait3A_231 : memref<128x64xf32, #tpu.memory_space<vmem_shared>>)
      tpu.yield
    }) : () -> ()
    %add3A_39 = arith.constant 1408 : i32
    %add3A_40 = arith.addi %mul3A_16, %add3A_39 : i32
    "tpu.region"() ({
      %run_scoped3A = tpu.sem_alloc : memref<!tpu.dma_semaphore, #tpu.memory_space<semaphore_mem>>
      %dma_start3A = arith.constant 0 : i32
      %dma_start3A_226 = tpu.memref_slice %arg6[%add3A_40, %dma_start3A] : memref<25104x64xf32, #tpu.memory_space<vmem_shared>> -> memref<128x64xf32, #tpu.memory_space<vmem_shared>>
      %dma_start3A_227 = arith.constant 0 : i32
      %dma_start3A_228 = tpu.memref_slice %arg6[%add3A_40, %dma_start3A_227] : memref<25104x64xf32, #tpu.memory_space<vmem_shared>> -> memref<128x64xf32, #tpu.memory_space<vmem_shared>>
      tpu.enqueue_dma source(%arg12 : memref<128x64xf32, #tpu.memory_space<vmem>>) target(%dma_start3A_228 : memref<128x64xf32, #tpu.memory_space<vmem_shared>>) target_semaphore(%run_scoped3A : memref<!tpu.dma_semaphore, #tpu.memory_space<semaphore_mem>>)
      %dma_wait3A = arith.constant 0 : i32
      %dma_wait3A_229 = tpu.memref_slice %arg6[%add3A_40, %dma_wait3A] : memref<25104x64xf32, #tpu.memory_space<vmem_shared>> -> memref<128x64xf32, #tpu.memory_space<vmem_shared>>
      %dma_wait3A_230 = arith.constant 0 : i32
      %dma_wait3A_231 = tpu.memref_slice %arg6[%add3A_40, %dma_wait3A_230] : memref<25104x64xf32, #tpu.memory_space<vmem_shared>> -> memref<128x64xf32, #tpu.memory_space<vmem_shared>>
      tpu.wait_dma2 semaphore(%run_scoped3A : memref<!tpu.dma_semaphore, #tpu.memory_space<semaphore_mem>>) src(%arg12 : memref<128x64xf32, #tpu.memory_space<vmem>>) dst(%dma_wait3A_231 : memref<128x64xf32, #tpu.memory_space<vmem_shared>>)
      tpu.yield
    }) : () -> ()
    %add3A_41 = arith.constant 1568 : i32
    %add3A_42 = arith.addi %mul3A_16, %add3A_41 : i32
    %sub3A = arith.constant 32 : i32
    %sub3A_43 = arith.subi %add3A_42, %sub3A : i32
    "tpu.region"() ({
      %run_scoped3A = tpu.sem_alloc : memref<!tpu.dma_semaphore, #tpu.memory_space<semaphore_mem>>
      %dma_start3A = arith.constant 0 : i32
      %dma_start3A_226 = arith.constant 0 : i32
      %dma_start3A_227 = tpu.memref_slice %arg12[%dma_start3A, %dma_start3A_226] : memref<128x64xf32, #tpu.memory_space<vmem>> -> memref<32x64xf32, #tpu.memory_space<vmem>>
      %dma_start3A_228 = arith.constant 0 : i32
      %dma_start3A_229 = tpu.memref_slice %arg6[%sub3A_43, %dma_start3A_228] : memref<25104x64xf32, #tpu.memory_space<vmem_shared>> -> memref<32x64xf32, #tpu.memory_space<vmem_shared>>
      %dma_start3A_230 = arith.constant 0 : i32
      %dma_start3A_231 = tpu.memref_slice %arg6[%sub3A_43, %dma_start3A_230] : memref<25104x64xf32, #tpu.memory_space<vmem_shared>> -> memref<32x64xf32, #tpu.memory_space<vmem_shared>>
      %dma_start3A_232 = arith.constant 0 : i32
      %dma_start3A_233 = arith.constant 0 : i32
      %dma_start3A_234 = tpu.memref_slice %arg12[%dma_start3A_232, %dma_start3A_233] : memref<128x64xf32, #tpu.memory_space<vmem>> -> memref<32x64xf32, #tpu.memory_space<vmem>>
      tpu.enqueue_dma source(%dma_start3A_234 : memref<32x64xf32, #tpu.memory_space<vmem>>) target(%dma_start3A_231 : memref<32x64xf32, #tpu.memory_space<vmem_shared>>) target_semaphore(%run_scoped3A : memref<!tpu.dma_semaphore, #tpu.memory_space<semaphore_mem>>)
      %dma_wait3A = arith.constant 0 : i32
      %dma_wait3A_235 = arith.constant 0 : i32
      %dma_wait3A_236 = tpu.memref_slice %arg12[%dma_wait3A, %dma_wait3A_235] : memref<128x64xf32, #tpu.memory_space<vmem>> -> memref<32x64xf32, #tpu.memory_space<vmem>>
      %dma_wait3A_237 = arith.constant 0 : i32
      %dma_wait3A_238 = tpu.memref_slice %arg6[%sub3A_43, %dma_wait3A_237] : memref<25104x64xf32, #tpu.memory_space<vmem_shared>> -> memref<32x64xf32, #tpu.memory_space<vmem_shared>>
      %dma_wait3A_239 = arith.constant 0 : i32
      %dma_wait3A_240 = tpu.memref_slice %arg6[%sub3A_43, %dma_wait3A_239] : memref<25104x64xf32, #tpu.memory_space<vmem_shared>> -> memref<32x64xf32, #tpu.memory_space<vmem_shared>>
      %dma_wait3A_241 = arith.constant 0 : i32
      %dma_wait3A_242 = arith.constant 0 : i32
      %dma_wait3A_243 = tpu.memref_slice %arg12[%dma_wait3A_241, %dma_wait3A_242] : memref<128x64xf32, #tpu.memory_space<vmem>> -> memref<32x64xf32, #tpu.memory_space<vmem>>
      tpu.wait_dma2 semaphore(%run_scoped3A : memref<!tpu.dma_semaphore, #tpu.memory_space<semaphore_mem>>) src(%dma_wait3A_243 : memref<32x64xf32, #tpu.memory_space<vmem>>) dst(%dma_wait3A_240 : memref<32x64xf32, #tpu.memory_space<vmem_shared>>)
      tpu.yield
    }) : () -> ()
    %barrier3A = arith.constant 0 : index
    tpu.barrier barrier_id(%barrier3A)
    %scan3A_44 = arith.constant 0 : i32
    %scan3A_45 = arith.constant 0 : i32
    %scan3A_46 = arith.constant 50 : i32
    %scan3A_47 = arith.addi %scan3A_45, %scan3A_46 : i32
    %scan3A_48 = arith.constant 1 : i32
    %scan3A_49 = scf.for %scan3A_226 = %scan3A_45 to %scan3A_47 step %scan3A_48 iter_args(%scan3A_227 = %scan3A_44) -> (i32)  : i32 {
      %mul3A_228 = arith.constant 100000 : i32
      %mul3A_229 = arith.muli %arg1, %mul3A_228 : i32
      %mul3A_230 = arith.constant 2000 : i32
      %mul3A_231 = arith.muli %scan3A_226, %mul3A_230 : i32
      %add3A_232 = arith.addi %mul3A_229, %mul3A_231 : i32
      "tpu.region"() ({
        %run_scoped3A = tpu.sem_alloc : memref<!tpu.dma_semaphore, #tpu.memory_space<semaphore_mem>>
        %dma_start3A = tpu.memref_slice %arg3[%add3A_232] : memref<1600000xi32, #tpu.memory_space<hbm>> -> memref<2000xi32, #tpu.memory_space<hbm>>
        %dma_start3A_364 = tpu.memref_slice %arg3[%add3A_232] : memref<1600000xi32, #tpu.memory_space<hbm>> -> memref<2000xi32, #tpu.memory_space<hbm>>
        tpu.enqueue_dma source(%dma_start3A_364 : memref<2000xi32, #tpu.memory_space<hbm>>) target(%arg7 : memref<2000xi32, #tpu.memory_space<vmem>>) target_semaphore(%run_scoped3A : memref<!tpu.dma_semaphore, #tpu.memory_space<semaphore_mem>>)
        %dma_wait3A = tpu.memref_slice %arg3[%add3A_232] : memref<1600000xi32, #tpu.memory_space<hbm>> -> memref<2000xi32, #tpu.memory_space<hbm>>
        %dma_wait3A_365 = tpu.memref_slice %arg3[%add3A_232] : memref<1600000xi32, #tpu.memory_space<hbm>> -> memref<2000xi32, #tpu.memory_space<hbm>>
        tpu.wait_dma2 semaphore(%run_scoped3A : memref<!tpu.dma_semaphore, #tpu.memory_space<semaphore_mem>>) src(%dma_wait3A_365 : memref<2000xi32, #tpu.memory_space<hbm>>) dst(%arg7 : memref<2000xi32, #tpu.memory_space<vmem>>)
        tpu.yield
      }) : () -> ()
      "tpu.region"() ({
        %run_scoped3A = tpu.sem_alloc : memref<!tpu.dma_semaphore, #tpu.memory_space<semaphore_mem>>
        %dma_start3A = tpu.memref_slice %arg4[%add3A_232] : memref<1600000xi32, #tpu.memory_space<hbm>> -> memref<2000xi32, #tpu.memory_space<hbm>>
        %dma_start3A_364 = tpu.memref_slice %arg4[%add3A_232] : memref<1600000xi32, #tpu.memory_space<hbm>> -> memref<2000xi32, #tpu.memory_space<hbm>>
        tpu.enqueue_dma source(%dma_start3A_364 : memref<2000xi32, #tpu.memory_space<hbm>>) target(%arg8 : memref<2000xi32, #tpu.memory_space<vmem>>) target_semaphore(%run_scoped3A : memref<!tpu.dma_semaphore, #tpu.memory_space<semaphore_mem>>)
        %dma_wait3A = tpu.memref_slice %arg4[%add3A_232] : memref<1600000xi32, #tpu.memory_space<hbm>> -> memref<2000xi32, #tpu.memory_space<hbm>>
        %dma_wait3A_365 = tpu.memref_slice %arg4[%add3A_232] : memref<1600000xi32, #tpu.memory_space<hbm>> -> memref<2000xi32, #tpu.memory_space<hbm>>
        tpu.wait_dma2 semaphore(%run_scoped3A : memref<!tpu.dma_semaphore, #tpu.memory_space<semaphore_mem>>) src(%dma_wait3A_365 : memref<2000xi32, #tpu.memory_space<hbm>>) dst(%arg8 : memref<2000xi32, #tpu.memory_space<vmem>>)
        tpu.yield
      }) : () -> ()
      %scan3A_233 = arith.constant 0 : i32
      %scan3A_234 = arith.constant 0 : i32
      %scan3A_235 = arith.constant 125 : i32
      %scan3A_236 = arith.addi %scan3A_234, %scan3A_235 : i32
      %scan3A_237 = arith.constant 1 : i32
      %scan3A_238 = scf.for %scan3A_364 = %scan3A_234 to %scan3A_236 step %scan3A_237 iter_args(%scan3A_365 = %scan3A_233) -> (i32)  : i32 {
        %mul3A_366 = arith.constant 16 : i32
        %mul3A_367 = arith.muli %scan3A_364, %mul3A_366 : i32
        %get3A = arith.index_cast %mul3A_367 : i32 to index
        %get3A_368 = tpu.vector_load %arg8[%get3A] {strides = array<i32>} : memref<2000xi32, #tpu.memory_space<vmem>>, vector<16xi32>,
        %mul3A_369 = arith.constant 16 : i32
        %mul3A_370 = arith.muli %scan3A_364, %mul3A_369 : i32
        %get3A_371 = arith.index_cast %mul3A_370 : i32 to index
        %get3A_372 = tpu.vector_load %arg7[%get3A_371] {strides = array<i32>} : memref<2000xi32, #tpu.memory_space<vmem>>, vector<16xi32>,
        %ge3A = vector.broadcast %mul3A_8 : i32 to vector<16xi32>
        %ge3A_373 = arith.cmpi sge, %get3A_368, %ge3A : vector<16xi32>
        %add3A_374 = arith.constant 25088 : i32
        %add3A_375 = arith.addi %mul3A_8, %add3A_374 : i32
        %lt3A = vector.broadcast %add3A_375 : i32 to vector<16xi32>
        %lt3A_376 = arith.cmpi slt, %get3A_368, %lt3A : vector<16xi32>
        %and3A_377 = arith.andi %ge3A_373, %lt3A_376 : vector<16xi1>
        %convert_element_type3A_378 = arith.extui %and3A_377 : vector<16xi1> to vector<16xi32>
        %broadcast_in_dim3A_379 = arith.constant true
        %broadcast_in_dim3A_380 = vector.broadcast %broadcast_in_dim3A_379 : i1 to vector<16xi1>
        %masked_cumsum3A = tpu.scan <sum>, %convert_element_type3A_378 masked %broadcast_in_dim3A_380 : vector<16xi32>, vector<16xi1> -> vector<16xi32>
        %add3A_381 = vector.broadcast %scan3A_365 : i32 to vector<16xi32>
        %add3A_382 = arith.addi %add3A_381, %masked_cumsum3A : vector<16xi32>
        %sub3A_383 = arith.constant 1 : i32
        %sub3A_384 = vector.broadcast %sub3A_383 : i32 to vector<16xi32>
        %sub3A_385 = arith.subi %add3A_382, %sub3A_384 : vector<16xi32>
        %jit3A_386 = arith.constant 2128 : i32
        %broadcast_in_dim3A_387 = vector.broadcast %jit3A_386 : i32 to vector<16xi32>
        %select_n3A_388 = arith.select %and3A_377, %sub3A_385, %broadcast_in_dim3A_387 : vector<16xi1>, vector<16xi32>
        %sub3A_389 = vector.broadcast %mul3A_8 : i32 to vector<16xi32>
        %sub3A_390 = arith.subi %get3A_368, %sub3A_389 : vector<16xi32>
        tpu.vector_store_idx %arg10[%select_n3A_388], %sub3A_390 : memref<2144xi32, #tpu.memory_space<vmem>>[vector<16xi32>], vector<16xi32>,
        tpu.vector_store_idx %arg9[%select_n3A_388], %get3A_372 : memref<2144xi32, #tpu.memory_space<vmem>>[vector<16xi32>], vector<16xi32>,
        %slice3A = vector.extract_strided_slice %masked_cumsum3A {offsets = [15], sizes = [1], strides = [1]} : vector<16xi32> to vector<1xi32>
        %squeeze3A = vector.extract %slice3A[0] : i32 from vector<1xi32>
        %add3A_391 = arith.addi %scan3A_365, %squeeze3A : i32
        scf.yield %add3A_391 : i32
      }
      %scan3A_239 = arith.constant 125 : i32
      %add3A_240 = arith.constant 0 : i32
      %add3A_241 = arith.addi %scan3A_238, %add3A_240 : i32
      %swap3A = arith.index_cast %add3A_241 : i32 to index
      %swap3A_242 = tpu.vector_load %arg10[%swap3A] {strides = array<i32>} : memref<2144xi32, #tpu.memory_space<vmem>>, vector<16xi32>,
      tpu.vector_store %arg10[%swap3A], %broadcast_in_dim3A_2 {strides = array<i32>} : memref<2144xi32, #tpu.memory_space<vmem>>, vector<16xi32>,
      %add3A_243 = arith.constant 0 : i32
      %add3A_244 = arith.addi %scan3A_238, %add3A_243 : i32
      %swap3A_245 = arith.index_cast %add3A_244 : i32 to index
      %swap3A_246 = tpu.vector_load %arg9[%swap3A_245] {strides = array<i32>} : memref<2144xi32, #tpu.memory_space<vmem>>, vector<16xi32>,
      tpu.vector_store %arg9[%swap3A_245], %broadcast_in_dim3A_4 {strides = array<i32>} : memref<2144xi32, #tpu.memory_space<vmem>>, vector<16xi32>,
      %add3A_247 = arith.constant 16 : i32
      %add3A_248 = arith.addi %scan3A_238, %add3A_247 : i32
      %swap3A_249 = arith.index_cast %add3A_248 : i32 to index
      %swap3A_250 = tpu.vector_load %arg10[%swap3A_249] {strides = array<i32>} : memref<2144xi32, #tpu.memory_space<vmem>>, vector<16xi32>,
      tpu.vector_store %arg10[%swap3A_249], %broadcast_in_dim3A_2 {strides = array<i32>} : memref<2144xi32, #tpu.memory_space<vmem>>, vector<16xi32>,
      %add3A_251 = arith.constant 16 : i32
      %add3A_252 = arith.addi %scan3A_238, %add3A_251 : i32
      %swap3A_253 = arith.index_cast %add3A_252 : i32 to index
      %swap3A_254 = tpu.vector_load %arg9[%swap3A_253] {strides = array<i32>} : memref<2144xi32, #tpu.memory_space<vmem>>, vector<16xi32>,
      tpu.vector_store %arg9[%swap3A_253], %broadcast_in_dim3A_4 {strides = array<i32>} : memref<2144xi32, #tpu.memory_space<vmem>>, vector<16xi32>,
      %add3A_255 = arith.constant 32 : i32
      %add3A_256 = arith.addi %scan3A_238, %add3A_255 : i32
      %swap3A_257 = arith.index_cast %add3A_256 : i32 to index
      %swap3A_258 = tpu.vector_load %arg10[%swap3A_257] {strides = array<i32>} : memref<2144xi32, #tpu.memory_space<vmem>>, vector<16xi32>,
      tpu.vector_store %arg10[%swap3A_257], %broadcast_in_dim3A_2 {strides = array<i32>} : memref<2144xi32, #tpu.memory_space<vmem>>, vector<16xi32>,
      %add3A_259 = arith.constant 32 : i32
      %add3A_260 = arith.addi %scan3A_238, %add3A_259 : i32
      %swap3A_261 = arith.index_cast %add3A_260 : i32 to index
      %swap3A_262 = tpu.vector_load %arg9[%swap3A_261] {strides = array<i32>} : memref<2144xi32, #tpu.memory_space<vmem>>, vector<16xi32>,
      tpu.vector_store %arg9[%swap3A_261], %broadcast_in_dim3A_4 {strides = array<i32>} : memref<2144xi32, #tpu.memory_space<vmem>>, vector<16xi32>,
      %add3A_263 = arith.constant 48 : i32
      %add3A_264 = arith.addi %scan3A_238, %add3A_263 : i32
      %swap3A_265 = arith.index_cast %add3A_264 : i32 to index
      %swap3A_266 = tpu.vector_load %arg10[%swap3A_265] {strides = array<i32>} : memref<2144xi32, #tpu.memory_space<vmem>>, vector<16xi32>,
      tpu.vector_store %arg10[%swap3A_265], %broadcast_in_dim3A_2 {strides = array<i32>} : memref<2144xi32, #tpu.memory_space<vmem>>, vector<16xi32>,
      %add3A_267 = arith.constant 48 : i32
      %add3A_268 = arith.addi %scan3A_238, %add3A_267 : i32
      %swap3A_269 = arith.index_cast %add3A_268 : i32 to index
      %swap3A_270 = tpu.vector_load %arg9[%swap3A_269] {strides = array<i32>} : memref<2144xi32, #tpu.memory_space<vmem>>, vector<16xi32>,
      tpu.vector_store %arg9[%swap3A_269], %broadcast_in_dim3A_4 {strides = array<i32>} : memref<2144xi32, #tpu.memory_space<vmem>>, vector<16xi32>,
      %add3A_271 = arith.constant 64 : i32
      %add3A_272 = arith.addi %scan3A_238, %add3A_271 : i32
      %swap3A_273 = arith.index_cast %add3A_272 : i32 to index
      %swap3A_274 = tpu.vector_load %arg10[%swap3A_273] {strides = array<i32>} : memref<2144xi32, #tpu.memory_space<vmem>>, vector<16xi32>,
      tpu.vector_store %arg10[%swap3A_273], %broadcast_in_dim3A_2 {strides = array<i32>} : memref<2144xi32, #tpu.memory_space<vmem>>, vector<16xi32>,
      %add3A_275 = arith.constant 64 : i32
      %add3A_276 = arith.addi %scan3A_238, %add3A_275 : i32
      %swap3A_277 = arith.index_cast %add3A_276 : i32 to index
      %swap3A_278 = tpu.vector_load %arg9[%swap3A_277] {strides = array<i32>} : memref<2144xi32, #tpu.memory_space<vmem>>, vector<16xi32>,
      tpu.vector_store %arg9[%swap3A_277], %broadcast_in_dim3A_4 {strides = array<i32>} : memref<2144xi32, #tpu.memory_space<vmem>>, vector<16xi32>,
      %add3A_279 = arith.constant 80 : i32
      %add3A_280 = arith.addi %scan3A_238, %add3A_279 : i32
      %swap3A_281 = arith.index_cast %add3A_280 : i32 to index
      %swap3A_282 = tpu.vector_load %arg10[%swap3A_281] {strides = array<i32>} : memref<2144xi32, #tpu.memory_space<vmem>>, vector<16xi32>,
      tpu.vector_store %arg10[%swap3A_281], %broadcast_in_dim3A_2 {strides = array<i32>} : memref<2144xi32, #tpu.memory_space<vmem>>, vector<16xi32>,
      %add3A_283 = arith.constant 80 : i32
      %add3A_284 = arith.addi %scan3A_238, %add3A_283 : i32
      %swap3A_285 = arith.index_cast %add3A_284 : i32 to index
      %swap3A_286 = tpu.vector_load %arg9[%swap3A_285] {strides = array<i32>} : memref<2144xi32, #tpu.memory_space<vmem>>, vector<16xi32>,
      tpu.vector_store %arg9[%swap3A_285], %broadcast_in_dim3A_4 {strides = array<i32>} : memref<2144xi32, #tpu.memory_space<vmem>>, vector<16xi32>,
      %add3A_287 = arith.constant 96 : i32
      %add3A_288 = arith.addi %scan3A_238, %add3A_287 : i32
      %swap3A_289 = arith.index_cast %add3A_288 : i32 to index
      %swap3A_290 = tpu.vector_load %arg10[%swap3A_289] {strides = array<i32>} : memref<2144xi32, #tpu.memory_space<vmem>>, vector<16xi32>,
      tpu.vector_store %arg10[%swap3A_289], %broadcast_in_dim3A_2 {strides = array<i32>} : memref<2144xi32, #tpu.memory_space<vmem>>, vector<16xi32>,
      %add3A_291 = arith.constant 96 : i32
      %add3A_292 = arith.addi %scan3A_238, %add3A_291 : i32
      %swap3A_293 = arith.index_cast %add3A_292 : i32 to index
      %swap3A_294 = tpu.vector_load %arg9[%swap3A_293] {strides = array<i32>} : memref<2144xi32, #tpu.memory_space<vmem>>, vector<16xi32>,
      tpu.vector_store %arg9[%swap3A_293], %broadcast_in_dim3A_4 {strides = array<i32>} : memref<2144xi32, #tpu.memory_space<vmem>>, vector<16xi32>,
      %add3A_295 = arith.constant 112 : i32
      %add3A_296 = arith.addi %scan3A_238, %add3A_295 : i32
      %swap3A_297 = arith.index_cast %add3A_296 : i32 to index
      %swap3A_298 = tpu.vector_load %arg10[%swap3A_297] {strides = array<i32>} : memref<2144xi32, #tpu.memory_space<vmem>>, vector<16xi32>,
      tpu.vector_store %arg10[%swap3A_297], %broadcast_in_dim3A_2 {strides = array<i32>} : memref<2144xi32, #tpu.memory_space<vmem>>, vector<16xi32>,
      %add3A_299 = arith.constant 112 : i32
      %add3A_300 = arith.addi %scan3A_238, %add3A_299 : i32
      %swap3A_301 = arith.index_cast %add3A_300 : i32 to index
      %swap3A_302 = tpu.vector_load %arg9[%swap3A_301] {strides = array<i32>} : memref<2144xi32, #tpu.memory_space<vmem>>, vector<16xi32>,
      tpu.vector_store %arg9[%swap3A_301], %broadcast_in_dim3A_4 {strides = array<i32>} : memref<2144xi32, #tpu.memory_space<vmem>>, vector<16xi32>,
      %add3A_303 = arith.constant 128 : i32
      %add3A_304 = arith.addi %scan3A_238, %add3A_303 : i32
      %sub3A_305 = arith.constant 1 : i32
      %sub3A_306 = arith.subi %add3A_304, %sub3A_305 : i32
      %jit3A = arith.constant 128 : i32
      %div3A = arith.divsi %sub3A_306, %jit3A : i32
      %sign3A = arith.constant 0 : i32
      %sign3A_307 = arith.cmpi sgt, %sub3A_306, %sign3A : i32
      %sign3A_308 = arith.extui %sign3A_307 : i1 to i32
      %sign3A_309 = arith.constant 0 : i32
      %sign3A_310 = arith.cmpi slt, %sub3A_306, %sign3A_309 : i32
      %sign3A_311 = arith.extui %sign3A_310 : i1 to i32
      %sign3A_312 = arith.subi %sign3A_308, %sign3A_311 : i32
      %sign3A_313 = arith.constant 0 : i32
      %sign3A_314 = arith.cmpi sgt, %jit3A, %sign3A_313 : i32
      %sign3A_315 = arith.extui %sign3A_314 : i1 to i32
      %sign3A_316 = arith.constant 0 : i32
      %sign3A_317 = arith.cmpi slt, %jit3A, %sign3A_316 : i32
      %sign3A_318 = arith.extui %sign3A_317 : i1 to i32
      %sign3A_319 = arith.subi %sign3A_315, %sign3A_318 : i32
      %ne3A = arith.cmpi ne, %sign3A_312, %sign3A_319 : i32
      %rem3A = arith.remsi %sub3A_306, %jit3A : i32
      %ne3A_320 = arith.constant 0 : i32
      %ne3A_321 = arith.cmpi ne, %rem3A, %ne3A_320 : i32
      %and3A = arith.andi %ne3A, %ne3A_321 : i1
      %sub3A_322 = arith.constant 1 : i32
      %sub3A_323 = arith.subi %div3A, %sub3A_322 : i32
      %select_n3A = arith.select %and3A, %sub3A_323, %div3A : i32
      %gt3A = arith.constant 0 : i32
      %gt3A_324 = arith.cmpi sgt, %select_n3A, %gt3A : i32
      %convert_element_type3A = arith.extui %gt3A_324 : i1 to i32
      %cond3A = arith.constant 0 : i32
      %cond3A_325 = arith.cmpi ne, %convert_element_type3A, %cond3A : i32
      scf.if %cond3A_325 {
        %dma_start3A = arith.constant 0 : i32
        %dma_start3A_364 = tpu.memref_slice %arg9[%dma_start3A] : memref<2144xi32, #tpu.memory_space<vmem>> -> memref<128xi32, #tpu.memory_space<vmem>>
        %dma_start3A_365 = arith.constant 0 : i32
        %dma_start3A_366 = arith.constant 0 : i32
        %dma_start3A_367 = tpu.memref_slice %arg2[%dma_start3A_365, %dma_start3A_366] : memref<100352x64xf32, #tpu.memory_space<hbm>> -> memref<100352x64xf32, #tpu.memory_space<hbm>>
        tpu.enqueue_indirect_dma source(%dma_start3A_367 : memref<100352x64xf32, #tpu.memory_space<hbm>>) target(%arg12 : memref<128x64xf32, #tpu.memory_space<vmem>>) offsets(%dma_start3A_364 : memref<128xi32, #tpu.memory_space<vmem>>) semaphore(%arg14 : memref<!tpu.dma_semaphore, #tpu.memory_space<semaphore_mem>>)
      } else {
      }
      %add3A_326 = arith.constant 1 : i32
      %add3A_327 = arith.addi %select_n3A, %add3A_326 : i32
      %jit3A_328 = arith.constant 2 : i32
      %div3A_329 = arith.divsi %add3A_327, %jit3A_328 : i32
      %sign3A_330 = arith.constant 0 : i32
      %sign3A_331 = arith.cmpi sgt, %add3A_327, %sign3A_330 : i32
      %sign3A_332 = arith.extui %sign3A_331 : i1 to i32
      %sign3A_333 = arith.constant 0 : i32
      %sign3A_334 = arith.cmpi slt, %add3A_327, %sign3A_333 : i32
      %sign3A_335 = arith.extui %sign3A_334 : i1 to i32
      %sign3A_336 = arith.subi %sign3A_332, %sign3A_335 : i32
      %sign3A_337 = arith.constant 0 : i32
      %sign3A_338 = arith.cmpi sgt, %jit3A_328, %sign3A_337 : i32
      %sign3A_339 = arith.extui %sign3A_338 : i1 to i32
      %sign3A_340 = arith.constant 0 : i32
      %sign3A_341 = arith.cmpi slt, %jit3A_328, %sign3A_340 : i32
      %sign3A_342 = arith.extui %sign3A_341 : i1 to i32
      %sign3A_343 = arith.subi %sign3A_339, %sign3A_342 : i32
      %ne3A_344 = arith.cmpi ne, %sign3A_336, %sign3A_343 : i32
      %rem3A_345 = arith.remsi %add3A_327, %jit3A_328 : i32
      %ne3A_346 = arith.constant 0 : i32
      %ne3A_347 = arith.cmpi ne, %rem3A_345, %ne3A_346 : i32
      %and3A_348 = arith.andi %ne3A_344, %ne3A_347 : i1
      %sub3A_349 = arith.constant 1 : i32
      %sub3A_350 = arith.subi %div3A_329, %sub3A_349 : i32
      %select_n3A_351 = arith.select %and3A_348, %sub3A_350, %div3A_329 : i32
      %while3A = arith.constant 0 : i32
      %while3A_352 = arith.constant 0 : i32
      %while3A_353 = arith.subi %select_n3A_351, %while3A : i32
      %while3A_354 = arith.addi %while3A, %while3A_353 : i32
      %while3A_355 = arith.constant 1 : i32
      %while3A_356 = arith.divsi %while3A_353, %while3A_355 : i32
      %while3A_357 = arith.muli %while3A_356, %while3A_355 : i32
      %while3A_358 = arith.addi %while3A, %while3A_357 : i32
      %while3A_359 = arith.constant 1 : i32
      %while3A_360 = scf.for %while3A_364 = %while3A to %while3A_358 step %while3A_359 iter_args(%while3A_365 = %while3A_352) -> (i32)  : i32 {
        %mul3A_366 = arith.constant 2 : i32
        %mul3A_367 = arith.muli %mul3A_366, %while3A_364 : i32
        %add3A_368 = arith.constant 1 : i32
        %add3A_369 = arith.addi %mul3A_367, %add3A_368 : i32
        %lt3A = arith.cmpi slt, %add3A_369, %select_n3A : i32
        %convert_element_type3A_370 = arith.extui %lt3A : i1 to i32
        %cond3A_371 = arith.constant 0 : i32
        %cond3A_372 = arith.cmpi ne, %convert_element_type3A_370, %cond3A_371 : i32
        scf.if %cond3A_372 {
          %mul3A_460 = arith.constant 128 : i32
          %mul3A_461 = arith.muli %add3A_369, %mul3A_460 : i32
          %dma_start3A = tpu.memref_slice %arg9[%mul3A_461] : memref<2144xi32, #tpu.memory_space<vmem>> -> memref<128xi32, #tpu.memory_space<vmem>>
          %dma_start3A_462 = arith.constant 0 : i32
          %dma_start3A_463 = arith.constant 0 : i32
          %dma_start3A_464 = tpu.memref_slice %arg2[%dma_start3A_462, %dma_start3A_463] : memref<100352x64xf32, #tpu.memory_space<hbm>> -> memref<100352x64xf32, #tpu.memory_space<hbm>>
          tpu.enqueue_indirect_dma source(%dma_start3A_464 : memref<100352x64xf32, #tpu.memory_space<hbm>>) target(%arg13 : memref<128x64xf32, #tpu.memory_space<vmem>>) offsets(%dma_start3A : memref<128xi32, #tpu.memory_space<vmem>>) semaphore(%arg15 : memref<!tpu.dma_semaphore, #tpu.memory_space<semaphore_mem>>)
        } else {
        }
        %mul3A_373 = arith.constant 128 : i32
        %mul3A_374 = arith.muli %mul3A_367, %mul3A_373 : i32
        %add3A_375 = arith.constant 0 : i32
        %add3A_376 = arith.addi %mul3A_374, %add3A_375 : i32
        %get3A = arith.index_cast %add3A_376 : i32 to index
        %get3A_377 = tpu.vector_load %arg10[%get3A] {strides = array<i32>} : memref<2144xi32, #tpu.memory_space<vmem>>, vector<16xi32>,
        %swap3A_378 = arith.index_cast %mul3A_367 : i32 to index
        %swap3A_379 = arith.constant 0 : index
        %swap3A_380 = tpu.vector_load %arg11[%swap3A_378, %swap3A_379] {strides = array<i32>} : memref<17x128xi32, #tpu.memory_space<vmem>>, vector<16xi32>,
        tpu.vector_store %arg11[%swap3A_378, %swap3A_379], %get3A_377 {strides = array<i32>} : memref<17x128xi32, #tpu.memory_space<vmem>>, vector<16xi32>,
        %mul3A_381 = arith.constant 128 : i32
        %mul3A_382 = arith.muli %mul3A_367, %mul3A_381 : i32
        %add3A_383 = arith.constant 16 : i32
        %add3A_384 = arith.addi %mul3A_382, %add3A_383 : i32
        %get3A_385 = arith.index_cast %add3A_384 : i32 to index
        %get3A_386 = tpu.vector_load %arg10[%get3A_385] {strides = array<i32>} : memref<2144xi32, #tpu.memory_space<vmem>>, vector<16xi32>,
        %swap3A_387 = arith.index_cast %mul3A_367 : i32 to index
        %swap3A_388 = arith.constant 16 : index
        %swap3A_389 = tpu.vector_load %arg11[%swap3A_387, %swap3A_388] {strides = array<i32>} : memref<17x128xi32, #tpu.memory_space<vmem>>, vector<16xi32>,
        tpu.vector_store %arg11[%swap3A_387, %swap3A_388], %get3A_386 {strides = array<i32>} : memref<17x128xi32, #tpu.memory_space<vmem>>, vector<16xi32>,
        %mul3A_390 = arith.constant 128 : i32
        %mul3A_391 = arith.muli %mul3A_367, %mul3A_390 : i32
        %add3A_392 = arith.constant 32 : i32
        %add3A_393 = arith.addi %mul3A_391, %add3A_392 : i32
        %get3A_394 = arith.index_cast %add3A_393 : i32 to index
        %get3A_395 = tpu.vector_load %arg10[%get3A_394] {strides = array<i32>} : memref<2144xi32, #tpu.memory_space<vmem>>, vector<16xi32>,
        %swap3A_396 = arith.index_cast %mul3A_367 : i32 to index
        %swap3A_397 = arith.constant 32 : index
        %swap3A_398 = tpu.vector_load %arg11[%swap3A_396, %swap3A_397] {strides = array<i32>} : memref<17x128xi32, #tpu.memory_space<vmem>>, vector<16xi32>,
        tpu.vector_store %arg11[%swap3A_396, %swap3A_397], %get3A_395 {strides = array<i32>} : memref<17x128xi32, #tpu.memory_space<vmem>>, vector<16xi32>,
        %mul3A_399 = arith.constant 128 : i32
        %mul3A_400 = arith.muli %mul3A_367, %mul3A_399 : i32
        %add3A_401 = arith.constant 48 : i32
        %add3A_402 = arith.addi %mul3A_400, %add3A_401 : i32
        %get3A_403 = arith.index_cast %add3A_402 : i32 to index
        %get3A_404 = tpu.vector_load %arg10[%get3A_403] {strides = array<i32>} : memref<2144xi32, #tpu.memory_space<vmem>>, vector<16xi32>,
        %swap3A_405 = arith.index_cast %mul3A_367 : i32 to index
        %swap3A_406 = arith.constant 48 : index
        %swap3A_407 = tpu.vector_load %arg11[%swap3A_405, %swap3A_406] {strides = array<i32>} : memref<17x128xi32, #tpu.memory_space<vmem>>, vector<16xi32>,
        tpu.vector_store %arg11[%swap3A_405, %swap3A_406], %get3A_404 {strides = array<i32>} : memref<17x128xi32, #tpu.memory_space<vmem>>, vector<16xi32>,
        %mul3A_408 = arith.constant 128 : i32
        %mul3A_409 = arith.muli %mul3A_367, %mul3A_408 : i32
        %add3A_410 = arith.constant 64 : i32
        %add3A_411 = arith.addi %mul3A_409, %add3A_410 : i32
        %get3A_412 = arith.index_cast %add3A_411 : i32 to index
        %get3A_413 = tpu.vector_load %arg10[%get3A_412] {strides = array<i32>} : memref<2144xi32, #tpu.memory_space<vmem>>, vector<16xi32>,
        %swap3A_414 = arith.index_cast %mul3A_367 : i32 to index
        %swap3A_415 = arith.constant 64 : index
        %swap3A_416 = tpu.vector_load %arg11[%swap3A_414, %swap3A_415] {strides = array<i32>} : memref<17x128xi32, #tpu.memory_space<vmem>>, vector<16xi32>,
        tpu.vector_store %arg11[%swap3A_414, %swap3A_415], %get3A_413 {strides = array<i32>} : memref<17x128xi32, #tpu.memory_space<vmem>>, vector<16xi32>,
        %mul3A_417 = arith.constant 128 : i32
        %mul3A_418 = arith.muli %mul3A_367, %mul3A_417 : i32
        %add3A_419 = arith.constant 80 : i32
        %add3A_420 = arith.addi %mul3A_418, %add3A_419 : i32
        %get3A_421 = arith.index_cast %add3A_420 : i32 to index
        %get3A_422 = tpu.vector_load %arg10[%get3A_421] {strides = array<i32>} : memref<2144xi32, #tpu.memory_space<vmem>>, vector<16xi32>,
        %swap3A_423 = arith.index_cast %mul3A_367 : i32 to index
        %swap3A_424 = arith.constant 80 : index
        %swap3A_425 = tpu.vector_load %arg11[%swap3A_423, %swap3A_424] {strides = array<i32>} : memref<17x128xi32, #tpu.memory_space<vmem>>, vector<16xi32>,
        tpu.vector_store %arg11[%swap3A_423, %swap3A_424], %get3A_422 {strides = array<i32>} : memref<17x128xi32, #tpu.memory_space<vmem>>, vector<16xi32>,
        %mul3A_426 = arith.constant 128 : i32
        %mul3A_427 = arith.muli %mul3A_367, %mul3A_426 : i32
        %add3A_428 = arith.constant 96 : i32
        %add3A_429 = arith.addi %mul3A_427, %add3A_428 : i32
        %get3A_430 = arith.index_cast %add3A_429 : i32 to index
        %get3A_431 = tpu.vector_load %arg10[%get3A_430] {strides = array<i32>} : memref<2144xi32, #tpu.memory_space<vmem>>, vector<16xi32>,
        %swap3A_432 = arith.index_cast %mul3A_367 : i32 to index
        %swap3A_433 = arith.constant 96 : index
        %swap3A_434 = tpu.vector_load %arg11[%swap3A_432, %swap3A_433] {strides = array<i32>} : memref<17x128xi32, #tpu.memory_space<vmem>>, vector<16xi32>,
        tpu.vector_store %arg11[%swap3A_432, %swap3A_433], %get3A_431 {strides = array<i32>} : memref<17x128xi32, #tpu.memory_space<vmem>>, vector<16xi32>,
        %mul3A_435 = arith.constant 128 : i32
        %mul3A_436 = arith.muli %mul3A_367, %mul3A_435 : i32
        %add3A_437 = arith.constant 112 : i32
        %add3A_438 = arith.addi %mul3A_436, %add3A_437 : i32
        %get3A_439 = arith.index_cast %add3A_438 : i32 to index
        %get3A_440 = tpu.vector_load %arg10[%get3A_439] {strides = array<i32>} : memref<2144xi32, #tpu.memory_space<vmem>>, vector<16xi32>,
        %swap3A_441 = arith.index_cast %mul3A_367 : i32 to index
        %swap3A_442 = arith.constant 112 : index
        %swap3A_443 = tpu.vector_load %arg11[%swap3A_441, %swap3A_442] {strides = array<i32>} : memref<17x128xi32, #tpu.memory_space<vmem>>, vector<16xi32>,
        tpu.vector_store %arg11[%swap3A_441, %swap3A_442], %get3A_440 {strides = array<i32>} : memref<17x128xi32, #tpu.memory_space<vmem>>, vector<16xi32>,
        %mul3A_444 = arith.constant 128 : i32
        %mul3A_445 = arith.muli %mul3A_367, %mul3A_444 : i32
        %dma_wait3A = tpu.memref_slice %arg9[%mul3A_445] : memref<2144xi32, #tpu.memory_space<vmem>> -> memref<128xi32, #tpu.memory_space<vmem>>
        %dma_wait3A_446 = arith.constant 0 : i32
        %dma_wait3A_447 = arith.constant 0 : i32
        %dma_wait3A_448 = tpu.memref_slice %arg2[%dma_wait3A_446, %dma_wait3A_447] : memref<100352x64xf32, #tpu.memory_space<hbm>> -> memref<100352x64xf32, #tpu.memory_space<hbm>>
        tpu.wait_indirect_dma semaphore(%arg14 : memref<!tpu.dma_semaphore, #tpu.memory_space<semaphore_mem>>) src(%dma_wait3A_448 : memref<100352x64xf32, #tpu.memory_space<hbm>>) dst(%arg12 : memref<128x64xf32, #tpu.memory_space<vmem>>)
        "tpu.region"() ({
          %run_scoped3A = tpu.sem_alloc : memref<!tpu.dma_semaphore, #tpu.memory_space<semaphore_mem>>
          %dma_start3A = arith.constant 0 : i32
          %dma_start3A_460 = tpu.memref_slice %arg11[%mul3A_367, %dma_start3A] : memref<17x128xi32, #tpu.memory_space<vmem>> -> memref<1x128xi32, #tpu.memory_space<vmem>>
          %dma_start3A_461 = tpu.memref_squeeze %dma_start3A_460 : memref<1x128xi32, #tpu.memory_space<vmem>> -> memref<128xi32, #tpu.memory_space<vmem>>
          %dma_start3A_462 = arith.constant 0 : i32
          %dma_start3A_463 = arith.constant 0 : i32
          %dma_start3A_464 = tpu.memref_slice %arg6[%dma_start3A_462, %dma_start3A_463] : memref<25104x64xf32, #tpu.memory_space<vmem_shared>> -> memref<25104x64xf32, #tpu.memory_space<vmem_shared>>
          tpu.enqueue_indirect_dma source(%arg12 : memref<128x64xf32, #tpu.memory_space<vmem>>) target(%dma_start3A_464 : memref<25104x64xf32, #tpu.memory_space<vmem_shared>>) offsets(%dma_start3A_461 : memref<128xi32, #tpu.memory_space<vmem>>) semaphore(%run_scoped3A : memref<!tpu.dma_semaphore, #tpu.memory_space<semaphore_mem>>) {add = true}
          %dma_wait3A_465 = arith.constant 0 : i32
          %dma_wait3A_466 = tpu.memref_slice %arg11[%mul3A_367, %dma_wait3A_465] : memref<17x128xi32, #tpu.memory_space<vmem>> -> memref<1x128xi32, #tpu.memory_space<vmem>>
          %dma_wait3A_467 = tpu.memref_squeeze %dma_wait3A_466 : memref<1x128xi32, #tpu.memory_space<vmem>> -> memref<128xi32, #tpu.memory_space<vmem>>
          %dma_wait3A_468 = arith.constant 0 : i32
          %dma_wait3A_469 = arith.constant 0 : i32
          %dma_wait3A_470 = tpu.memref_slice %arg6[%dma_wait3A_468, %dma_wait3A_469] : memref<25104x64xf32, #tpu.memory_space<vmem_shared>> -> memref<25104x64xf32, #tpu.memory_space<vmem_shared>>
          tpu.wait_indirect_dma semaphore(%run_scoped3A : memref<!tpu.dma_semaphore, #tpu.memory_space<semaphore_mem>>) src(%arg12 : memref<128x64xf32, #tpu.memory_space<vmem>>) dst(%dma_wait3A_470 : memref<25104x64xf32, #tpu.memory_space<vmem_shared>>)
          tpu.yield
        }) : () -> ()
        %add3A_449 = arith.constant 2 : i32
        %add3A_450 = arith.addi %mul3A_367, %add3A_449 : i32
        %lt3A_451 = arith.cmpi slt, %add3A_450, %select_n3A : i32
        %convert_element_type3A_452 = arith.extui %lt3A_451 : i1 to i32
        %cond3A_453 = arith.constant 0 : i32
        %cond3A_454 = arith.cmpi ne, %convert_element_type3A_452, %cond3A_453 : i32
        scf.if %cond3A_454 {
          %add3A_460 = arith.constant 2 : i32
          %add3A_461 = arith.addi %mul3A_367, %add3A_460 : i32
          %mul3A_462 = arith.constant 128 : i32
          %mul3A_463 = arith.muli %add3A_461, %mul3A_462 : i32
          %dma_start3A = tpu.memref_slice %arg9[%mul3A_463] : memref<2144xi32, #tpu.memory_space<vmem>> -> memref<128xi32, #tpu.memory_space<vmem>>
          %dma_start3A_464 = arith.constant 0 : i32
          %dma_start3A_465 = arith.constant 0 : i32
          %dma_start3A_466 = tpu.memref_slice %arg2[%dma_start3A_464, %dma_start3A_465] : memref<100352x64xf32, #tpu.memory_space<hbm>> -> memref<100352x64xf32, #tpu.memory_space<hbm>>
          tpu.enqueue_indirect_dma source(%dma_start3A_466 : memref<100352x64xf32, #tpu.memory_space<hbm>>) target(%arg12 : memref<128x64xf32, #tpu.memory_space<vmem>>) offsets(%dma_start3A : memref<128xi32, #tpu.memory_space<vmem>>) semaphore(%arg14 : memref<!tpu.dma_semaphore, #tpu.memory_space<semaphore_mem>>)
        } else {
        }
        %lt3A_455 = arith.cmpi slt, %add3A_369, %select_n3A : i32
        %convert_element_type3A_456 = arith.extui %lt3A_455 : i1 to i32
        %cond3A_457 = arith.constant 0 : i32
        %cond3A_458 = arith.cmpi ne, %convert_element_type3A_456, %cond3A_457 : i32
        scf.if %cond3A_458 {
          %mul3A_460 = arith.constant 128 : i32
          %mul3A_461 = arith.muli %add3A_369, %mul3A_460 : i32
          %add3A_462 = arith.constant 0 : i32
          %add3A_463 = arith.addi %mul3A_461, %add3A_462 : i32
          %get3A_464 = arith.index_cast %add3A_463 : i32 to index
          %get3A_465 = tpu.vector_load %arg10[%get3A_464] {strides = array<i32>} : memref<2144xi32, #tpu.memory_space<vmem>>, vector<16xi32>,
          %swap3A_466 = arith.index_cast %add3A_369 : i32 to index
          %swap3A_467 = arith.constant 0 : index
          %swap3A_468 = tpu.vector_load %arg11[%swap3A_466, %swap3A_467] {strides = array<i32>} : memref<17x128xi32, #tpu.memory_space<vmem>>, vector<16xi32>,
          tpu.vector_store %arg11[%swap3A_466, %swap3A_467], %get3A_465 {strides = array<i32>} : memref<17x128xi32, #tpu.memory_space<vmem>>, vector<16xi32>,
          %mul3A_469 = arith.constant 128 : i32
          %mul3A_470 = arith.muli %add3A_369, %mul3A_469 : i32
          %add3A_471 = arith.constant 16 : i32
          %add3A_472 = arith.addi %mul3A_470, %add3A_471 : i32
          %get3A_473 = arith.index_cast %add3A_472 : i32 to index
          %get3A_474 = tpu.vector_load %arg10[%get3A_473] {strides = array<i32>} : memref<2144xi32, #tpu.memory_space<vmem>>, vector<16xi32>,
          %swap3A_475 = arith.index_cast %add3A_369 : i32 to index
          %swap3A_476 = arith.constant 16 : index
          %swap3A_477 = tpu.vector_load %arg11[%swap3A_475, %swap3A_476] {strides = array<i32>} : memref<17x128xi32, #tpu.memory_space<vmem>>, vector<16xi32>,
          tpu.vector_store %arg11[%swap3A_475, %swap3A_476], %get3A_474 {strides = array<i32>} : memref<17x128xi32, #tpu.memory_space<vmem>>, vector<16xi32>,
          %mul3A_478 = arith.constant 128 : i32
          %mul3A_479 = arith.muli %add3A_369, %mul3A_478 : i32
          %add3A_480 = arith.constant 32 : i32
          %add3A_481 = arith.addi %mul3A_479, %add3A_480 : i32
          %get3A_482 = arith.index_cast %add3A_481 : i32 to index
          %get3A_483 = tpu.vector_load %arg10[%get3A_482] {strides = array<i32>} : memref<2144xi32, #tpu.memory_space<vmem>>, vector<16xi32>,
          %swap3A_484 = arith.index_cast %add3A_369 : i32 to index
          %swap3A_485 = arith.constant 32 : index
          %swap3A_486 = tpu.vector_load %arg11[%swap3A_484, %swap3A_485] {strides = array<i32>} : memref<17x128xi32, #tpu.memory_space<vmem>>, vector<16xi32>,
          tpu.vector_store %arg11[%swap3A_484, %swap3A_485], %get3A_483 {strides = array<i32>} : memref<17x128xi32, #tpu.memory_space<vmem>>, vector<16xi32>,
          %mul3A_487 = arith.constant 128 : i32
          %mul3A_488 = arith.muli %add3A_369, %mul3A_487 : i32
          %add3A_489 = arith.constant 48 : i32
          %add3A_490 = arith.addi %mul3A_488, %add3A_489 : i32
          %get3A_491 = arith.index_cast %add3A_490 : i32 to index
          %get3A_492 = tpu.vector_load %arg10[%get3A_491] {strides = array<i32>} : memref<2144xi32, #tpu.memory_space<vmem>>, vector<16xi32>,
          %swap3A_493 = arith.index_cast %add3A_369 : i32 to index
          %swap3A_494 = arith.constant 48 : index
          %swap3A_495 = tpu.vector_load %arg11[%swap3A_493, %swap3A_494] {strides = array<i32>} : memref<17x128xi32, #tpu.memory_space<vmem>>, vector<16xi32>,
          tpu.vector_store %arg11[%swap3A_493, %swap3A_494], %get3A_492 {strides = array<i32>} : memref<17x128xi32, #tpu.memory_space<vmem>>, vector<16xi32>,
          %mul3A_496 = arith.constant 128 : i32
          %mul3A_497 = arith.muli %add3A_369, %mul3A_496 : i32
          %add3A_498 = arith.constant 64 : i32
          %add3A_499 = arith.addi %mul3A_497, %add3A_498 : i32
          %get3A_500 = arith.index_cast %add3A_499 : i32 to index
          %get3A_501 = tpu.vector_load %arg10[%get3A_500] {strides = array<i32>} : memref<2144xi32, #tpu.memory_space<vmem>>, vector<16xi32>,
          %swap3A_502 = arith.index_cast %add3A_369 : i32 to index
          %swap3A_503 = arith.constant 64 : index
          %swap3A_504 = tpu.vector_load %arg11[%swap3A_502, %swap3A_503] {strides = array<i32>} : memref<17x128xi32, #tpu.memory_space<vmem>>, vector<16xi32>,
          tpu.vector_store %arg11[%swap3A_502, %swap3A_503], %get3A_501 {strides = array<i32>} : memref<17x128xi32, #tpu.memory_space<vmem>>, vector<16xi32>,
          %mul3A_505 = arith.constant 128 : i32
          %mul3A_506 = arith.muli %add3A_369, %mul3A_505 : i32
          %add3A_507 = arith.constant 80 : i32
          %add3A_508 = arith.addi %mul3A_506, %add3A_507 : i32
          %get3A_509 = arith.index_cast %add3A_508 : i32 to index
          %get3A_510 = tpu.vector_load %arg10[%get3A_509] {strides = array<i32>} : memref<2144xi32, #tpu.memory_space<vmem>>, vector<16xi32>,
          %swap3A_511 = arith.index_cast %add3A_369 : i32 to index
          %swap3A_512 = arith.constant 80 : index
          %swap3A_513 = tpu.vector_load %arg11[%swap3A_511, %swap3A_512] {strides = array<i32>} : memref<17x128xi32, #tpu.memory_space<vmem>>, vector<16xi32>,
          tpu.vector_store %arg11[%swap3A_511, %swap3A_512], %get3A_510 {strides = array<i32>} : memref<17x128xi32, #tpu.memory_space<vmem>>, vector<16xi32>,
          %mul3A_514 = arith.constant 128 : i32
          %mul3A_515 = arith.muli %add3A_369, %mul3A_514 : i32
          %add3A_516 = arith.constant 96 : i32
          %add3A_517 = arith.addi %mul3A_515, %add3A_516 : i32
          %get3A_518 = arith.index_cast %add3A_517 : i32 to index
          %get3A_519 = tpu.vector_load %arg10[%get3A_518] {strides = array<i32>} : memref<2144xi32, #tpu.memory_space<vmem>>, vector<16xi32>,
          %swap3A_520 = arith.index_cast %add3A_369 : i32 to index
          %swap3A_521 = arith.constant 96 : index
          %swap3A_522 = tpu.vector_load %arg11[%swap3A_520, %swap3A_521] {strides = array<i32>} : memref<17x128xi32, #tpu.memory_space<vmem>>, vector<16xi32>,
          tpu.vector_store %arg11[%swap3A_520, %swap3A_521], %get3A_519 {strides = array<i32>} : memref<17x128xi32, #tpu.memory_space<vmem>>, vector<16xi32>,
          %mul3A_523 = arith.constant 128 : i32
          %mul3A_524 = arith.muli %add3A_369, %mul3A_523 : i32
          %add3A_525 = arith.constant 112 : i32
          %add3A_526 = arith.addi %mul3A_524, %add3A_525 : i32
          %get3A_527 = arith.index_cast %add3A_526 : i32 to index
          %get3A_528 = tpu.vector_load %arg10[%get3A_527] {strides = array<i32>} : memref<2144xi32, #tpu.memory_space<vmem>>, vector<16xi32>,
          %swap3A_529 = arith.index_cast %add3A_369 : i32 to index
          %swap3A_530 = arith.constant 112 : index
          %swap3A_531 = tpu.vector_load %arg11[%swap3A_529, %swap3A_530] {strides = array<i32>} : memref<17x128xi32, #tpu.memory_space<vmem>>, vector<16xi32>,
          tpu.vector_store %arg11[%swap3A_529, %swap3A_530], %get3A_528 {strides = array<i32>} : memref<17x128xi32, #tpu.memory_space<vmem>>, vector<16xi32>,
          %mul3A_532 = arith.constant 128 : i32
          %mul3A_533 = arith.muli %add3A_369, %mul3A_532 : i32
          %dma_wait3A_534 = tpu.memref_slice %arg9[%mul3A_533] : memref<2144xi32, #tpu.memory_space<vmem>> -> memref<128xi32, #tpu.memory_space<vmem>>
          %dma_wait3A_535 = arith.constant 0 : i32
          %dma_wait3A_536 = arith.constant 0 : i32
          %dma_wait3A_537 = tpu.memref_slice %arg2[%dma_wait3A_535, %dma_wait3A_536] : memref<100352x64xf32, #tpu.memory_space<hbm>> -> memref<100352x64xf32, #tpu.memory_space<hbm>>
          tpu.wait_indirect_dma semaphore(%arg15 : memref<!tpu.dma_semaphore, #tpu.memory_space<semaphore_mem>>) src(%dma_wait3A_537 : memref<100352x64xf32, #tpu.memory_space<hbm>>) dst(%arg13 : memref<128x64xf32, #tpu.memory_space<vmem>>)
          "tpu.region"() ({
            %run_scoped3A = tpu.sem_alloc : memref<!tpu.dma_semaphore, #tpu.memory_space<semaphore_mem>>
            %dma_start3A = arith.constant 0 : i32
            %dma_start3A_538 = tpu.memref_slice %arg11[%add3A_369, %dma_start3A] : memref<17x128xi32, #tpu.memory_space<vmem>> -> memref<1x128xi32, #tpu.memory_space<vmem>>
            %dma_start3A_539 = tpu.memref_squeeze %dma_start3A_538 : memref<1x128xi32, #tpu.memory_space<vmem>> -> memref<128xi32, #tpu.memory_space<vmem>>
            %dma_start3A_540 = arith.constant 0 : i32
            %dma_start3A_541 = arith.constant 0 : i32
            %dma_start3A_542 = tpu.memref_slice %arg6[%dma_start3A_540, %dma_start3A_541] : memref<25104x64xf32, #tpu.memory_space<vmem_shared>> -> memref<25104x64xf32, #tpu.memory_space<vmem_shared>>
            tpu.enqueue_indirect_dma source(%arg13 : memref<128x64xf32, #tpu.memory_space<vmem>>) target(%dma_start3A_542 : memref<25104x64xf32, #tpu.memory_space<vmem_shared>>) offsets(%dma_start3A_539 : memref<128xi32, #tpu.memory_space<vmem>>) semaphore(%run_scoped3A : memref<!tpu.dma_semaphore, #tpu.memory_space<semaphore_mem>>) {add = true}
            %dma_wait3A_543 = arith.constant 0 : i32
            %dma_wait3A_544 = tpu.memref_slice %arg11[%add3A_369, %dma_wait3A_543] : memref<17x128xi32, #tpu.memory_space<vmem>> -> memref<1x128xi32, #tpu.memory_space<vmem>>
            %dma_wait3A_545 = tpu.memref_squeeze %dma_wait3A_544 : memref<1x128xi32, #tpu.memory_space<vmem>> -> memref<128xi32, #tpu.memory_space<vmem>>
            %dma_wait3A_546 = arith.constant 0 : i32
            %dma_wait3A_547 = arith.constant 0 : i32
            %dma_wait3A_548 = tpu.memref_slice %arg6[%dma_wait3A_546, %dma_wait3A_547] : memref<25104x64xf32, #tpu.memory_space<vmem_shared>> -> memref<25104x64xf32, #tpu.memory_space<vmem_shared>>
            tpu.wait_indirect_dma semaphore(%run_scoped3A : memref<!tpu.dma_semaphore, #tpu.memory_space<semaphore_mem>>) src(%arg13 : memref<128x64xf32, #tpu.memory_space<vmem>>) dst(%dma_wait3A_548 : memref<25104x64xf32, #tpu.memory_space<vmem_shared>>)
            tpu.yield
          }) : () -> ()
        } else {
        }
        %while3A_459 = arith.constant 0 : i32
        scf.yield %while3A_459 : i32
      }
      %while3A_361 = arith.constant 1 : i32
      %while3A_362 = scf.for %while3A_364 = %while3A_358 to %while3A_354 step %while3A_361 iter_args(%while3A_365 = %while3A_360) -> (i32)  : i32 {
        %mul3A_366 = arith.constant 2 : i32
        %mul3A_367 = arith.muli %mul3A_366, %while3A_364 : i32
        %add3A_368 = arith.constant 1 : i32
        %add3A_369 = arith.addi %mul3A_367, %add3A_368 : i32
        %lt3A = arith.cmpi slt, %add3A_369, %select_n3A : i32
        %convert_element_type3A_370 = arith.extui %lt3A : i1 to i32
        %cond3A_371 = arith.constant 0 : i32
        %cond3A_372 = arith.cmpi ne, %convert_element_type3A_370, %cond3A_371 : i32
        scf.if %cond3A_372 {
          %mul3A_460 = arith.constant 128 : i32
          %mul3A_461 = arith.muli %add3A_369, %mul3A_460 : i32
          %dma_start3A = tpu.memref_slice %arg9[%mul3A_461] : memref<2144xi32, #tpu.memory_space<vmem>> -> memref<128xi32, #tpu.memory_space<vmem>>
          %dma_start3A_462 = arith.constant 0 : i32
          %dma_start3A_463 = arith.constant 0 : i32
          %dma_start3A_464 = tpu.memref_slice %arg2[%dma_start3A_462, %dma_start3A_463] : memref<100352x64xf32, #tpu.memory_space<hbm>> -> memref<100352x64xf32, #tpu.memory_space<hbm>>
          tpu.enqueue_indirect_dma source(%dma_start3A_464 : memref<100352x64xf32, #tpu.memory_space<hbm>>) target(%arg13 : memref<128x64xf32, #tpu.memory_space<vmem>>) offsets(%dma_start3A : memref<128xi32, #tpu.memory_space<vmem>>) semaphore(%arg15 : memref<!tpu.dma_semaphore, #tpu.memory_space<semaphore_mem>>)
        } else {
        }
        %mul3A_373 = arith.constant 128 : i32
        %mul3A_374 = arith.muli %mul3A_367, %mul3A_373 : i32
        %add3A_375 = arith.constant 0 : i32
        %add3A_376 = arith.addi %mul3A_374, %add3A_375 : i32
        %get3A = arith.index_cast %add3A_376 : i32 to index
        %get3A_377 = tpu.vector_load %arg10[%get3A] {strides = array<i32>} : memref<2144xi32, #tpu.memory_space<vmem>>, vector<16xi32>,
        %swap3A_378 = arith.index_cast %mul3A_367 : i32 to index
        %swap3A_379 = arith.constant 0 : index
        %swap3A_380 = tpu.vector_load %arg11[%swap3A_378, %swap3A_379] {strides = array<i32>} : memref<17x128xi32, #tpu.memory_space<vmem>>, vector<16xi32>,
        tpu.vector_store %arg11[%swap3A_378, %swap3A_379], %get3A_377 {strides = array<i32>} : memref<17x128xi32, #tpu.memory_space<vmem>>, vector<16xi32>,
        %mul3A_381 = arith.constant 128 : i32
        %mul3A_382 = arith.muli %mul3A_367, %mul3A_381 : i32
        %add3A_383 = arith.constant 16 : i32
        %add3A_384 = arith.addi %mul3A_382, %add3A_383 : i32
        %get3A_385 = arith.index_cast %add3A_384 : i32 to index
        %get3A_386 = tpu.vector_load %arg10[%get3A_385] {strides = array<i32>} : memref<2144xi32, #tpu.memory_space<vmem>>, vector<16xi32>,
        %swap3A_387 = arith.index_cast %mul3A_367 : i32 to index
        %swap3A_388 = arith.constant 16 : index
        %swap3A_389 = tpu.vector_load %arg11[%swap3A_387, %swap3A_388] {strides = array<i32>} : memref<17x128xi32, #tpu.memory_space<vmem>>, vector<16xi32>,
        tpu.vector_store %arg11[%swap3A_387, %swap3A_388], %get3A_386 {strides = array<i32>} : memref<17x128xi32, #tpu.memory_space<vmem>>, vector<16xi32>,
        %mul3A_390 = arith.constant 128 : i32
        %mul3A_391 = arith.muli %mul3A_367, %mul3A_390 : i32
        %add3A_392 = arith.constant 32 : i32
        %add3A_393 = arith.addi %mul3A_391, %add3A_392 : i32
        %get3A_394 = arith.index_cast %add3A_393 : i32 to index
        %get3A_395 = tpu.vector_load %arg10[%get3A_394] {strides = array<i32>} : memref<2144xi32, #tpu.memory_space<vmem>>, vector<16xi32>,
        %swap3A_396 = arith.index_cast %mul3A_367 : i32 to index
        %swap3A_397 = arith.constant 32 : index
        %swap3A_398 = tpu.vector_load %arg11[%swap3A_396, %swap3A_397] {strides = array<i32>} : memref<17x128xi32, #tpu.memory_space<vmem>>, vector<16xi32>,
        tpu.vector_store %arg11[%swap3A_396, %swap3A_397], %get3A_395 {strides = array<i32>} : memref<17x128xi32, #tpu.memory_space<vmem>>, vector<16xi32>,
        %mul3A_399 = arith.constant 128 : i32
        %mul3A_400 = arith.muli %mul3A_367, %mul3A_399 : i32
        %add3A_401 = arith.constant 48 : i32
        %add3A_402 = arith.addi %mul3A_400, %add3A_401 : i32
        %get3A_403 = arith.index_cast %add3A_402 : i32 to index
        %get3A_404 = tpu.vector_load %arg10[%get3A_403] {strides = array<i32>} : memref<2144xi32, #tpu.memory_space<vmem>>, vector<16xi32>,
        %swap3A_405 = arith.index_cast %mul3A_367 : i32 to index
        %swap3A_406 = arith.constant 48 : index
        %swap3A_407 = tpu.vector_load %arg11[%swap3A_405, %swap3A_406] {strides = array<i32>} : memref<17x128xi32, #tpu.memory_space<vmem>>, vector<16xi32>,
        tpu.vector_store %arg11[%swap3A_405, %swap3A_406], %get3A_404 {strides = array<i32>} : memref<17x128xi32, #tpu.memory_space<vmem>>, vector<16xi32>,
        %mul3A_408 = arith.constant 128 : i32
        %mul3A_409 = arith.muli %mul3A_367, %mul3A_408 : i32
        %add3A_410 = arith.constant 64 : i32
        %add3A_411 = arith.addi %mul3A_409, %add3A_410 : i32
        %get3A_412 = arith.index_cast %add3A_411 : i32 to index
        %get3A_413 = tpu.vector_load %arg10[%get3A_412] {strides = array<i32>} : memref<2144xi32, #tpu.memory_space<vmem>>, vector<16xi32>,
        %swap3A_414 = arith.index_cast %mul3A_367 : i32 to index
        %swap3A_415 = arith.constant 64 : index
        %swap3A_416 = tpu.vector_load %arg11[%swap3A_414, %swap3A_415] {strides = array<i32>} : memref<17x128xi32, #tpu.memory_space<vmem>>, vector<16xi32>,
        tpu.vector_store %arg11[%swap3A_414, %swap3A_415], %get3A_413 {strides = array<i32>} : memref<17x128xi32, #tpu.memory_space<vmem>>, vector<16xi32>,
        %mul3A_417 = arith.constant 128 : i32
        %mul3A_418 = arith.muli %mul3A_367, %mul3A_417 : i32
        %add3A_419 = arith.constant 80 : i32
        %add3A_420 = arith.addi %mul3A_418, %add3A_419 : i32
        %get3A_421 = arith.index_cast %add3A_420 : i32 to index
        %get3A_422 = tpu.vector_load %arg10[%get3A_421] {strides = array<i32>} : memref<2144xi32, #tpu.memory_space<vmem>>, vector<16xi32>,
        %swap3A_423 = arith.index_cast %mul3A_367 : i32 to index
        %swap3A_424 = arith.constant 80 : index
        %swap3A_425 = tpu.vector_load %arg11[%swap3A_423, %swap3A_424] {strides = array<i32>} : memref<17x128xi32, #tpu.memory_space<vmem>>, vector<16xi32>,
        tpu.vector_store %arg11[%swap3A_423, %swap3A_424], %get3A_422 {strides = array<i32>} : memref<17x128xi32, #tpu.memory_space<vmem>>, vector<16xi32>,
        %mul3A_426 = arith.constant 128 : i32
        %mul3A_427 = arith.muli %mul3A_367, %mul3A_426 : i32
        %add3A_428 = arith.constant 96 : i32
        %add3A_429 = arith.addi %mul3A_427, %add3A_428 : i32
        %get3A_430 = arith.index_cast %add3A_429 : i32 to index
        %get3A_431 = tpu.vector_load %arg10[%get3A_430] {strides = array<i32>} : memref<2144xi32, #tpu.memory_space<vmem>>, vector<16xi32>,
        %swap3A_432 = arith.index_cast %mul3A_367 : i32 to index
        %swap3A_433 = arith.constant 96 : index
        %swap3A_434 = tpu.vector_load %arg11[%swap3A_432, %swap3A_433] {strides = array<i32>} : memref<17x128xi32, #tpu.memory_space<vmem>>, vector<16xi32>,
        tpu.vector_store %arg11[%swap3A_432, %swap3A_433], %get3A_431 {strides = array<i32>} : memref<17x128xi32, #tpu.memory_space<vmem>>, vector<16xi32>,
        %mul3A_435 = arith.constant 128 : i32
        %mul3A_436 = arith.muli %mul3A_367, %mul3A_435 : i32
        %add3A_437 = arith.constant 112 : i32
        %add3A_438 = arith.addi %mul3A_436, %add3A_437 : i32
        %get3A_439 = arith.index_cast %add3A_438 : i32 to index
        %get3A_440 = tpu.vector_load %arg10[%get3A_439] {strides = array<i32>} : memref<2144xi32, #tpu.memory_space<vmem>>, vector<16xi32>,
        %swap3A_441 = arith.index_cast %mul3A_367 : i32 to index
        %swap3A_442 = arith.constant 112 : index
        %swap3A_443 = tpu.vector_load %arg11[%swap3A_441, %swap3A_442] {strides = array<i32>} : memref<17x128xi32, #tpu.memory_space<vmem>>, vector<16xi32>,
        tpu.vector_store %arg11[%swap3A_441, %swap3A_442], %get3A_440 {strides = array<i32>} : memref<17x128xi32, #tpu.memory_space<vmem>>, vector<16xi32>,
        %mul3A_444 = arith.constant 128 : i32
        %mul3A_445 = arith.muli %mul3A_367, %mul3A_444 : i32
        %dma_wait3A = tpu.memref_slice %arg9[%mul3A_445] : memref<2144xi32, #tpu.memory_space<vmem>> -> memref<128xi32, #tpu.memory_space<vmem>>
        %dma_wait3A_446 = arith.constant 0 : i32
        %dma_wait3A_447 = arith.constant 0 : i32
        %dma_wait3A_448 = tpu.memref_slice %arg2[%dma_wait3A_446, %dma_wait3A_447] : memref<100352x64xf32, #tpu.memory_space<hbm>> -> memref<100352x64xf32, #tpu.memory_space<hbm>>
        tpu.wait_indirect_dma semaphore(%arg14 : memref<!tpu.dma_semaphore, #tpu.memory_space<semaphore_mem>>) src(%dma_wait3A_448 : memref<100352x64xf32, #tpu.memory_space<hbm>>) dst(%arg12 : memref<128x64xf32, #tpu.memory_space<vmem>>)
        "tpu.region"() ({
          %run_scoped3A = tpu.sem_alloc : memref<!tpu.dma_semaphore, #tpu.memory_space<semaphore_mem>>
          %dma_start3A = arith.constant 0 : i32
          %dma_start3A_460 = tpu.memref_slice %arg11[%mul3A_367, %dma_start3A] : memref<17x128xi32, #tpu.memory_space<vmem>> -> memref<1x128xi32, #tpu.memory_space<vmem>>
          %dma_start3A_461 = tpu.memref_squeeze %dma_start3A_460 : memref<1x128xi32, #tpu.memory_space<vmem>> -> memref<128xi32, #tpu.memory_space<vmem>>
          %dma_start3A_462 = arith.constant 0 : i32
          %dma_start3A_463 = arith.constant 0 : i32
          %dma_start3A_464 = tpu.memref_slice %arg6[%dma_start3A_462, %dma_start3A_463] : memref<25104x64xf32, #tpu.memory_space<vmem_shared>> -> memref<25104x64xf32, #tpu.memory_space<vmem_shared>>
          tpu.enqueue_indirect_dma source(%arg12 : memref<128x64xf32, #tpu.memory_space<vmem>>) target(%dma_start3A_464 : memref<25104x64xf32, #tpu.memory_space<vmem_shared>>) offsets(%dma_start3A_461 : memref<128xi32, #tpu.memory_space<vmem>>) semaphore(%run_scoped3A : memref<!tpu.dma_semaphore, #tpu.memory_space<semaphore_mem>>) {add = true}
          %dma_wait3A_465 = arith.constant 0 : i32
          %dma_wait3A_466 = tpu.memref_slice %arg11[%mul3A_367, %dma_wait3A_465] : memref<17x128xi32, #tpu.memory_space<vmem>> -> memref<1x128xi32, #tpu.memory_space<vmem>>
          %dma_wait3A_467 = tpu.memref_squeeze %dma_wait3A_466 : memref<1x128xi32, #tpu.memory_space<vmem>> -> memref<128xi32, #tpu.memory_space<vmem>>
          %dma_wait3A_468 = arith.constant 0 : i32
          %dma_wait3A_469 = arith.constant 0 : i32
          %dma_wait3A_470 = tpu.memref_slice %arg6[%dma_wait3A_468, %dma_wait3A_469] : memref<25104x64xf32, #tpu.memory_space<vmem_shared>> -> memref<25104x64xf32, #tpu.memory_space<vmem_shared>>
          tpu.wait_indirect_dma semaphore(%run_scoped3A : memref<!tpu.dma_semaphore, #tpu.memory_space<semaphore_mem>>) src(%arg12 : memref<128x64xf32, #tpu.memory_space<vmem>>) dst(%dma_wait3A_470 : memref<25104x64xf32, #tpu.memory_space<vmem_shared>>)
          tpu.yield
        }) : () -> ()
        %add3A_449 = arith.constant 2 : i32
        %add3A_450 = arith.addi %mul3A_367, %add3A_449 : i32
        %lt3A_451 = arith.cmpi slt, %add3A_450, %select_n3A : i32
        %convert_element_type3A_452 = arith.extui %lt3A_451 : i1 to i32
        %cond3A_453 = arith.constant 0 : i32
        %cond3A_454 = arith.cmpi ne, %convert_element_type3A_452, %cond3A_453 : i32
        scf.if %cond3A_454 {
          %add3A_460 = arith.constant 2 : i32
          %add3A_461 = arith.addi %mul3A_367, %add3A_460 : i32
          %mul3A_462 = arith.constant 128 : i32
          %mul3A_463 = arith.muli %add3A_461, %mul3A_462 : i32
          %dma_start3A = tpu.memref_slice %arg9[%mul3A_463] : memref<2144xi32, #tpu.memory_space<vmem>> -> memref<128xi32, #tpu.memory_space<vmem>>
          %dma_start3A_464 = arith.constant 0 : i32
          %dma_start3A_465 = arith.constant 0 : i32
          %dma_start3A_466 = tpu.memref_slice %arg2[%dma_start3A_464, %dma_start3A_465] : memref<100352x64xf32, #tpu.memory_space<hbm>> -> memref<100352x64xf32, #tpu.memory_space<hbm>>
          tpu.enqueue_indirect_dma source(%dma_start3A_466 : memref<100352x64xf32, #tpu.memory_space<hbm>>) target(%arg12 : memref<128x64xf32, #tpu.memory_space<vmem>>) offsets(%dma_start3A : memref<128xi32, #tpu.memory_space<vmem>>) semaphore(%arg14 : memref<!tpu.dma_semaphore, #tpu.memory_space<semaphore_mem>>)
        } else {
        }
        %lt3A_455 = arith.cmpi slt, %add3A_369, %select_n3A : i32
        %convert_element_type3A_456 = arith.extui %lt3A_455 : i1 to i32
        %cond3A_457 = arith.constant 0 : i32
        %cond3A_458 = arith.cmpi ne, %convert_element_type3A_456, %cond3A_457 : i32
        scf.if %cond3A_458 {
          %mul3A_460 = arith.constant 128 : i32
          %mul3A_461 = arith.muli %add3A_369, %mul3A_460 : i32
          %add3A_462 = arith.constant 0 : i32
          %add3A_463 = arith.addi %mul3A_461, %add3A_462 : i32
          %get3A_464 = arith.index_cast %add3A_463 : i32 to index
          %get3A_465 = tpu.vector_load %arg10[%get3A_464] {strides = array<i32>} : memref<2144xi32, #tpu.memory_space<vmem>>, vector<16xi32>,
          %swap3A_466 = arith.index_cast %add3A_369 : i32 to index
          %swap3A_467 = arith.constant 0 : index
          %swap3A_468 = tpu.vector_load %arg11[%swap3A_466, %swap3A_467] {strides = array<i32>} : memref<17x128xi32, #tpu.memory_space<vmem>>, vector<16xi32>,
          tpu.vector_store %arg11[%swap3A_466, %swap3A_467], %get3A_465 {strides = array<i32>} : memref<17x128xi32, #tpu.memory_space<vmem>>, vector<16xi32>,
          %mul3A_469 = arith.constant 128 : i32
          %mul3A_470 = arith.muli %add3A_369, %mul3A_469 : i32
          %add3A_471 = arith.constant 16 : i32
          %add3A_472 = arith.addi %mul3A_470, %add3A_471 : i32
          %get3A_473 = arith.index_cast %add3A_472 : i32 to index
          %get3A_474 = tpu.vector_load %arg10[%get3A_473] {strides = array<i32>} : memref<2144xi32, #tpu.memory_space<vmem>>, vector<16xi32>,
          %swap3A_475 = arith.index_cast %add3A_369 : i32 to index
          %swap3A_476 = arith.constant 16 : index
          %swap3A_477 = tpu.vector_load %arg11[%swap3A_475, %swap3A_476] {strides = array<i32>} : memref<17x128xi32, #tpu.memory_space<vmem>>, vector<16xi32>,
          tpu.vector_store %arg11[%swap3A_475, %swap3A_476], %get3A_474 {strides = array<i32>} : memref<17x128xi32, #tpu.memory_space<vmem>>, vector<16xi32>,
          %mul3A_478 = arith.constant 128 : i32
          %mul3A_479 = arith.muli %add3A_369, %mul3A_478 : i32
          %add3A_480 = arith.constant 32 : i32
          %add3A_481 = arith.addi %mul3A_479, %add3A_480 : i32
          %get3A_482 = arith.index_cast %add3A_481 : i32 to index
          %get3A_483 = tpu.vector_load %arg10[%get3A_482] {strides = array<i32>} : memref<2144xi32, #tpu.memory_space<vmem>>, vector<16xi32>,
          %swap3A_484 = arith.index_cast %add3A_369 : i32 to index
          %swap3A_485 = arith.constant 32 : index
          %swap3A_486 = tpu.vector_load %arg11[%swap3A_484, %swap3A_485] {strides = array<i32>} : memref<17x128xi32, #tpu.memory_space<vmem>>, vector<16xi32>,
          tpu.vector_store %arg11[%swap3A_484, %swap3A_485], %get3A_483 {strides = array<i32>} : memref<17x128xi32, #tpu.memory_space<vmem>>, vector<16xi32>,
          %mul3A_487 = arith.constant 128 : i32
          %mul3A_488 = arith.muli %add3A_369, %mul3A_487 : i32
          %add3A_489 = arith.constant 48 : i32
          %add3A_490 = arith.addi %mul3A_488, %add3A_489 : i32
          %get3A_491 = arith.index_cast %add3A_490 : i32 to index
          %get3A_492 = tpu.vector_load %arg10[%get3A_491] {strides = array<i32>} : memref<2144xi32, #tpu.memory_space<vmem>>, vector<16xi32>,
          %swap3A_493 = arith.index_cast %add3A_369 : i32 to index
          %swap3A_494 = arith.constant 48 : index
          %swap3A_495 = tpu.vector_load %arg11[%swap3A_493, %swap3A_494] {strides = array<i32>} : memref<17x128xi32, #tpu.memory_space<vmem>>, vector<16xi32>,
          tpu.vector_store %arg11[%swap3A_493, %swap3A_494], %get3A_492 {strides = array<i32>} : memref<17x128xi32, #tpu.memory_space<vmem>>, vector<16xi32>,
          %mul3A_496 = arith.constant 128 : i32
          %mul3A_497 = arith.muli %add3A_369, %mul3A_496 : i32
          %add3A_498 = arith.constant 64 : i32
          %add3A_499 = arith.addi %mul3A_497, %add3A_498 : i32
          %get3A_500 = arith.index_cast %add3A_499 : i32 to index
          %get3A_501 = tpu.vector_load %arg10[%get3A_500] {strides = array<i32>} : memref<2144xi32, #tpu.memory_space<vmem>>, vector<16xi32>,
          %swap3A_502 = arith.index_cast %add3A_369 : i32 to index
          %swap3A_503 = arith.constant 64 : index
          %swap3A_504 = tpu.vector_load %arg11[%swap3A_502, %swap3A_503] {strides = array<i32>} : memref<17x128xi32, #tpu.memory_space<vmem>>, vector<16xi32>,
          tpu.vector_store %arg11[%swap3A_502, %swap3A_503], %get3A_501 {strides = array<i32>} : memref<17x128xi32, #tpu.memory_space<vmem>>, vector<16xi32>,
          %mul3A_505 = arith.constant 128 : i32
          %mul3A_506 = arith.muli %add3A_369, %mul3A_505 : i32
          %add3A_507 = arith.constant 80 : i32
          %add3A_508 = arith.addi %mul3A_506, %add3A_507 : i32
          %get3A_509 = arith.index_cast %add3A_508 : i32 to index
          %get3A_510 = tpu.vector_load %arg10[%get3A_509] {strides = array<i32>} : memref<2144xi32, #tpu.memory_space<vmem>>, vector<16xi32>,
          %swap3A_511 = arith.index_cast %add3A_369 : i32 to index
          %swap3A_512 = arith.constant 80 : index
          %swap3A_513 = tpu.vector_load %arg11[%swap3A_511, %swap3A_512] {strides = array<i32>} : memref<17x128xi32, #tpu.memory_space<vmem>>, vector<16xi32>,
          tpu.vector_store %arg11[%swap3A_511, %swap3A_512], %get3A_510 {strides = array<i32>} : memref<17x128xi32, #tpu.memory_space<vmem>>, vector<16xi32>,
          %mul3A_514 = arith.constant 128 : i32
          %mul3A_515 = arith.muli %add3A_369, %mul3A_514 : i32
          %add3A_516 = arith.constant 96 : i32
          %add3A_517 = arith.addi %mul3A_515, %add3A_516 : i32
          %get3A_518 = arith.index_cast %add3A_517 : i32 to index
          %get3A_519 = tpu.vector_load %arg10[%get3A_518] {strides = array<i32>} : memref<2144xi32, #tpu.memory_space<vmem>>, vector<16xi32>,
          %swap3A_520 = arith.index_cast %add3A_369 : i32 to index
          %swap3A_521 = arith.constant 96 : index
          %swap3A_522 = tpu.vector_load %arg11[%swap3A_520, %swap3A_521] {strides = array<i32>} : memref<17x128xi32, #tpu.memory_space<vmem>>, vector<16xi32>,
          tpu.vector_store %arg11[%swap3A_520, %swap3A_521], %get3A_519 {strides = array<i32>} : memref<17x128xi32, #tpu.memory_space<vmem>>, vector<16xi32>,
          %mul3A_523 = arith.constant 128 : i32
          %mul3A_524 = arith.muli %add3A_369, %mul3A_523 : i32
          %add3A_525 = arith.constant 112 : i32
          %add3A_526 = arith.addi %mul3A_524, %add3A_525 : i32
          %get3A_527 = arith.index_cast %add3A_526 : i32 to index
          %get3A_528 = tpu.vector_load %arg10[%get3A_527] {strides = array<i32>} : memref<2144xi32, #tpu.memory_space<vmem>>, vector<16xi32>,
          %swap3A_529 = arith.index_cast %add3A_369 : i32 to index
          %swap3A_530 = arith.constant 112 : index
          %swap3A_531 = tpu.vector_load %arg11[%swap3A_529, %swap3A_530] {strides = array<i32>} : memref<17x128xi32, #tpu.memory_space<vmem>>, vector<16xi32>,
          tpu.vector_store %arg11[%swap3A_529, %swap3A_530], %get3A_528 {strides = array<i32>} : memref<17x128xi32, #tpu.memory_space<vmem>>, vector<16xi32>,
          %mul3A_532 = arith.constant 128 : i32
          %mul3A_533 = arith.muli %add3A_369, %mul3A_532 : i32
          %dma_wait3A_534 = tpu.memref_slice %arg9[%mul3A_533] : memref<2144xi32, #tpu.memory_space<vmem>> -> memref<128xi32, #tpu.memory_space<vmem>>
          %dma_wait3A_535 = arith.constant 0 : i32
          %dma_wait3A_536 = arith.constant 0 : i32
          %dma_wait3A_537 = tpu.memref_slice %arg2[%dma_wait3A_535, %dma_wait3A_536] : memref<100352x64xf32, #tpu.memory_space<hbm>> -> memref<100352x64xf32, #tpu.memory_space<hbm>>
          tpu.wait_indirect_dma semaphore(%arg15 : memref<!tpu.dma_semaphore, #tpu.memory_space<semaphore_mem>>) src(%dma_wait3A_537 : memref<100352x64xf32, #tpu.memory_space<hbm>>) dst(%arg13 : memref<128x64xf32, #tpu.memory_space<vmem>>)
          "tpu.region"() ({
            %run_scoped3A = tpu.sem_alloc : memref<!tpu.dma_semaphore, #tpu.memory_space<semaphore_mem>>
            %dma_start3A = arith.constant 0 : i32
            %dma_start3A_538 = tpu.memref_slice %arg11[%add3A_369, %dma_start3A] : memref<17x128xi32, #tpu.memory_space<vmem>> -> memref<1x128xi32, #tpu.memory_space<vmem>>
            %dma_start3A_539 = tpu.memref_squeeze %dma_start3A_538 : memref<1x128xi32, #tpu.memory_space<vmem>> -> memref<128xi32, #tpu.memory_space<vmem>>
            %dma_start3A_540 = arith.constant 0 : i32
            %dma_start3A_541 = arith.constant 0 : i32
            %dma_start3A_542 = tpu.memref_slice %arg6[%dma_start3A_540, %dma_start3A_541] : memref<25104x64xf32, #tpu.memory_space<vmem_shared>> -> memref<25104x64xf32, #tpu.memory_space<vmem_shared>>
            tpu.enqueue_indirect_dma source(%arg13 : memref<128x64xf32, #tpu.memory_space<vmem>>) target(%dma_start3A_542 : memref<25104x64xf32, #tpu.memory_space<vmem_shared>>) offsets(%dma_start3A_539 : memref<128xi32, #tpu.memory_space<vmem>>) semaphore(%run_scoped3A : memref<!tpu.dma_semaphore, #tpu.memory_space<semaphore_mem>>) {add = true}
            %dma_wait3A_543 = arith.constant 0 : i32
            %dma_wait3A_544 = tpu.memref_slice %arg11[%add3A_369, %dma_wait3A_543] : memref<17x128xi32, #tpu.memory_space<vmem>> -> memref<1x128xi32, #tpu.memory_space<vmem>>
            %dma_wait3A_545 = tpu.memref_squeeze %dma_wait3A_544 : memref<1x128xi32, #tpu.memory_space<vmem>> -> memref<128xi32, #tpu.memory_space<vmem>>
            %dma_wait3A_546 = arith.constant 0 : i32
            %dma_wait3A_547 = arith.constant 0 : i32
            %dma_wait3A_548 = tpu.memref_slice %arg6[%dma_wait3A_546, %dma_wait3A_547] : memref<25104x64xf32, #tpu.memory_space<vmem_shared>> -> memref<25104x64xf32, #tpu.memory_space<vmem_shared>>
            tpu.wait_indirect_dma semaphore(%run_scoped3A : memref<!tpu.dma_semaphore, #tpu.memory_space<semaphore_mem>>) src(%arg13 : memref<128x64xf32, #tpu.memory_space<vmem>>) dst(%dma_wait3A_548 : memref<25104x64xf32, #tpu.memory_space<vmem_shared>>)
            tpu.yield
          }) : () -> ()
        } else {
        }
        %while3A_459 = arith.constant 0 : i32
        scf.yield %while3A_459 : i32
      }
      %scan3A_363 = arith.constant 0 : i32
      scf.yield %scan3A_363 : i32
    }
    %scan3A_50 = arith.constant 50 : i32
    %barrier3A_51 = arith.constant 0 : index
    tpu.barrier barrier_id(%barrier3A_51)
    %mul3A_52 = arith.constant 25088 : i32
    %mul3A_53 = arith.muli %add3A_6, %mul3A_52 : i32
    %mul3A_54 = arith.constant 1568 : i32
    %mul3A_55 = arith.muli %arg1, %mul3A_54 : i32
    %add3A_56 = arith.addi %mul3A_53, %mul3A_55 : i32
    %add3A_57 = arith.constant 0 : i32
    %add3A_58 = arith.addi %mul3A_16, %add3A_57 : i32
    %add3A_59 = arith.constant 0 : i32
    %add3A_60 = arith.addi %add3A_56, %add3A_59 : i32
    "tpu.region"() ({
      %run_scoped3A = tpu.sem_alloc : memref<!tpu.dma_semaphore, #tpu.memory_space<semaphore_mem>>
      %dma_start3A = arith.constant 0 : i32
      %dma_start3A_226 = tpu.memref_slice %arg5[%add3A_60, %dma_start3A] : memref<100352x64xf32, #tpu.memory_space<hbm>> -> memref<128x64xf32, #tpu.memory_space<hbm>>
      %dma_start3A_227 = arith.constant 0 : i32
      %dma_start3A_228 = tpu.memref_slice %arg6[%add3A_58, %dma_start3A_227] : memref<25104x64xf32, #tpu.memory_space<vmem_shared>> -> memref<128x64xf32, #tpu.memory_space<vmem_shared>>
      tpu.enqueue_dma source(%dma_start3A_228 : memref<128x64xf32, #tpu.memory_space<vmem_shared>>) target(%dma_start3A_226 : memref<128x64xf32, #tpu.memory_space<hbm>>) target_semaphore(%run_scoped3A : memref<!tpu.dma_semaphore, #tpu.memory_space<semaphore_mem>>)
      %dma_wait3A = arith.constant 0 : i32
      %dma_wait3A_229 = tpu.memref_slice %arg5[%add3A_60, %dma_wait3A] : memref<100352x64xf32, #tpu.memory_space<hbm>> -> memref<128x64xf32, #tpu.memory_space<hbm>>
      %dma_wait3A_230 = arith.constant 0 : i32
      %dma_wait3A_231 = tpu.memref_slice %arg6[%add3A_58, %dma_wait3A_230] : memref<25104x64xf32, #tpu.memory_space<vmem_shared>> -> memref<128x64xf32, #tpu.memory_space<vmem_shared>>
      tpu.wait_dma2 semaphore(%run_scoped3A : memref<!tpu.dma_semaphore, #tpu.memory_space<semaphore_mem>>) src(%dma_wait3A_231 : memref<128x64xf32, #tpu.memory_space<vmem_shared>>) dst(%dma_wait3A_229 : memref<128x64xf32, #tpu.memory_space<hbm>>)
      tpu.yield
    }) : () -> ()
    %add3A_61 = arith.constant 128 : i32
    %add3A_62 = arith.addi %mul3A_16, %add3A_61 : i32
    %add3A_63 = arith.constant 128 : i32
    %add3A_64 = arith.addi %add3A_56, %add3A_63 : i32
    "tpu.region"() ({
      %run_scoped3A = tpu.sem_alloc : memref<!tpu.dma_semaphore, #tpu.memory_space<semaphore_mem>>
      %dma_start3A = arith.constant 0 : i32
      %dma_start3A_226 = tpu.memref_slice %arg5[%add3A_64, %dma_start3A] : memref<100352x64xf32, #tpu.memory_space<hbm>> -> memref<128x64xf32, #tpu.memory_space<hbm>>
      %dma_start3A_227 = arith.constant 0 : i32
      %dma_start3A_228 = tpu.memref_slice %arg6[%add3A_62, %dma_start3A_227] : memref<25104x64xf32, #tpu.memory_space<vmem_shared>> -> memref<128x64xf32, #tpu.memory_space<vmem_shared>>
      tpu.enqueue_dma source(%dma_start3A_228 : memref<128x64xf32, #tpu.memory_space<vmem_shared>>) target(%dma_start3A_226 : memref<128x64xf32, #tpu.memory_space<hbm>>) target_semaphore(%run_scoped3A : memref<!tpu.dma_semaphore, #tpu.memory_space<semaphore_mem>>)
      %dma_wait3A = arith.constant 0 : i32
      %dma_wait3A_229 = tpu.memref_slice %arg5[%add3A_64, %dma_wait3A] : memref<100352x64xf32, #tpu.memory_space<hbm>> -> memref<128x64xf32, #tpu.memory_space<hbm>>
      %dma_wait3A_230 = arith.constant 0 : i32
      %dma_wait3A_231 = tpu.memref_slice %arg6[%add3A_62, %dma_wait3A_230] : memref<25104x64xf32, #tpu.memory_space<vmem_shared>> -> memref<128x64xf32, #tpu.memory_space<vmem_shared>>
      tpu.wait_dma2 semaphore(%run_scoped3A : memref<!tpu.dma_semaphore, #tpu.memory_space<semaphore_mem>>) src(%dma_wait3A_231 : memref<128x64xf32, #tpu.memory_space<vmem_shared>>) dst(%dma_wait3A_229 : memref<128x64xf32, #tpu.memory_space<hbm>>)
      tpu.yield
    }) : () -> ()
    %add3A_65 = arith.constant 256 : i32
    %add3A_66 = arith.addi %mul3A_16, %add3A_65 : i32
    %add3A_67 = arith.constant 256 : i32
    %add3A_68 = arith.addi %add3A_56, %add3A_67 : i32
    "tpu.region"() ({
      %run_scoped3A = tpu.sem_alloc : memref<!tpu.dma_semaphore, #tpu.memory_space<semaphore_mem>>
      %dma_start3A = arith.constant 0 : i32
      %dma_start3A_226 = tpu.memref_slice %arg5[%add3A_68, %dma_start3A] : memref<100352x64xf32, #tpu.memory_space<hbm>> -> memref<128x64xf32, #tpu.memory_space<hbm>>
      %dma_start3A_227 = arith.constant 0 : i32
      %dma_start3A_228 = tpu.memref_slice %arg6[%add3A_66, %dma_start3A_227] : memref<25104x64xf32, #tpu.memory_space<vmem_shared>> -> memref<128x64xf32, #tpu.memory_space<vmem_shared>>
      tpu.enqueue_dma source(%dma_start3A_228 : memref<128x64xf32, #tpu.memory_space<vmem_shared>>) target(%dma_start3A_226 : memref<128x64xf32, #tpu.memory_space<hbm>>) target_semaphore(%run_scoped3A : memref<!tpu.dma_semaphore, #tpu.memory_space<semaphore_mem>>)
      %dma_wait3A = arith.constant 0 : i32
      %dma_wait3A_229 = tpu.memref_slice %arg5[%add3A_68, %dma_wait3A] : memref<100352x64xf32, #tpu.memory_space<hbm>> -> memref<128x64xf32, #tpu.memory_space<hbm>>
      %dma_wait3A_230 = arith.constant 0 : i32
      %dma_wait3A_231 = tpu.memref_slice %arg6[%add3A_66, %dma_wait3A_230] : memref<25104x64xf32, #tpu.memory_space<vmem_shared>> -> memref<128x64xf32, #tpu.memory_space<vmem_shared>>
      tpu.wait_dma2 semaphore(%run_scoped3A : memref<!tpu.dma_semaphore, #tpu.memory_space<semaphore_mem>>) src(%dma_wait3A_231 : memref<128x64xf32, #tpu.memory_space<vmem_shared>>) dst(%dma_wait3A_229 : memref<128x64xf32, #tpu.memory_space<hbm>>)
      tpu.yield
    }) : () -> ()
    %add3A_69 = arith.constant 384 : i32
    %add3A_70 = arith.addi %mul3A_16, %add3A_69 : i32
    %add3A_71 = arith.constant 384 : i32
    %add3A_72 = arith.addi %add3A_56, %add3A_71 : i32
    "tpu.region"() ({
      %run_scoped3A = tpu.sem_alloc : memref<!tpu.dma_semaphore, #tpu.memory_space<semaphore_mem>>
      %dma_start3A = arith.constant 0 : i32
      %dma_start3A_226 = tpu.memref_slice %arg5[%add3A_72, %dma_start3A] : memref<100352x64xf32, #tpu.memory_space<hbm>> -> memref<128x64xf32, #tpu.memory_space<hbm>>
      %dma_start3A_227 = arith.constant 0 : i32
      %dma_start3A_228 = tpu.memref_slice %arg6[%add3A_70, %dma_start3A_227] : memref<25104x64xf32, #tpu.memory_space<vmem_shared>> -> memref<128x64xf32, #tpu.memory_space<vmem_shared>>
      tpu.enqueue_dma source(%dma_start3A_228 : memref<128x64xf32, #tpu.memory_space<vmem_shared>>) target(%dma_start3A_226 : memref<128x64xf32, #tpu.memory_space<hbm>>) target_semaphore(%run_scoped3A : memref<!tpu.dma_semaphore, #tpu.memory_space<semaphore_mem>>)
      %dma_wait3A = arith.constant 0 : i32
      %dma_wait3A_229 = tpu.memref_slice %arg5[%add3A_72, %dma_wait3A] : memref<100352x64xf32, #tpu.memory_space<hbm>> -> memref<128x64xf32, #tpu.memory_space<hbm>>
      %dma_wait3A_230 = arith.constant 0 : i32
      %dma_wait3A_231 = tpu.memref_slice %arg6[%add3A_70, %dma_wait3A_230] : memref<25104x64xf32, #tpu.memory_space<vmem_shared>> -> memref<128x64xf32, #tpu.memory_space<vmem_shared>>
      tpu.wait_dma2 semaphore(%run_scoped3A : memref<!tpu.dma_semaphore, #tpu.memory_space<semaphore_mem>>) src(%dma_wait3A_231 : memref<128x64xf32, #tpu.memory_space<vmem_shared>>) dst(%dma_wait3A_229 : memref<128x64xf32, #tpu.memory_space<hbm>>)
      tpu.yield
    }) : () -> ()
    %add3A_73 = arith.constant 512 : i32
    %add3A_74 = arith.addi %mul3A_16, %add3A_73 : i32
    %add3A_75 = arith.constant 512 : i32
    %add3A_76 = arith.addi %add3A_56, %add3A_75 : i32
    "tpu.region"() ({
      %run_scoped3A = tpu.sem_alloc : memref<!tpu.dma_semaphore, #tpu.memory_space<semaphore_mem>>
      %dma_start3A = arith.constant 0 : i32
      %dma_start3A_226 = tpu.memref_slice %arg5[%add3A_76, %dma_start3A] : memref<100352x64xf32, #tpu.memory_space<hbm>> -> memref<128x64xf32, #tpu.memory_space<hbm>>
      %dma_start3A_227 = arith.constant 0 : i32
      %dma_start3A_228 = tpu.memref_slice %arg6[%add3A_74, %dma_start3A_227] : memref<25104x64xf32, #tpu.memory_space<vmem_shared>> -> memref<128x64xf32, #tpu.memory_space<vmem_shared>>
      tpu.enqueue_dma source(%dma_start3A_228 : memref<128x64xf32, #tpu.memory_space<vmem_shared>>) target(%dma_start3A_226 : memref<128x64xf32, #tpu.memory_space<hbm>>) target_semaphore(%run_scoped3A : memref<!tpu.dma_semaphore, #tpu.memory_space<semaphore_mem>>)
      %dma_wait3A = arith.constant 0 : i32
      %dma_wait3A_229 = tpu.memref_slice %arg5[%add3A_76, %dma_wait3A] : memref<100352x64xf32, #tpu.memory_space<hbm>> -> memref<128x64xf32, #tpu.memory_space<hbm>>
      %dma_wait3A_230 = arith.constant 0 : i32
      %dma_wait3A_231 = tpu.memref_slice %arg6[%add3A_74, %dma_wait3A_230] : memref<25104x64xf32, #tpu.memory_space<vmem_shared>> -> memref<128x64xf32, #tpu.memory_space<vmem_shared>>
      tpu.wait_dma2 semaphore(%run_scoped3A : memref<!tpu.dma_semaphore, #tpu.memory_space<semaphore_mem>>) src(%dma_wait3A_231 : memref<128x64xf32, #tpu.memory_space<vmem_shared>>) dst(%dma_wait3A_229 : memref<128x64xf32, #tpu.memory_space<hbm>>)
      tpu.yield
    }) : () -> ()
    %add3A_77 = arith.constant 640 : i32
    %add3A_78 = arith.addi %mul3A_16, %add3A_77 : i32
    %add3A_79 = arith.constant 640 : i32
    %add3A_80 = arith.addi %add3A_56, %add3A_79 : i32
    "tpu.region"() ({
      %run_scoped3A = tpu.sem_alloc : memref<!tpu.dma_semaphore, #tpu.memory_space<semaphore_mem>>
      %dma_start3A = arith.constant 0 : i32
      %dma_start3A_226 = tpu.memref_slice %arg5[%add3A_80, %dma_start3A] : memref<100352x64xf32, #tpu.memory_space<hbm>> -> memref<128x64xf32, #tpu.memory_space<hbm>>
      %dma_start3A_227 = arith.constant 0 : i32
      %dma_start3A_228 = tpu.memref_slice %arg6[%add3A_78, %dma_start3A_227] : memref<25104x64xf32, #tpu.memory_space<vmem_shared>> -> memref<128x64xf32, #tpu.memory_space<vmem_shared>>
      tpu.enqueue_dma source(%dma_start3A_228 : memref<128x64xf32, #tpu.memory_space<vmem_shared>>) target(%dma_start3A_226 : memref<128x64xf32, #tpu.memory_space<hbm>>) target_semaphore(%run_scoped3A : memref<!tpu.dma_semaphore, #tpu.memory_space<semaphore_mem>>)
      %dma_wait3A = arith.constant 0 : i32
      %dma_wait3A_229 = tpu.memref_slice %arg5[%add3A_80, %dma_wait3A] : memref<100352x64xf32, #tpu.memory_space<hbm>> -> memref<128x64xf32, #tpu.memory_space<hbm>>
      %dma_wait3A_230 = arith.constant 0 : i32
      %dma_wait3A_231 = tpu.memref_slice %arg6[%add3A_78, %dma_wait3A_230] : memref<25104x64xf32, #tpu.memory_space<vmem_shared>> -> memref<128x64xf32, #tpu.memory_space<vmem_shared>>
      tpu.wait_dma2 semaphore(%run_scoped3A : memref<!tpu.dma_semaphore, #tpu.memory_space<semaphore_mem>>) src(%dma_wait3A_231 : memref<128x64xf32, #tpu.memory_space<vmem_shared>>) dst(%dma_wait3A_229 : memref<128x64xf32, #tpu.memory_space<hbm>>)
      tpu.yield
    }) : () -> ()
    %add3A_81 = arith.constant 768 : i32
    %add3A_82 = arith.addi %mul3A_16, %add3A_81 : i32
    %add3A_83 = arith.constant 768 : i32
    %add3A_84 = arith.addi %add3A_56, %add3A_83 : i32
    "tpu.region"() ({
      %run_scoped3A = tpu.sem_alloc : memref<!tpu.dma_semaphore, #tpu.memory_space<semaphore_mem>>
      %dma_start3A = arith.constant 0 : i32
      %dma_start3A_226 = tpu.memref_slice %arg5[%add3A_84, %dma_start3A] : memref<100352x64xf32, #tpu.memory_space<hbm>> -> memref<128x64xf32, #tpu.memory_space<hbm>>
      %dma_start3A_227 = arith.constant 0 : i32
      %dma_start3A_228 = tpu.memref_slice %arg6[%add3A_82, %dma_start3A_227] : memref<25104x64xf32, #tpu.memory_space<vmem_shared>> -> memref<128x64xf32, #tpu.memory_space<vmem_shared>>
      tpu.enqueue_dma source(%dma_start3A_228 : memref<128x64xf32, #tpu.memory_space<vmem_shared>>) target(%dma_start3A_226 : memref<128x64xf32, #tpu.memory_space<hbm>>) target_semaphore(%run_scoped3A : memref<!tpu.dma_semaphore, #tpu.memory_space<semaphore_mem>>)
      %dma_wait3A = arith.constant 0 : i32
      %dma_wait3A_229 = tpu.memref_slice %arg5[%add3A_84, %dma_wait3A] : memref<100352x64xf32, #tpu.memory_space<hbm>> -> memref<128x64xf32, #tpu.memory_space<hbm>>
      %dma_wait3A_230 = arith.constant 0 : i32
      %dma_wait3A_231 = tpu.memref_slice %arg6[%add3A_82, %dma_wait3A_230] : memref<25104x64xf32, #tpu.memory_space<vmem_shared>> -> memref<128x64xf32, #tpu.memory_space<vmem_shared>>
      tpu.wait_dma2 semaphore(%run_scoped3A : memref<!tpu.dma_semaphore, #tpu.memory_space<semaphore_mem>>) src(%dma_wait3A_231 : memref<128x64xf32, #tpu.memory_space<vmem_shared>>) dst(%dma_wait3A_229 : memref<128x64xf32, #tpu.memory_space<hbm>>)
      tpu.yield
    }) : () -> ()
    %add3A_85 = arith.constant 896 : i32
    %add3A_86 = arith.addi %mul3A_16, %add3A_85 : i32
    %add3A_87 = arith.constant 896 : i32
    %add3A_88 = arith.addi %add3A_56, %add3A_87 : i32
    "tpu.region"() ({
      %run_scoped3A = tpu.sem_alloc : memref<!tpu.dma_semaphore, #tpu.memory_space<semaphore_mem>>
      %dma_start3A = arith.constant 0 : i32
      %dma_start3A_226 = tpu.memref_slice %arg5[%add3A_88, %dma_start3A] : memref<100352x64xf32, #tpu.memory_space<hbm>> -> memref<128x64xf32, #tpu.memory_space<hbm>>
      %dma_start3A_227 = arith.constant 0 : i32
      %dma_start3A_228 = tpu.memref_slice %arg6[%add3A_86, %dma_start3A_227] : memref<25104x64xf32, #tpu.memory_space<vmem_shared>> -> memref<128x64xf32, #tpu.memory_space<vmem_shared>>
      tpu.enqueue_dma source(%dma_start3A_228 : memref<128x64xf32, #tpu.memory_space<vmem_shared>>) target(%dma_start3A_226 : memref<128x64xf32, #tpu.memory_space<hbm>>) target_semaphore(%run_scoped3A : memref<!tpu.dma_semaphore, #tpu.memory_space<semaphore_mem>>)
      %dma_wait3A = arith.constant 0 : i32
      %dma_wait3A_229 = tpu.memref_slice %arg5[%add3A_88, %dma_wait3A] : memref<100352x64xf32, #tpu.memory_space<hbm>> -> memref<128x64xf32, #tpu.memory_space<hbm>>
      %dma_wait3A_230 = arith.constant 0 : i32
      %dma_wait3A_231 = tpu.memref_slice %arg6[%add3A_86, %dma_wait3A_230] : memref<25104x64xf32, #tpu.memory_space<vmem_shared>> -> memref<128x64xf32, #tpu.memory_space<vmem_shared>>
      tpu.wait_dma2 semaphore(%run_scoped3A : memref<!tpu.dma_semaphore, #tpu.memory_space<semaphore_mem>>) src(%dma_wait3A_231 : memref<128x64xf32, #tpu.memory_space<vmem_shared>>) dst(%dma_wait3A_229 : memref<128x64xf32, #tpu.memory_space<hbm>>)
      tpu.yield
    }) : () -> ()
    %add3A_89 = arith.constant 1024 : i32
    %add3A_90 = arith.addi %mul3A_16, %add3A_89 : i32
    %add3A_91 = arith.constant 1024 : i32
    %add3A_92 = arith.addi %add3A_56, %add3A_91 : i32
    "tpu.region"() ({
      %run_scoped3A = tpu.sem_alloc : memref<!tpu.dma_semaphore, #tpu.memory_space<semaphore_mem>>
      %dma_start3A = arith.constant 0 : i32
      %dma_start3A_226 = tpu.memref_slice %arg5[%add3A_92, %dma_start3A] : memref<100352x64xf32, #tpu.memory_space<hbm>> -> memref<128x64xf32, #tpu.memory_space<hbm>>
      %dma_start3A_227 = arith.constant 0 : i32
      %dma_start3A_228 = tpu.memref_slice %arg6[%add3A_90, %dma_start3A_227] : memref<25104x64xf32, #tpu.memory_space<vmem_shared>> -> memref<128x64xf32, #tpu.memory_space<vmem_shared>>
      tpu.enqueue_dma source(%dma_start3A_228 : memref<128x64xf32, #tpu.memory_space<vmem_shared>>) target(%dma_start3A_226 : memref<128x64xf32, #tpu.memory_space<hbm>>) target_semaphore(%run_scoped3A : memref<!tpu.dma_semaphore, #tpu.memory_space<semaphore_mem>>)
      %dma_wait3A = arith.constant 0 : i32
      %dma_wait3A_229 = tpu.memref_slice %arg5[%add3A_92, %dma_wait3A] : memref<100352x64xf32, #tpu.memory_space<hbm>> -> memref<128x64xf32, #tpu.memory_space<hbm>>
      %dma_wait3A_230 = arith.constant 0 : i32
      %dma_wait3A_231 = tpu.memref_slice %arg6[%add3A_90, %dma_wait3A_230] : memref<25104x64xf32, #tpu.memory_space<vmem_shared>> -> memref<128x64xf32, #tpu.memory_space<vmem_shared>>
      tpu.wait_dma2 semaphore(%run_scoped3A : memref<!tpu.dma_semaphore, #tpu.memory_space<semaphore_mem>>) src(%dma_wait3A_231 : memref<128x64xf32, #tpu.memory_space<vmem_shared>>) dst(%dma_wait3A_229 : memref<128x64xf32, #tpu.memory_space<hbm>>)
      tpu.yield
    }) : () -> ()
    %add3A_93 = arith.constant 1152 : i32
    %add3A_94 = arith.addi %mul3A_16, %add3A_93 : i32
    %add3A_95 = arith.constant 1152 : i32
    %add3A_96 = arith.addi %add3A_56, %add3A_95 : i32
    "tpu.region"() ({
      %run_scoped3A = tpu.sem_alloc : memref<!tpu.dma_semaphore, #tpu.memory_space<semaphore_mem>>
      %dma_start3A = arith.constant 0 : i32
      %dma_start3A_226 = tpu.memref_slice %arg5[%add3A_96, %dma_start3A] : memref<100352x64xf32, #tpu.memory_space<hbm>> -> memref<128x64xf32, #tpu.memory_space<hbm>>
      %dma_start3A_227 = arith.constant 0 : i32
      %dma_start3A_228 = tpu.memref_slice %arg6[%add3A_94, %dma_start3A_227] : memref<25104x64xf32, #tpu.memory_space<vmem_shared>> -> memref<128x64xf32, #tpu.memory_space<vmem_shared>>
      tpu.enqueue_dma source(%dma_start3A_228 : memref<128x64xf32, #tpu.memory_space<vmem_shared>>) target(%dma_start3A_226 : memref<128x64xf32, #tpu.memory_space<hbm>>) target_semaphore(%run_scoped3A : memref<!tpu.dma_semaphore, #tpu.memory_space<semaphore_mem>>)
      %dma_wait3A = arith.constant 0 : i32
      %dma_wait3A_229 = tpu.memref_slice %arg5[%add3A_96, %dma_wait3A] : memref<100352x64xf32, #tpu.memory_space<hbm>> -> memref<128x64xf32, #tpu.memory_space<hbm>>
      %dma_wait3A_230 = arith.constant 0 : i32
      %dma_wait3A_231 = tpu.memref_slice %arg6[%add3A_94, %dma_wait3A_230] : memref<25104x64xf32, #tpu.memory_space<vmem_shared>> -> memref<128x64xf32, #tpu.memory_space<vmem_shared>>
      tpu.wait_dma2 semaphore(%run_scoped3A : memref<!tpu.dma_semaphore, #tpu.memory_space<semaphore_mem>>) src(%dma_wait3A_231 : memref<128x64xf32, #tpu.memory_space<vmem_shared>>) dst(%dma_wait3A_229 : memref<128x64xf32, #tpu.memory_space<hbm>>)
      tpu.yield
    }) : () -> ()
    %add3A_97 = arith.constant 1280 : i32
    %add3A_98 = arith.addi %mul3A_16, %add3A_97 : i32
    %add3A_99 = arith.constant 1280 : i32
    %add3A_100 = arith.addi %add3A_56, %add3A_99 : i32
    "tpu.region"() ({
      %run_scoped3A = tpu.sem_alloc : memref<!tpu.dma_semaphore, #tpu.memory_space<semaphore_mem>>
      %dma_start3A = arith.constant 0 : i32
      %dma_start3A_226 = tpu.memref_slice %arg5[%add3A_100, %dma_start3A] : memref<100352x64xf32, #tpu.memory_space<hbm>> -> memref<128x64xf32, #tpu.memory_space<hbm>>
      %dma_start3A_227 = arith.constant 0 : i32
      %dma_start3A_228 = tpu.memref_slice %arg6[%add3A_98, %dma_start3A_227] : memref<25104x64xf32, #tpu.memory_space<vmem_shared>> -> memref<128x64xf32, #tpu.memory_space<vmem_shared>>
      tpu.enqueue_dma source(%dma_start3A_228 : memref<128x64xf32, #tpu.memory_space<vmem_shared>>) target(%dma_start3A_226 : memref<128x64xf32, #tpu.memory_space<hbm>>) target_semaphore(%run_scoped3A : memref<!tpu.dma_semaphore, #tpu.memory_space<semaphore_mem>>)
      %dma_wait3A = arith.constant 0 : i32
      %dma_wait3A_229 = tpu.memref_slice %arg5[%add3A_100, %dma_wait3A] : memref<100352x64xf32, #tpu.memory_space<hbm>> -> memref<128x64xf32, #tpu.memory_space<hbm>>
      %dma_wait3A_230 = arith.constant 0 : i32
      %dma_wait3A_231 = tpu.memref_slice %arg6[%add3A_98, %dma_wait3A_230] : memref<25104x64xf32, #tpu.memory_space<vmem_shared>> -> memref<128x64xf32, #tpu.memory_space<vmem_shared>>
      tpu.wait_dma2 semaphore(%run_scoped3A : memref<!tpu.dma_semaphore, #tpu.memory_space<semaphore_mem>>) src(%dma_wait3A_231 : memref<128x64xf32, #tpu.memory_space<vmem_shared>>) dst(%dma_wait3A_229 : memref<128x64xf32, #tpu.memory_space<hbm>>)
      tpu.yield
    }) : () -> ()
    %add3A_101 = arith.constant 1408 : i32
    %add3A_102 = arith.addi %mul3A_16, %add3A_101 : i32
    %add3A_103 = arith.constant 1408 : i32
    %add3A_104 = arith.addi %add3A_56, %add3A_103 : i32
    "tpu.region"() ({
      %run_scoped3A = tpu.sem_alloc : memref<!tpu.dma_semaphore, #tpu.memory_space<semaphore_mem>>
      %dma_start3A = arith.constant 0 : i32
      %dma_start3A_226 = tpu.memref_slice %arg5[%add3A_104, %dma_start3A] : memref<100352x64xf32, #tpu.memory_space<hbm>> -> memref<128x64xf32, #tpu.memory_space<hbm>>
      %dma_start3A_227 = arith.constant 0 : i32
      %dma_start3A_228 = tpu.memref_slice %arg6[%add3A_102, %dma_start3A_227] : memref<25104x64xf32, #tpu.memory_space<vmem_shared>> -> memref<128x64xf32, #tpu.memory_space<vmem_shared>>
      tpu.enqueue_dma source(%dma_start3A_228 : memref<128x64xf32, #tpu.memory_space<vmem_shared>>) target(%dma_start3A_226 : memref<128x64xf32, #tpu.memory_space<hbm>>) target_semaphore(%run_scoped3A : memref<!tpu.dma_semaphore, #tpu.memory_space<semaphore_mem>>)
      %dma_wait3A = arith.constant 0 : i32
      %dma_wait3A_229 = tpu.memref_slice %arg5[%add3A_104, %dma_wait3A] : memref<100352x64xf32, #tpu.memory_space<hbm>> -> memref<128x64xf32, #tpu.memory_space<hbm>>
      %dma_wait3A_230 = arith.constant 0 : i32
      %dma_wait3A_231 = tpu.memref_slice %arg6[%add3A_102, %dma_wait3A_230] : memref<25104x64xf32, #tpu.memory_space<vmem_shared>> -> memref<128x64xf32, #tpu.memory_space<vmem_shared>>
      tpu.wait_dma2 semaphore(%run_scoped3A : memref<!tpu.dma_semaphore, #tpu.memory_space<semaphore_mem>>) src(%dma_wait3A_231 : memref<128x64xf32, #tpu.memory_space<vmem_shared>>) dst(%dma_wait3A_229 : memref<128x64xf32, #tpu.memory_space<hbm>>)
      tpu.yield
    }) : () -> ()
    %add3A_105 = arith.constant 1568 : i32
    %add3A_106 = arith.addi %mul3A_16, %add3A_105 : i32
    %sub3A_107 = arith.constant 32 : i32
    %sub3A_108 = arith.subi %add3A_106, %sub3A_107 : i32
    %add3A_109 = arith.constant 1568 : i32
    %add3A_110 = arith.addi %add3A_56, %add3A_109 : i32
    %sub3A_111 = arith.constant 32 : i32
    %sub3A_112 = arith.subi %add3A_110, %sub3A_111 : i32
    "tpu.region"() ({
      %run_scoped3A = tpu.sem_alloc : memref<!tpu.dma_semaphore, #tpu.memory_space<semaphore_mem>>
      %dma_start3A = arith.constant 0 : i32
      %dma_start3A_226 = tpu.memref_slice %arg5[%sub3A_112, %dma_start3A] : memref<100352x64xf32, #tpu.memory_space<hbm>> -> memref<32x64xf32, #tpu.memory_space<hbm>>
      %dma_start3A_227 = arith.constant 0 : i32
      %dma_start3A_228 = tpu.memref_slice %arg6[%sub3A_108, %dma_start3A_227] : memref<25104x64xf32, #tpu.memory_space<vmem_shared>> -> memref<32x64xf32, #tpu.memory_space<vmem_shared>>
      tpu.enqueue_dma source(%dma_start3A_228 : memref<32x64xf32, #tpu.memory_space<vmem_shared>>) target(%dma_start3A_226 : memref<32x64xf32, #tpu.memory_space<hbm>>) target_semaphore(%run_scoped3A : memref<!tpu.dma_semaphore, #tpu.memory_space<semaphore_mem>>)
      %dma_wait3A = arith.constant 0 : i32
      %dma_wait3A_229 = tpu.memref_slice %arg5[%sub3A_112, %dma_wait3A] : memref<100352x64xf32, #tpu.memory_space<hbm>> -> memref<32x64xf32, #tpu.memory_space<hbm>>
      %dma_wait3A_230 = arith.constant 0 : i32
      %dma_wait3A_231 = tpu.memref_slice %arg6[%sub3A_108, %dma_wait3A_230] : memref<25104x64xf32, #tpu.memory_space<vmem_shared>> -> memref<32x64xf32, #tpu.memory_space<vmem_shared>>
      tpu.wait_dma2 semaphore(%run_scoped3A : memref<!tpu.dma_semaphore, #tpu.memory_space<semaphore_mem>>) src(%dma_wait3A_231 : memref<32x64xf32, #tpu.memory_space<vmem_shared>>) dst(%dma_wait3A_229 : memref<32x64xf32, #tpu.memory_space<hbm>>)
      tpu.yield
    }) : () -> ()
    %mul3A_113 = arith.constant 2 : i32
    %mul3A_114 = arith.muli %arg0, %mul3A_113 : i32
    %add3A_115 = arith.constant 1 : i32
    %add3A_116 = arith.addi %mul3A_114, %add3A_115 : i32
    %mul3A_117 = arith.constant 25088 : i32
    %mul3A_118 = arith.muli %add3A_116, %mul3A_117 : i32
    %scan3A_119 = arith.constant 0 : i32
    %scan3A_120 = arith.constant 0 : i32
    %scan3A_121 = arith.constant 128 : i32
    %scan3A_122 = arith.addi %scan3A_120, %scan3A_121 : i32
    %scan3A_123 = arith.constant 1 : i32
    %scan3A_124 = scf.for %scan3A_226 = %scan3A_120 to %scan3A_122 step %scan3A_123 iter_args(%scan3A_227 = %scan3A_119) -> (i32)  : i32 {
      %swap3A = arith.index_cast %scan3A_226 : i32 to index
      %swap3A_228 = arith.constant 0 : index
      %swap3A_229 = tpu.vector_load %arg12[%swap3A, %swap3A_228] {strides = array<i32>} : memref<128x64xf32, #tpu.memory_space<vmem>>, vector<16xf32>,
      tpu.vector_store %arg12[%swap3A, %swap3A_228], %broadcast_in_dim3A_0 {strides = array<i32>} : memref<128x64xf32, #tpu.memory_space<vmem>>, vector<16xf32>,
      %swap3A_230 = arith.index_cast %scan3A_226 : i32 to index
      %swap3A_231 = arith.constant 16 : index
      %swap3A_232 = tpu.vector_load %arg12[%swap3A_230, %swap3A_231] {strides = array<i32>} : memref<128x64xf32, #tpu.memory_space<vmem>>, vector<16xf32>,
      tpu.vector_store %arg12[%swap3A_230, %swap3A_231], %broadcast_in_dim3A_0 {strides = array<i32>} : memref<128x64xf32, #tpu.memory_space<vmem>>, vector<16xf32>,
      %swap3A_233 = arith.index_cast %scan3A_226 : i32 to index
      %swap3A_234 = arith.constant 32 : index
      %swap3A_235 = tpu.vector_load %arg12[%swap3A_233, %swap3A_234] {strides = array<i32>} : memref<128x64xf32, #tpu.memory_space<vmem>>, vector<16xf32>,
      tpu.vector_store %arg12[%swap3A_233, %swap3A_234], %broadcast_in_dim3A_0 {strides = array<i32>} : memref<128x64xf32, #tpu.memory_space<vmem>>, vector<16xf32>,
      %swap3A_236 = arith.index_cast %scan3A_226 : i32 to index
      %swap3A_237 = arith.constant 48 : index
      %swap3A_238 = tpu.vector_load %arg12[%swap3A_236, %swap3A_237] {strides = array<i32>} : memref<128x64xf32, #tpu.memory_space<vmem>>, vector<16xf32>,
      tpu.vector_store %arg12[%swap3A_236, %swap3A_237], %broadcast_in_dim3A_0 {strides = array<i32>} : memref<128x64xf32, #tpu.memory_space<vmem>>, vector<16xf32>,
      %scan3A_239 = arith.constant 0 : i32
      scf.yield %scan3A_239 : i32
    }
    %scan3A_125 = arith.constant 128 : i32
    %mul3A_126 = arith.constant 1568 : i32
    %mul3A_127 = arith.muli %arg1, %mul3A_126 : i32
    %add3A_128 = arith.constant 0 : i32
    %add3A_129 = arith.addi %mul3A_127, %add3A_128 : i32
    "tpu.region"() ({
      %run_scoped3A = tpu.sem_alloc : memref<!tpu.dma_semaphore, #tpu.memory_space<semaphore_mem>>
      %dma_start3A = arith.constant 0 : i32
      %dma_start3A_226 = tpu.memref_slice %arg6[%add3A_129, %dma_start3A] : memref<25104x64xf32, #tpu.memory_space<vmem_shared>> -> memref<128x64xf32, #tpu.memory_space<vmem_shared>>
      %dma_start3A_227 = arith.constant 0 : i32
      %dma_start3A_228 = tpu.memref_slice %arg6[%add3A_129, %dma_start3A_227] : memref<25104x64xf32, #tpu.memory_space<vmem_shared>> -> memref<128x64xf32, #tpu.memory_space<vmem_shared>>
      tpu.enqueue_dma source(%arg12 : memref<128x64xf32, #tpu.memory_space<vmem>>) target(%dma_start3A_228 : memref<128x64xf32, #tpu.memory_space<vmem_shared>>) target_semaphore(%run_scoped3A : memref<!tpu.dma_semaphore, #tpu.memory_space<semaphore_mem>>)
      %dma_wait3A = arith.constant 0 : i32
      %dma_wait3A_229 = tpu.memref_slice %arg6[%add3A_129, %dma_wait3A] : memref<25104x64xf32, #tpu.memory_space<vmem_shared>> -> memref<128x64xf32, #tpu.memory_space<vmem_shared>>
      %dma_wait3A_230 = arith.constant 0 : i32
      %dma_wait3A_231 = tpu.memref_slice %arg6[%add3A_129, %dma_wait3A_230] : memref<25104x64xf32, #tpu.memory_space<vmem_shared>> -> memref<128x64xf32, #tpu.memory_space<vmem_shared>>
      tpu.wait_dma2 semaphore(%run_scoped3A : memref<!tpu.dma_semaphore, #tpu.memory_space<semaphore_mem>>) src(%arg12 : memref<128x64xf32, #tpu.memory_space<vmem>>) dst(%dma_wait3A_231 : memref<128x64xf32, #tpu.memory_space<vmem_shared>>)
      tpu.yield
    }) : () -> ()
    %add3A_130 = arith.constant 128 : i32
    %add3A_131 = arith.addi %mul3A_127, %add3A_130 : i32
    "tpu.region"() ({
      %run_scoped3A = tpu.sem_alloc : memref<!tpu.dma_semaphore, #tpu.memory_space<semaphore_mem>>
      %dma_start3A = arith.constant 0 : i32
      %dma_start3A_226 = tpu.memref_slice %arg6[%add3A_131, %dma_start3A] : memref<25104x64xf32, #tpu.memory_space<vmem_shared>> -> memref<128x64xf32, #tpu.memory_space<vmem_shared>>
      %dma_start3A_227 = arith.constant 0 : i32
      %dma_start3A_228 = tpu.memref_slice %arg6[%add3A_131, %dma_start3A_227] : memref<25104x64xf32, #tpu.memory_space<vmem_shared>> -> memref<128x64xf32, #tpu.memory_space<vmem_shared>>
      tpu.enqueue_dma source(%arg12 : memref<128x64xf32, #tpu.memory_space<vmem>>) target(%dma_start3A_228 : memref<128x64xf32, #tpu.memory_space<vmem_shared>>) target_semaphore(%run_scoped3A : memref<!tpu.dma_semaphore, #tpu.memory_space<semaphore_mem>>)
      %dma_wait3A = arith.constant 0 : i32
      %dma_wait3A_229 = tpu.memref_slice %arg6[%add3A_131, %dma_wait3A] : memref<25104x64xf32, #tpu.memory_space<vmem_shared>> -> memref<128x64xf32, #tpu.memory_space<vmem_shared>>
      %dma_wait3A_230 = arith.constant 0 : i32
      %dma_wait3A_231 = tpu.memref_slice %arg6[%add3A_131, %dma_wait3A_230] : memref<25104x64xf32, #tpu.memory_space<vmem_shared>> -> memref<128x64xf32, #tpu.memory_space<vmem_shared>>
      tpu.wait_dma2 semaphore(%run_scoped3A : memref<!tpu.dma_semaphore, #tpu.memory_space<semaphore_mem>>) src(%arg12 : memref<128x64xf32, #tpu.memory_space<vmem>>) dst(%dma_wait3A_231 : memref<128x64xf32, #tpu.memory_space<vmem_shared>>)
      tpu.yield
    }) : () -> ()
    %add3A_132 = arith.constant 256 : i32
    %add3A_133 = arith.addi %mul3A_127, %add3A_132 : i32
    "tpu.region"() ({
      %run_scoped3A = tpu.sem_alloc : memref<!tpu.dma_semaphore, #tpu.memory_space<semaphore_mem>>
      %dma_start3A = arith.constant 0 : i32
      %dma_start3A_226 = tpu.memref_slice %arg6[%add3A_133, %dma_start3A] : memref<25104x64xf32, #tpu.memory_space<vmem_shared>> -> memref<128x64xf32, #tpu.memory_space<vmem_shared>>
      %dma_start3A_227 = arith.constant 0 : i32
      %dma_start3A_228 = tpu.memref_slice %arg6[%add3A_133, %dma_start3A_227] : memref<25104x64xf32, #tpu.memory_space<vmem_shared>> -> memref<128x64xf32, #tpu.memory_space<vmem_shared>>
      tpu.enqueue_dma source(%arg12 : memref<128x64xf32, #tpu.memory_space<vmem>>) target(%dma_start3A_228 : memref<128x64xf32, #tpu.memory_space<vmem_shared>>) target_semaphore(%run_scoped3A : memref<!tpu.dma_semaphore, #tpu.memory_space<semaphore_mem>>)
      %dma_wait3A = arith.constant 0 : i32
      %dma_wait3A_229 = tpu.memref_slice %arg6[%add3A_133, %dma_wait3A] : memref<25104x64xf32, #tpu.memory_space<vmem_shared>> -> memref<128x64xf32, #tpu.memory_space<vmem_shared>>
      %dma_wait3A_230 = arith.constant 0 : i32
      %dma_wait3A_231 = tpu.memref_slice %arg6[%add3A_133, %dma_wait3A_230] : memref<25104x64xf32, #tpu.memory_space<vmem_shared>> -> memref<128x64xf32, #tpu.memory_space<vmem_shared>>
      tpu.wait_dma2 semaphore(%run_scoped3A : memref<!tpu.dma_semaphore, #tpu.memory_space<semaphore_mem>>) src(%arg12 : memref<128x64xf32, #tpu.memory_space<vmem>>) dst(%dma_wait3A_231 : memref<128x64xf32, #tpu.memory_space<vmem_shared>>)
      tpu.yield
    }) : () -> ()
    %add3A_134 = arith.constant 384 : i32
    %add3A_135 = arith.addi %mul3A_127, %add3A_134 : i32
    "tpu.region"() ({
      %run_scoped3A = tpu.sem_alloc : memref<!tpu.dma_semaphore, #tpu.memory_space<semaphore_mem>>
      %dma_start3A = arith.constant 0 : i32
      %dma_start3A_226 = tpu.memref_slice %arg6[%add3A_135, %dma_start3A] : memref<25104x64xf32, #tpu.memory_space<vmem_shared>> -> memref<128x64xf32, #tpu.memory_space<vmem_shared>>
      %dma_start3A_227 = arith.constant 0 : i32
      %dma_start3A_228 = tpu.memref_slice %arg6[%add3A_135, %dma_start3A_227] : memref<25104x64xf32, #tpu.memory_space<vmem_shared>> -> memref<128x64xf32, #tpu.memory_space<vmem_shared>>
      tpu.enqueue_dma source(%arg12 : memref<128x64xf32, #tpu.memory_space<vmem>>) target(%dma_start3A_228 : memref<128x64xf32, #tpu.memory_space<vmem_shared>>) target_semaphore(%run_scoped3A : memref<!tpu.dma_semaphore, #tpu.memory_space<semaphore_mem>>)
      %dma_wait3A = arith.constant 0 : i32
      %dma_wait3A_229 = tpu.memref_slice %arg6[%add3A_135, %dma_wait3A] : memref<25104x64xf32, #tpu.memory_space<vmem_shared>> -> memref<128x64xf32, #tpu.memory_space<vmem_shared>>
      %dma_wait3A_230 = arith.constant 0 : i32
      %dma_wait3A_231 = tpu.memref_slice %arg6[%add3A_135, %dma_wait3A_230] : memref<25104x64xf32, #tpu.memory_space<vmem_shared>> -> memref<128x64xf32, #tpu.memory_space<vmem_shared>>
      tpu.wait_dma2 semaphore(%run_scoped3A : memref<!tpu.dma_semaphore, #tpu.memory_space<semaphore_mem>>) src(%arg12 : memref<128x64xf32, #tpu.memory_space<vmem>>) dst(%dma_wait3A_231 : memref<128x64xf32, #tpu.memory_space<vmem_shared>>)
      tpu.yield
    }) : () -> ()
    %add3A_136 = arith.constant 512 : i32
    %add3A_137 = arith.addi %mul3A_127, %add3A_136 : i32
    "tpu.region"() ({
      %run_scoped3A = tpu.sem_alloc : memref<!tpu.dma_semaphore, #tpu.memory_space<semaphore_mem>>
      %dma_start3A = arith.constant 0 : i32
      %dma_start3A_226 = tpu.memref_slice %arg6[%add3A_137, %dma_start3A] : memref<25104x64xf32, #tpu.memory_space<vmem_shared>> -> memref<128x64xf32, #tpu.memory_space<vmem_shared>>
      %dma_start3A_227 = arith.constant 0 : i32
      %dma_start3A_228 = tpu.memref_slice %arg6[%add3A_137, %dma_start3A_227] : memref<25104x64xf32, #tpu.memory_space<vmem_shared>> -> memref<128x64xf32, #tpu.memory_space<vmem_shared>>
      tpu.enqueue_dma source(%arg12 : memref<128x64xf32, #tpu.memory_space<vmem>>) target(%dma_start3A_228 : memref<128x64xf32, #tpu.memory_space<vmem_shared>>) target_semaphore(%run_scoped3A : memref<!tpu.dma_semaphore, #tpu.memory_space<semaphore_mem>>)
      %dma_wait3A = arith.constant 0 : i32
      %dma_wait3A_229 = tpu.memref_slice %arg6[%add3A_137, %dma_wait3A] : memref<25104x64xf32, #tpu.memory_space<vmem_shared>> -> memref<128x64xf32, #tpu.memory_space<vmem_shared>>
      %dma_wait3A_230 = arith.constant 0 : i32
      %dma_wait3A_231 = tpu.memref_slice %arg6[%add3A_137, %dma_wait3A_230] : memref<25104x64xf32, #tpu.memory_space<vmem_shared>> -> memref<128x64xf32, #tpu.memory_space<vmem_shared>>
      tpu.wait_dma2 semaphore(%run_scoped3A : memref<!tpu.dma_semaphore, #tpu.memory_space<semaphore_mem>>) src(%arg12 : memref<128x64xf32, #tpu.memory_space<vmem>>) dst(%dma_wait3A_231 : memref<128x64xf32, #tpu.memory_space<vmem_shared>>)
      tpu.yield
    }) : () -> ()
    %add3A_138 = arith.constant 640 : i32
    %add3A_139 = arith.addi %mul3A_127, %add3A_138 : i32
    "tpu.region"() ({
      %run_scoped3A = tpu.sem_alloc : memref<!tpu.dma_semaphore, #tpu.memory_space<semaphore_mem>>
      %dma_start3A = arith.constant 0 : i32
      %dma_start3A_226 = tpu.memref_slice %arg6[%add3A_139, %dma_start3A] : memref<25104x64xf32, #tpu.memory_space<vmem_shared>> -> memref<128x64xf32, #tpu.memory_space<vmem_shared>>
      %dma_start3A_227 = arith.constant 0 : i32
      %dma_start3A_228 = tpu.memref_slice %arg6[%add3A_139, %dma_start3A_227] : memref<25104x64xf32, #tpu.memory_space<vmem_shared>> -> memref<128x64xf32, #tpu.memory_space<vmem_shared>>
      tpu.enqueue_dma source(%arg12 : memref<128x64xf32, #tpu.memory_space<vmem>>) target(%dma_start3A_228 : memref<128x64xf32, #tpu.memory_space<vmem_shared>>) target_semaphore(%run_scoped3A : memref<!tpu.dma_semaphore, #tpu.memory_space<semaphore_mem>>)
      %dma_wait3A = arith.constant 0 : i32
      %dma_wait3A_229 = tpu.memref_slice %arg6[%add3A_139, %dma_wait3A] : memref<25104x64xf32, #tpu.memory_space<vmem_shared>> -> memref<128x64xf32, #tpu.memory_space<vmem_shared>>
      %dma_wait3A_230 = arith.constant 0 : i32
      %dma_wait3A_231 = tpu.memref_slice %arg6[%add3A_139, %dma_wait3A_230] : memref<25104x64xf32, #tpu.memory_space<vmem_shared>> -> memref<128x64xf32, #tpu.memory_space<vmem_shared>>
      tpu.wait_dma2 semaphore(%run_scoped3A : memref<!tpu.dma_semaphore, #tpu.memory_space<semaphore_mem>>) src(%arg12 : memref<128x64xf32, #tpu.memory_space<vmem>>) dst(%dma_wait3A_231 : memref<128x64xf32, #tpu.memory_space<vmem_shared>>)
      tpu.yield
    }) : () -> ()
    %add3A_140 = arith.constant 768 : i32
    %add3A_141 = arith.addi %mul3A_127, %add3A_140 : i32
    "tpu.region"() ({
      %run_scoped3A = tpu.sem_alloc : memref<!tpu.dma_semaphore, #tpu.memory_space<semaphore_mem>>
      %dma_start3A = arith.constant 0 : i32
      %dma_start3A_226 = tpu.memref_slice %arg6[%add3A_141, %dma_start3A] : memref<25104x64xf32, #tpu.memory_space<vmem_shared>> -> memref<128x64xf32, #tpu.memory_space<vmem_shared>>
      %dma_start3A_227 = arith.constant 0 : i32
      %dma_start3A_228 = tpu.memref_slice %arg6[%add3A_141, %dma_start3A_227] : memref<25104x64xf32, #tpu.memory_space<vmem_shared>> -> memref<128x64xf32, #tpu.memory_space<vmem_shared>>
      tpu.enqueue_dma source(%arg12 : memref<128x64xf32, #tpu.memory_space<vmem>>) target(%dma_start3A_228 : memref<128x64xf32, #tpu.memory_space<vmem_shared>>) target_semaphore(%run_scoped3A : memref<!tpu.dma_semaphore, #tpu.memory_space<semaphore_mem>>)
      %dma_wait3A = arith.constant 0 : i32
      %dma_wait3A_229 = tpu.memref_slice %arg6[%add3A_141, %dma_wait3A] : memref<25104x64xf32, #tpu.memory_space<vmem_shared>> -> memref<128x64xf32, #tpu.memory_space<vmem_shared>>
      %dma_wait3A_230 = arith.constant 0 : i32
      %dma_wait3A_231 = tpu.memref_slice %arg6[%add3A_141, %dma_wait3A_230] : memref<25104x64xf32, #tpu.memory_space<vmem_shared>> -> memref<128x64xf32, #tpu.memory_space<vmem_shared>>
      tpu.wait_dma2 semaphore(%run_scoped3A : memref<!tpu.dma_semaphore, #tpu.memory_space<semaphore_mem>>) src(%arg12 : memref<128x64xf32, #tpu.memory_space<vmem>>) dst(%dma_wait3A_231 : memref<128x64xf32, #tpu.memory_space<vmem_shared>>)
      tpu.yield
    }) : () -> ()
    %add3A_142 = arith.constant 896 : i32
    %add3A_143 = arith.addi %mul3A_127, %add3A_142 : i32
    "tpu.region"() ({
      %run_scoped3A = tpu.sem_alloc : memref<!tpu.dma_semaphore, #tpu.memory_space<semaphore_mem>>
      %dma_start3A = arith.constant 0 : i32
      %dma_start3A_226 = tpu.memref_slice %arg6[%add3A_143, %dma_start3A] : memref<25104x64xf32, #tpu.memory_space<vmem_shared>> -> memref<128x64xf32, #tpu.memory_space<vmem_shared>>
      %dma_start3A_227 = arith.constant 0 : i32
      %dma_start3A_228 = tpu.memref_slice %arg6[%add3A_143, %dma_start3A_227] : memref<25104x64xf32, #tpu.memory_space<vmem_shared>> -> memref<128x64xf32, #tpu.memory_space<vmem_shared>>
      tpu.enqueue_dma source(%arg12 : memref<128x64xf32, #tpu.memory_space<vmem>>) target(%dma_start3A_228 : memref<128x64xf32, #tpu.memory_space<vmem_shared>>) target_semaphore(%run_scoped3A : memref<!tpu.dma_semaphore, #tpu.memory_space<semaphore_mem>>)
      %dma_wait3A = arith.constant 0 : i32
      %dma_wait3A_229 = tpu.memref_slice %arg6[%add3A_143, %dma_wait3A] : memref<25104x64xf32, #tpu.memory_space<vmem_shared>> -> memref<128x64xf32, #tpu.memory_space<vmem_shared>>
      %dma_wait3A_230 = arith.constant 0 : i32
      %dma_wait3A_231 = tpu.memref_slice %arg6[%add3A_143, %dma_wait3A_230] : memref<25104x64xf32, #tpu.memory_space<vmem_shared>> -> memref<128x64xf32, #tpu.memory_space<vmem_shared>>
      tpu.wait_dma2 semaphore(%run_scoped3A : memref<!tpu.dma_semaphore, #tpu.memory_space<semaphore_mem>>) src(%arg12 : memref<128x64xf32, #tpu.memory_space<vmem>>) dst(%dma_wait3A_231 : memref<128x64xf32, #tpu.memory_space<vmem_shared>>)
      tpu.yield
    }) : () -> ()
    %add3A_144 = arith.constant 1024 : i32
    %add3A_145 = arith.addi %mul3A_127, %add3A_144 : i32
    "tpu.region"() ({
      %run_scoped3A = tpu.sem_alloc : memref<!tpu.dma_semaphore, #tpu.memory_space<semaphore_mem>>
      %dma_start3A = arith.constant 0 : i32
      %dma_start3A_226 = tpu.memref_slice %arg6[%add3A_145, %dma_start3A] : memref<25104x64xf32, #tpu.memory_space<vmem_shared>> -> memref<128x64xf32, #tpu.memory_space<vmem_shared>>
      %dma_start3A_227 = arith.constant 0 : i32
      %dma_start3A_228 = tpu.memref_slice %arg6[%add3A_145, %dma_start3A_227] : memref<25104x64xf32, #tpu.memory_space<vmem_shared>> -> memref<128x64xf32, #tpu.memory_space<vmem_shared>>
      tpu.enqueue_dma source(%arg12 : memref<128x64xf32, #tpu.memory_space<vmem>>) target(%dma_start3A_228 : memref<128x64xf32, #tpu.memory_space<vmem_shared>>) target_semaphore(%run_scoped3A : memref<!tpu.dma_semaphore, #tpu.memory_space<semaphore_mem>>)
      %dma_wait3A = arith.constant 0 : i32
      %dma_wait3A_229 = tpu.memref_slice %arg6[%add3A_145, %dma_wait3A] : memref<25104x64xf32, #tpu.memory_space<vmem_shared>> -> memref<128x64xf32, #tpu.memory_space<vmem_shared>>
      %dma_wait3A_230 = arith.constant 0 : i32
      %dma_wait3A_231 = tpu.memref_slice %arg6[%add3A_145, %dma_wait3A_230] : memref<25104x64xf32, #tpu.memory_space<vmem_shared>> -> memref<128x64xf32, #tpu.memory_space<vmem_shared>>
      tpu.wait_dma2 semaphore(%run_scoped3A : memref<!tpu.dma_semaphore, #tpu.memory_space<semaphore_mem>>) src(%arg12 : memref<128x64xf32, #tpu.memory_space<vmem>>) dst(%dma_wait3A_231 : memref<128x64xf32, #tpu.memory_space<vmem_shared>>)
      tpu.yield
    }) : () -> ()
    %add3A_146 = arith.constant 1152 : i32
    %add3A_147 = arith.addi %mul3A_127, %add3A_146 : i32
    "tpu.region"() ({
      %run_scoped3A = tpu.sem_alloc : memref<!tpu.dma_semaphore, #tpu.memory_space<semaphore_mem>>
      %dma_start3A = arith.constant 0 : i32
      %dma_start3A_226 = tpu.memref_slice %arg6[%add3A_147, %dma_start3A] : memref<25104x64xf32, #tpu.memory_space<vmem_shared>> -> memref<128x64xf32, #tpu.memory_space<vmem_shared>>
      %dma_start3A_227 = arith.constant 0 : i32
      %dma_start3A_228 = tpu.memref_slice %arg6[%add3A_147, %dma_start3A_227] : memref<25104x64xf32, #tpu.memory_space<vmem_shared>> -> memref<128x64xf32, #tpu.memory_space<vmem_shared>>
      tpu.enqueue_dma source(%arg12 : memref<128x64xf32, #tpu.memory_space<vmem>>) target(%dma_start3A_228 : memref<128x64xf32, #tpu.memory_space<vmem_shared>>) target_semaphore(%run_scoped3A : memref<!tpu.dma_semaphore, #tpu.memory_space<semaphore_mem>>)
      %dma_wait3A = arith.constant 0 : i32
      %dma_wait3A_229 = tpu.memref_slice %arg6[%add3A_147, %dma_wait3A] : memref<25104x64xf32, #tpu.memory_space<vmem_shared>> -> memref<128x64xf32, #tpu.memory_space<vmem_shared>>
      %dma_wait3A_230 = arith.constant 0 : i32
      %dma_wait3A_231 = tpu.memref_slice %arg6[%add3A_147, %dma_wait3A_230] : memref<25104x64xf32, #tpu.memory_space<vmem_shared>> -> memref<128x64xf32, #tpu.memory_space<vmem_shared>>
      tpu.wait_dma2 semaphore(%run_scoped3A : memref<!tpu.dma_semaphore, #tpu.memory_space<semaphore_mem>>) src(%arg12 : memref<128x64xf32, #tpu.memory_space<vmem>>) dst(%dma_wait3A_231 : memref<128x64xf32, #tpu.memory_space<vmem_shared>>)
      tpu.yield
    }) : () -> ()
    %add3A_148 = arith.constant 1280 : i32
    %add3A_149 = arith.addi %mul3A_127, %add3A_148 : i32
    "tpu.region"() ({
      %run_scoped3A = tpu.sem_alloc : memref<!tpu.dma_semaphore, #tpu.memory_space<semaphore_mem>>
      %dma_start3A = arith.constant 0 : i32
      %dma_start3A_226 = tpu.memref_slice %arg6[%add3A_149, %dma_start3A] : memref<25104x64xf32, #tpu.memory_space<vmem_shared>> -> memref<128x64xf32, #tpu.memory_space<vmem_shared>>
      %dma_start3A_227 = arith.constant 0 : i32
      %dma_start3A_228 = tpu.memref_slice %arg6[%add3A_149, %dma_start3A_227] : memref<25104x64xf32, #tpu.memory_space<vmem_shared>> -> memref<128x64xf32, #tpu.memory_space<vmem_shared>>
      tpu.enqueue_dma source(%arg12 : memref<128x64xf32, #tpu.memory_space<vmem>>) target(%dma_start3A_228 : memref<128x64xf32, #tpu.memory_space<vmem_shared>>) target_semaphore(%run_scoped3A : memref<!tpu.dma_semaphore, #tpu.memory_space<semaphore_mem>>)
      %dma_wait3A = arith.constant 0 : i32
      %dma_wait3A_229 = tpu.memref_slice %arg6[%add3A_149, %dma_wait3A] : memref<25104x64xf32, #tpu.memory_space<vmem_shared>> -> memref<128x64xf32, #tpu.memory_space<vmem_shared>>
      %dma_wait3A_230 = arith.constant 0 : i32
      %dma_wait3A_231 = tpu.memref_slice %arg6[%add3A_149, %dma_wait3A_230] : memref<25104x64xf32, #tpu.memory_space<vmem_shared>> -> memref<128x64xf32, #tpu.memory_space<vmem_shared>>
      tpu.wait_dma2 semaphore(%run_scoped3A : memref<!tpu.dma_semaphore, #tpu.memory_space<semaphore_mem>>) src(%arg12 : memref<128x64xf32, #tpu.memory_space<vmem>>) dst(%dma_wait3A_231 : memref<128x64xf32, #tpu.memory_space<vmem_shared>>)
      tpu.yield
    }) : () -> ()
    %add3A_150 = arith.constant 1408 : i32
    %add3A_151 = arith.addi %mul3A_127, %add3A_150 : i32
    "tpu.region"() ({
      %run_scoped3A = tpu.sem_alloc : memref<!tpu.dma_semaphore, #tpu.memory_space<semaphore_mem>>
      %dma_start3A = arith.constant 0 : i32
      %dma_start3A_226 = tpu.memref_slice %arg6[%add3A_151, %dma_start3A] : memref<25104x64xf32, #tpu.memory_space<vmem_shared>> -> memref<128x64xf32, #tpu.memory_space<vmem_shared>>
      %dma_start3A_227 = arith.constant 0 : i32
      %dma_start3A_228 = tpu.memref_slice %arg6[%add3A_151, %dma_start3A_227] : memref<25104x64xf32, #tpu.memory_space<vmem_shared>> -> memref<128x64xf32, #tpu.memory_space<vmem_shared>>
      tpu.enqueue_dma source(%arg12 : memref<128x64xf32, #tpu.memory_space<vmem>>) target(%dma_start3A_228 : memref<128x64xf32, #tpu.memory_space<vmem_shared>>) target_semaphore(%run_scoped3A : memref<!tpu.dma_semaphore, #tpu.memory_space<semaphore_mem>>)
      %dma_wait3A = arith.constant 0 : i32
      %dma_wait3A_229 = tpu.memref_slice %arg6[%add3A_151, %dma_wait3A] : memref<25104x64xf32, #tpu.memory_space<vmem_shared>> -> memref<128x64xf32, #tpu.memory_space<vmem_shared>>
      %dma_wait3A_230 = arith.constant 0 : i32
      %dma_wait3A_231 = tpu.memref_slice %arg6[%add3A_151, %dma_wait3A_230] : memref<25104x64xf32, #tpu.memory_space<vmem_shared>> -> memref<128x64xf32, #tpu.memory_space<vmem_shared>>
      tpu.wait_dma2 semaphore(%run_scoped3A : memref<!tpu.dma_semaphore, #tpu.memory_space<semaphore_mem>>) src(%arg12 : memref<128x64xf32, #tpu.memory_space<vmem>>) dst(%dma_wait3A_231 : memref<128x64xf32, #tpu.memory_space<vmem_shared>>)
      tpu.yield
    }) : () -> ()
    %add3A_152 = arith.constant 1568 : i32
    %add3A_153 = arith.addi %mul3A_127, %add3A_152 : i32
    %sub3A_154 = arith.constant 32 : i32
    %sub3A_155 = arith.subi %add3A_153, %sub3A_154 : i32
    "tpu.region"() ({
      %run_scoped3A = tpu.sem_alloc : memref<!tpu.dma_semaphore, #tpu.memory_space<semaphore_mem>>
      %dma_start3A = arith.constant 0 : i32
      %dma_start3A_226 = arith.constant 0 : i32
      %dma_start3A_227 = tpu.memref_slice %arg12[%dma_start3A, %dma_start3A_226] : memref<128x64xf32, #tpu.memory_space<vmem>> -> memref<32x64xf32, #tpu.memory_space<vmem>>
      %dma_start3A_228 = arith.constant 0 : i32
      %dma_start3A_229 = tpu.memref_slice %arg6[%sub3A_155, %dma_start3A_228] : memref<25104x64xf32, #tpu.memory_space<vmem_shared>> -> memref<32x64xf32, #tpu.memory_space<vmem_shared>>
      %dma_start3A_230 = arith.constant 0 : i32
      %dma_start3A_231 = tpu.memref_slice %arg6[%sub3A_155, %dma_start3A_230] : memref<25104x64xf32, #tpu.memory_space<vmem_shared>> -> memref<32x64xf32, #tpu.memory_space<vmem_shared>>
      %dma_start3A_232 = arith.constant 0 : i32
      %dma_start3A_233 = arith.constant 0 : i32
      %dma_start3A_234 = tpu.memref_slice %arg12[%dma_start3A_232, %dma_start3A_233] : memref<128x64xf32, #tpu.memory_space<vmem>> -> memref<32x64xf32, #tpu.memory_space<vmem>>
      tpu.enqueue_dma source(%dma_start3A_234 : memref<32x64xf32, #tpu.memory_space<vmem>>) target(%dma_start3A_231 : memref<32x64xf32, #tpu.memory_space<vmem_shared>>) target_semaphore(%run_scoped3A : memref<!tpu.dma_semaphore, #tpu.memory_space<semaphore_mem>>)
      %dma_wait3A = arith.constant 0 : i32
      %dma_wait3A_235 = arith.constant 0 : i32
      %dma_wait3A_236 = tpu.memref_slice %arg12[%dma_wait3A, %dma_wait3A_235] : memref<128x64xf32, #tpu.memory_space<vmem>> -> memref<32x64xf32, #tpu.memory_space<vmem>>
      %dma_wait3A_237 = arith.constant 0 : i32
      %dma_wait3A_238 = tpu.memref_slice %arg6[%sub3A_155, %dma_wait3A_237] : memref<25104x64xf32, #tpu.memory_space<vmem_shared>> -> memref<32x64xf32, #tpu.memory_space<vmem_shared>>
      %dma_wait3A_239 = arith.constant 0 : i32
      %dma_wait3A_240 = tpu.memref_slice %arg6[%sub3A_155, %dma_wait3A_239] : memref<25104x64xf32, #tpu.memory_space<vmem_shared>> -> memref<32x64xf32, #tpu.memory_space<vmem_shared>>
      %dma_wait3A_241 = arith.constant 0 : i32
      %dma_wait3A_242 = arith.constant 0 : i32
      %dma_wait3A_243 = tpu.memref_slice %arg12[%dma_wait3A_241, %dma_wait3A_242] : memref<128x64xf32, #tpu.memory_space<vmem>> -> memref<32x64xf32, #tpu.memory_space<vmem>>
      tpu.wait_dma2 semaphore(%run_scoped3A : memref<!tpu.dma_semaphore, #tpu.memory_space<semaphore_mem>>) src(%dma_wait3A_243 : memref<32x64xf32, #tpu.memory_space<vmem>>) dst(%dma_wait3A_240 : memref<32x64xf32, #tpu.memory_space<vmem_shared>>)
      tpu.yield
    }) : () -> ()
    %barrier3A_156 = arith.constant 0 : index
    tpu.barrier barrier_id(%barrier3A_156)
    %scan3A_157 = arith.constant 0 : i32
    %scan3A_158 = arith.constant 0 : i32
    %scan3A_159 = arith.constant 50 : i32
    %scan3A_160 = arith.addi %scan3A_158, %scan3A_159 : i32
    %scan3A_161 = arith.constant 1 : i32
    %scan3A_162 = scf.for %scan3A_226 = %scan3A_158 to %scan3A_160 step %scan3A_161 iter_args(%scan3A_227 = %scan3A_157) -> (i32)  : i32 {
      %mul3A_228 = arith.constant 100000 : i32
      %mul3A_229 = arith.muli %arg1, %mul3A_228 : i32
      %mul3A_230 = arith.constant 2000 : i32
      %mul3A_231 = arith.muli %scan3A_226, %mul3A_230 : i32
      %add3A_232 = arith.addi %mul3A_229, %mul3A_231 : i32
      "tpu.region"() ({
        %run_scoped3A = tpu.sem_alloc : memref<!tpu.dma_semaphore, #tpu.memory_space<semaphore_mem>>
        %dma_start3A = tpu.memref_slice %arg3[%add3A_232] : memref<1600000xi32, #tpu.memory_space<hbm>> -> memref<2000xi32, #tpu.memory_space<hbm>>
        %dma_start3A_364 = tpu.memref_slice %arg3[%add3A_232] : memref<1600000xi32, #tpu.memory_space<hbm>> -> memref<2000xi32, #tpu.memory_space<hbm>>
        tpu.enqueue_dma source(%dma_start3A_364 : memref<2000xi32, #tpu.memory_space<hbm>>) target(%arg7 : memref<2000xi32, #tpu.memory_space<vmem>>) target_semaphore(%run_scoped3A : memref<!tpu.dma_semaphore, #tpu.memory_space<semaphore_mem>>)
        %dma_wait3A = tpu.memref_slice %arg3[%add3A_232] : memref<1600000xi32, #tpu.memory_space<hbm>> -> memref<2000xi32, #tpu.memory_space<hbm>>
        %dma_wait3A_365 = tpu.memref_slice %arg3[%add3A_232] : memref<1600000xi32, #tpu.memory_space<hbm>> -> memref<2000xi32, #tpu.memory_space<hbm>>
        tpu.wait_dma2 semaphore(%run_scoped3A : memref<!tpu.dma_semaphore, #tpu.memory_space<semaphore_mem>>) src(%dma_wait3A_365 : memref<2000xi32, #tpu.memory_space<hbm>>) dst(%arg7 : memref<2000xi32, #tpu.memory_space<vmem>>)
        tpu.yield
      }) : () -> ()
      "tpu.region"() ({
        %run_scoped3A = tpu.sem_alloc : memref<!tpu.dma_semaphore, #tpu.memory_space<semaphore_mem>>
        %dma_start3A = tpu.memref_slice %arg4[%add3A_232] : memref<1600000xi32, #tpu.memory_space<hbm>> -> memref<2000xi32, #tpu.memory_space<hbm>>
        %dma_start3A_364 = tpu.memref_slice %arg4[%add3A_232] : memref<1600000xi32, #tpu.memory_space<hbm>> -> memref<2000xi32, #tpu.memory_space<hbm>>
        tpu.enqueue_dma source(%dma_start3A_364 : memref<2000xi32, #tpu.memory_space<hbm>>) target(%arg8 : memref<2000xi32, #tpu.memory_space<vmem>>) target_semaphore(%run_scoped3A : memref<!tpu.dma_semaphore, #tpu.memory_space<semaphore_mem>>)
        %dma_wait3A = tpu.memref_slice %arg4[%add3A_232] : memref<1600000xi32, #tpu.memory_space<hbm>> -> memref<2000xi32, #tpu.memory_space<hbm>>
        %dma_wait3A_365 = tpu.memref_slice %arg4[%add3A_232] : memref<1600000xi32, #tpu.memory_space<hbm>> -> memref<2000xi32, #tpu.memory_space<hbm>>
        tpu.wait_dma2 semaphore(%run_scoped3A : memref<!tpu.dma_semaphore, #tpu.memory_space<semaphore_mem>>) src(%dma_wait3A_365 : memref<2000xi32, #tpu.memory_space<hbm>>) dst(%arg8 : memref<2000xi32, #tpu.memory_space<vmem>>)
        tpu.yield
      }) : () -> ()
      %scan3A_233 = arith.constant 0 : i32
      %scan3A_234 = arith.constant 0 : i32
      %scan3A_235 = arith.constant 125 : i32
      %scan3A_236 = arith.addi %scan3A_234, %scan3A_235 : i32
      %scan3A_237 = arith.constant 1 : i32
      %scan3A_238 = scf.for %scan3A_364 = %scan3A_234 to %scan3A_236 step %scan3A_237 iter_args(%scan3A_365 = %scan3A_233) -> (i32)  : i32 {
        %mul3A_366 = arith.constant 16 : i32
        %mul3A_367 = arith.muli %scan3A_364, %mul3A_366 : i32
        %get3A = arith.index_cast %mul3A_367 : i32 to index
        %get3A_368 = tpu.vector_load %arg8[%get3A] {strides = array<i32>} : memref<2000xi32, #tpu.memory_space<vmem>>, vector<16xi32>,
        %mul3A_369 = arith.constant 16 : i32
        %mul3A_370 = arith.muli %scan3A_364, %mul3A_369 : i32
        %get3A_371 = arith.index_cast %mul3A_370 : i32 to index
        %get3A_372 = tpu.vector_load %arg7[%get3A_371] {strides = array<i32>} : memref<2000xi32, #tpu.memory_space<vmem>>, vector<16xi32>,
        %ge3A = vector.broadcast %mul3A_118 : i32 to vector<16xi32>
        %ge3A_373 = arith.cmpi sge, %get3A_368, %ge3A : vector<16xi32>
        %add3A_374 = arith.constant 25088 : i32
        %add3A_375 = arith.addi %mul3A_118, %add3A_374 : i32
        %lt3A = vector.broadcast %add3A_375 : i32 to vector<16xi32>
        %lt3A_376 = arith.cmpi slt, %get3A_368, %lt3A : vector<16xi32>
        %and3A_377 = arith.andi %ge3A_373, %lt3A_376 : vector<16xi1>
        %convert_element_type3A_378 = arith.extui %and3A_377 : vector<16xi1> to vector<16xi32>
        %broadcast_in_dim3A_379 = arith.constant true
        %broadcast_in_dim3A_380 = vector.broadcast %broadcast_in_dim3A_379 : i1 to vector<16xi1>
        %masked_cumsum3A = tpu.scan <sum>, %convert_element_type3A_378 masked %broadcast_in_dim3A_380 : vector<16xi32>, vector<16xi1> -> vector<16xi32>
        %add3A_381 = vector.broadcast %scan3A_365 : i32 to vector<16xi32>
        %add3A_382 = arith.addi %add3A_381, %masked_cumsum3A : vector<16xi32>
        %sub3A_383 = arith.constant 1 : i32
        %sub3A_384 = vector.broadcast %sub3A_383 : i32 to vector<16xi32>
        %sub3A_385 = arith.subi %add3A_382, %sub3A_384 : vector<16xi32>
        %jit3A_386 = arith.constant 2128 : i32
        %broadcast_in_dim3A_387 = vector.broadcast %jit3A_386 : i32 to vector<16xi32>
        %select_n3A_388 = arith.select %and3A_377, %sub3A_385, %broadcast_in_dim3A_387 : vector<16xi1>, vector<16xi32>
        %sub3A_389 = vector.broadcast %mul3A_118 : i32 to vector<16xi32>
        %sub3A_390 = arith.subi %get3A_368, %sub3A_389 : vector<16xi32>
        tpu.vector_store_idx %arg10[%select_n3A_388], %sub3A_390 : memref<2144xi32, #tpu.memory_space<vmem>>[vector<16xi32>], vector<16xi32>,
        tpu.vector_store_idx %arg9[%select_n3A_388], %get3A_372 : memref<2144xi32, #tpu.memory_space<vmem>>[vector<16xi32>], vector<16xi32>,
        %slice3A = vector.extract_strided_slice %masked_cumsum3A {offsets = [15], sizes = [1], strides = [1]} : vector<16xi32> to vector<1xi32>
        %squeeze3A = vector.extract %slice3A[0] : i32 from vector<1xi32>
        %add3A_391 = arith.addi %scan3A_365, %squeeze3A : i32
        scf.yield %add3A_391 : i32
      }
      %scan3A_239 = arith.constant 125 : i32
      %add3A_240 = arith.constant 0 : i32
      %add3A_241 = arith.addi %scan3A_238, %add3A_240 : i32
      %swap3A = arith.index_cast %add3A_241 : i32 to index
      %swap3A_242 = tpu.vector_load %arg10[%swap3A] {strides = array<i32>} : memref<2144xi32, #tpu.memory_space<vmem>>, vector<16xi32>,
      tpu.vector_store %arg10[%swap3A], %broadcast_in_dim3A_2 {strides = array<i32>} : memref<2144xi32, #tpu.memory_space<vmem>>, vector<16xi32>,
      %add3A_243 = arith.constant 0 : i32
      %add3A_244 = arith.addi %scan3A_238, %add3A_243 : i32
      %swap3A_245 = arith.index_cast %add3A_244 : i32 to index
      %swap3A_246 = tpu.vector_load %arg9[%swap3A_245] {strides = array<i32>} : memref<2144xi32, #tpu.memory_space<vmem>>, vector<16xi32>,
      tpu.vector_store %arg9[%swap3A_245], %broadcast_in_dim3A_4 {strides = array<i32>} : memref<2144xi32, #tpu.memory_space<vmem>>, vector<16xi32>,
      %add3A_247 = arith.constant 16 : i32
      %add3A_248 = arith.addi %scan3A_238, %add3A_247 : i32
      %swap3A_249 = arith.index_cast %add3A_248 : i32 to index
      %swap3A_250 = tpu.vector_load %arg10[%swap3A_249] {strides = array<i32>} : memref<2144xi32, #tpu.memory_space<vmem>>, vector<16xi32>,
      tpu.vector_store %arg10[%swap3A_249], %broadcast_in_dim3A_2 {strides = array<i32>} : memref<2144xi32, #tpu.memory_space<vmem>>, vector<16xi32>,
      %add3A_251 = arith.constant 16 : i32
      %add3A_252 = arith.addi %scan3A_238, %add3A_251 : i32
      %swap3A_253 = arith.index_cast %add3A_252 : i32 to index
      %swap3A_254 = tpu.vector_load %arg9[%swap3A_253] {strides = array<i32>} : memref<2144xi32, #tpu.memory_space<vmem>>, vector<16xi32>,
      tpu.vector_store %arg9[%swap3A_253], %broadcast_in_dim3A_4 {strides = array<i32>} : memref<2144xi32, #tpu.memory_space<vmem>>, vector<16xi32>,
      %add3A_255 = arith.constant 32 : i32
      %add3A_256 = arith.addi %scan3A_238, %add3A_255 : i32
      %swap3A_257 = arith.index_cast %add3A_256 : i32 to index
      %swap3A_258 = tpu.vector_load %arg10[%swap3A_257] {strides = array<i32>} : memref<2144xi32, #tpu.memory_space<vmem>>, vector<16xi32>,
      tpu.vector_store %arg10[%swap3A_257], %broadcast_in_dim3A_2 {strides = array<i32>} : memref<2144xi32, #tpu.memory_space<vmem>>, vector<16xi32>,
      %add3A_259 = arith.constant 32 : i32
      %add3A_260 = arith.addi %scan3A_238, %add3A_259 : i32
      %swap3A_261 = arith.index_cast %add3A_260 : i32 to index
      %swap3A_262 = tpu.vector_load %arg9[%swap3A_261] {strides = array<i32>} : memref<2144xi32, #tpu.memory_space<vmem>>, vector<16xi32>,
      tpu.vector_store %arg9[%swap3A_261], %broadcast_in_dim3A_4 {strides = array<i32>} : memref<2144xi32, #tpu.memory_space<vmem>>, vector<16xi32>,
      %add3A_263 = arith.constant 48 : i32
      %add3A_264 = arith.addi %scan3A_238, %add3A_263 : i32
      %swap3A_265 = arith.index_cast %add3A_264 : i32 to index
      %swap3A_266 = tpu.vector_load %arg10[%swap3A_265] {strides = array<i32>} : memref<2144xi32, #tpu.memory_space<vmem>>, vector<16xi32>,
      tpu.vector_store %arg10[%swap3A_265], %broadcast_in_dim3A_2 {strides = array<i32>} : memref<2144xi32, #tpu.memory_space<vmem>>, vector<16xi32>,
      %add3A_267 = arith.constant 48 : i32
      %add3A_268 = arith.addi %scan3A_238, %add3A_267 : i32
      %swap3A_269 = arith.index_cast %add3A_268 : i32 to index
      %swap3A_270 = tpu.vector_load %arg9[%swap3A_269] {strides = array<i32>} : memref<2144xi32, #tpu.memory_space<vmem>>, vector<16xi32>,
      tpu.vector_store %arg9[%swap3A_269], %broadcast_in_dim3A_4 {strides = array<i32>} : memref<2144xi32, #tpu.memory_space<vmem>>, vector<16xi32>,
      %add3A_271 = arith.constant 64 : i32
      %add3A_272 = arith.addi %scan3A_238, %add3A_271 : i32
      %swap3A_273 = arith.index_cast %add3A_272 : i32 to index
      %swap3A_274 = tpu.vector_load %arg10[%swap3A_273] {strides = array<i32>} : memref<2144xi32, #tpu.memory_space<vmem>>, vector<16xi32>,
      tpu.vector_store %arg10[%swap3A_273], %broadcast_in_dim3A_2 {strides = array<i32>} : memref<2144xi32, #tpu.memory_space<vmem>>, vector<16xi32>,
      %add3A_275 = arith.constant 64 : i32
      %add3A_276 = arith.addi %scan3A_238, %add3A_275 : i32
      %swap3A_277 = arith.index_cast %add3A_276 : i32 to index
      %swap3A_278 = tpu.vector_load %arg9[%swap3A_277] {strides = array<i32>} : memref<2144xi32, #tpu.memory_space<vmem>>, vector<16xi32>,
      tpu.vector_store %arg9[%swap3A_277], %broadcast_in_dim3A_4 {strides = array<i32>} : memref<2144xi32, #tpu.memory_space<vmem>>, vector<16xi32>,
      %add3A_279 = arith.constant 80 : i32
      %add3A_280 = arith.addi %scan3A_238, %add3A_279 : i32
      %swap3A_281 = arith.index_cast %add3A_280 : i32 to index
      %swap3A_282 = tpu.vector_load %arg10[%swap3A_281] {strides = array<i32>} : memref<2144xi32, #tpu.memory_space<vmem>>, vector<16xi32>,
      tpu.vector_store %arg10[%swap3A_281], %broadcast_in_dim3A_2 {strides = array<i32>} : memref<2144xi32, #tpu.memory_space<vmem>>, vector<16xi32>,
      %add3A_283 = arith.constant 80 : i32
      %add3A_284 = arith.addi %scan3A_238, %add3A_283 : i32
      %swap3A_285 = arith.index_cast %add3A_284 : i32 to index
      %swap3A_286 = tpu.vector_load %arg9[%swap3A_285] {strides = array<i32>} : memref<2144xi32, #tpu.memory_space<vmem>>, vector<16xi32>,
      tpu.vector_store %arg9[%swap3A_285], %broadcast_in_dim3A_4 {strides = array<i32>} : memref<2144xi32, #tpu.memory_space<vmem>>, vector<16xi32>,
      %add3A_287 = arith.constant 96 : i32
      %add3A_288 = arith.addi %scan3A_238, %add3A_287 : i32
      %swap3A_289 = arith.index_cast %add3A_288 : i32 to index
      %swap3A_290 = tpu.vector_load %arg10[%swap3A_289] {strides = array<i32>} : memref<2144xi32, #tpu.memory_space<vmem>>, vector<16xi32>,
      tpu.vector_store %arg10[%swap3A_289], %broadcast_in_dim3A_2 {strides = array<i32>} : memref<2144xi32, #tpu.memory_space<vmem>>, vector<16xi32>,
      %add3A_291 = arith.constant 96 : i32
      %add3A_292 = arith.addi %scan3A_238, %add3A_291 : i32
      %swap3A_293 = arith.index_cast %add3A_292 : i32 to index
      %swap3A_294 = tpu.vector_load %arg9[%swap3A_293] {strides = array<i32>} : memref<2144xi32, #tpu.memory_space<vmem>>, vector<16xi32>,
      tpu.vector_store %arg9[%swap3A_293], %broadcast_in_dim3A_4 {strides = array<i32>} : memref<2144xi32, #tpu.memory_space<vmem>>, vector<16xi32>,
      %add3A_295 = arith.constant 112 : i32
      %add3A_296 = arith.addi %scan3A_238, %add3A_295 : i32
      %swap3A_297 = arith.index_cast %add3A_296 : i32 to index
      %swap3A_298 = tpu.vector_load %arg10[%swap3A_297] {strides = array<i32>} : memref<2144xi32, #tpu.memory_space<vmem>>, vector<16xi32>,
      tpu.vector_store %arg10[%swap3A_297], %broadcast_in_dim3A_2 {strides = array<i32>} : memref<2144xi32, #tpu.memory_space<vmem>>, vector<16xi32>,
      %add3A_299 = arith.constant 112 : i32
      %add3A_300 = arith.addi %scan3A_238, %add3A_299 : i32
      %swap3A_301 = arith.index_cast %add3A_300 : i32 to index
      %swap3A_302 = tpu.vector_load %arg9[%swap3A_301] {strides = array<i32>} : memref<2144xi32, #tpu.memory_space<vmem>>, vector<16xi32>,
      tpu.vector_store %arg9[%swap3A_301], %broadcast_in_dim3A_4 {strides = array<i32>} : memref<2144xi32, #tpu.memory_space<vmem>>, vector<16xi32>,
      %add3A_303 = arith.constant 128 : i32
      %add3A_304 = arith.addi %scan3A_238, %add3A_303 : i32
      %sub3A_305 = arith.constant 1 : i32
      %sub3A_306 = arith.subi %add3A_304, %sub3A_305 : i32
      %jit3A = arith.constant 128 : i32
      %div3A = arith.divsi %sub3A_306, %jit3A : i32
      %sign3A = arith.constant 0 : i32
      %sign3A_307 = arith.cmpi sgt, %sub3A_306, %sign3A : i32
      %sign3A_308 = arith.extui %sign3A_307 : i1 to i32
      %sign3A_309 = arith.constant 0 : i32
      %sign3A_310 = arith.cmpi slt, %sub3A_306, %sign3A_309 : i32
      %sign3A_311 = arith.extui %sign3A_310 : i1 to i32
      %sign3A_312 = arith.subi %sign3A_308, %sign3A_311 : i32
      %sign3A_313 = arith.constant 0 : i32
      %sign3A_314 = arith.cmpi sgt, %jit3A, %sign3A_313 : i32
      %sign3A_315 = arith.extui %sign3A_314 : i1 to i32
      %sign3A_316 = arith.constant 0 : i32
      %sign3A_317 = arith.cmpi slt, %jit3A, %sign3A_316 : i32
      %sign3A_318 = arith.extui %sign3A_317 : i1 to i32
      %sign3A_319 = arith.subi %sign3A_315, %sign3A_318 : i32
      %ne3A = arith.cmpi ne, %sign3A_312, %sign3A_319 : i32
      %rem3A = arith.remsi %sub3A_306, %jit3A : i32
      %ne3A_320 = arith.constant 0 : i32
      %ne3A_321 = arith.cmpi ne, %rem3A, %ne3A_320 : i32
      %and3A = arith.andi %ne3A, %ne3A_321 : i1
      %sub3A_322 = arith.constant 1 : i32
      %sub3A_323 = arith.subi %div3A, %sub3A_322 : i32
      %select_n3A = arith.select %and3A, %sub3A_323, %div3A : i32
      %gt3A = arith.constant 0 : i32
      %gt3A_324 = arith.cmpi sgt, %select_n3A, %gt3A : i32
      %convert_element_type3A = arith.extui %gt3A_324 : i1 to i32
      %cond3A = arith.constant 0 : i32
      %cond3A_325 = arith.cmpi ne, %convert_element_type3A, %cond3A : i32
      scf.if %cond3A_325 {
        %dma_start3A = arith.constant 0 : i32
        %dma_start3A_364 = tpu.memref_slice %arg9[%dma_start3A] : memref<2144xi32, #tpu.memory_space<vmem>> -> memref<128xi32, #tpu.memory_space<vmem>>
        %dma_start3A_365 = arith.constant 0 : i32
        %dma_start3A_366 = arith.constant 0 : i32
        %dma_start3A_367 = tpu.memref_slice %arg2[%dma_start3A_365, %dma_start3A_366] : memref<100352x64xf32, #tpu.memory_space<hbm>> -> memref<100352x64xf32, #tpu.memory_space<hbm>>
        tpu.enqueue_indirect_dma source(%dma_start3A_367 : memref<100352x64xf32, #tpu.memory_space<hbm>>) target(%arg12 : memref<128x64xf32, #tpu.memory_space<vmem>>) offsets(%dma_start3A_364 : memref<128xi32, #tpu.memory_space<vmem>>) semaphore(%arg14 : memref<!tpu.dma_semaphore, #tpu.memory_space<semaphore_mem>>)
      } else {
      }
      %add3A_326 = arith.constant 1 : i32
      %add3A_327 = arith.addi %select_n3A, %add3A_326 : i32
      %jit3A_328 = arith.constant 2 : i32
      %div3A_329 = arith.divsi %add3A_327, %jit3A_328 : i32
      %sign3A_330 = arith.constant 0 : i32
      %sign3A_331 = arith.cmpi sgt, %add3A_327, %sign3A_330 : i32
      %sign3A_332 = arith.extui %sign3A_331 : i1 to i32
      %sign3A_333 = arith.constant 0 : i32
      %sign3A_334 = arith.cmpi slt, %add3A_327, %sign3A_333 : i32
      %sign3A_335 = arith.extui %sign3A_334 : i1 to i32
      %sign3A_336 = arith.subi %sign3A_332, %sign3A_335 : i32
      %sign3A_337 = arith.constant 0 : i32
      %sign3A_338 = arith.cmpi sgt, %jit3A_328, %sign3A_337 : i32
      %sign3A_339 = arith.extui %sign3A_338 : i1 to i32
      %sign3A_340 = arith.constant 0 : i32
      %sign3A_341 = arith.cmpi slt, %jit3A_328, %sign3A_340 : i32
      %sign3A_342 = arith.extui %sign3A_341 : i1 to i32
      %sign3A_343 = arith.subi %sign3A_339, %sign3A_342 : i32
      %ne3A_344 = arith.cmpi ne, %sign3A_336, %sign3A_343 : i32
      %rem3A_345 = arith.remsi %add3A_327, %jit3A_328 : i32
      %ne3A_346 = arith.constant 0 : i32
      %ne3A_347 = arith.cmpi ne, %rem3A_345, %ne3A_346 : i32
      %and3A_348 = arith.andi %ne3A_344, %ne3A_347 : i1
      %sub3A_349 = arith.constant 1 : i32
      %sub3A_350 = arith.subi %div3A_329, %sub3A_349 : i32
      %select_n3A_351 = arith.select %and3A_348, %sub3A_350, %div3A_329 : i32
      %while3A = arith.constant 0 : i32
      %while3A_352 = arith.constant 0 : i32
      %while3A_353 = arith.subi %select_n3A_351, %while3A : i32
      %while3A_354 = arith.addi %while3A, %while3A_353 : i32
      %while3A_355 = arith.constant 1 : i32
      %while3A_356 = arith.divsi %while3A_353, %while3A_355 : i32
      %while3A_357 = arith.muli %while3A_356, %while3A_355 : i32
      %while3A_358 = arith.addi %while3A, %while3A_357 : i32
      %while3A_359 = arith.constant 1 : i32
      %while3A_360 = scf.for %while3A_364 = %while3A to %while3A_358 step %while3A_359 iter_args(%while3A_365 = %while3A_352) -> (i32)  : i32 {
        %mul3A_366 = arith.constant 2 : i32
        %mul3A_367 = arith.muli %mul3A_366, %while3A_364 : i32
        %add3A_368 = arith.constant 1 : i32
        %add3A_369 = arith.addi %mul3A_367, %add3A_368 : i32
        %lt3A = arith.cmpi slt, %add3A_369, %select_n3A : i32
        %convert_element_type3A_370 = arith.extui %lt3A : i1 to i32
        %cond3A_371 = arith.constant 0 : i32
        %cond3A_372 = arith.cmpi ne, %convert_element_type3A_370, %cond3A_371 : i32
        scf.if %cond3A_372 {
          %mul3A_460 = arith.constant 128 : i32
          %mul3A_461 = arith.muli %add3A_369, %mul3A_460 : i32
          %dma_start3A = tpu.memref_slice %arg9[%mul3A_461] : memref<2144xi32, #tpu.memory_space<vmem>> -> memref<128xi32, #tpu.memory_space<vmem>>
          %dma_start3A_462 = arith.constant 0 : i32
          %dma_start3A_463 = arith.constant 0 : i32
          %dma_start3A_464 = tpu.memref_slice %arg2[%dma_start3A_462, %dma_start3A_463] : memref<100352x64xf32, #tpu.memory_space<hbm>> -> memref<100352x64xf32, #tpu.memory_space<hbm>>
          tpu.enqueue_indirect_dma source(%dma_start3A_464 : memref<100352x64xf32, #tpu.memory_space<hbm>>) target(%arg13 : memref<128x64xf32, #tpu.memory_space<vmem>>) offsets(%dma_start3A : memref<128xi32, #tpu.memory_space<vmem>>) semaphore(%arg15 : memref<!tpu.dma_semaphore, #tpu.memory_space<semaphore_mem>>)
        } else {
        }
        %mul3A_373 = arith.constant 128 : i32
        %mul3A_374 = arith.muli %mul3A_367, %mul3A_373 : i32
        %add3A_375 = arith.constant 0 : i32
        %add3A_376 = arith.addi %mul3A_374, %add3A_375 : i32
        %get3A = arith.index_cast %add3A_376 : i32 to index
        %get3A_377 = tpu.vector_load %arg10[%get3A] {strides = array<i32>} : memref<2144xi32, #tpu.memory_space<vmem>>, vector<16xi32>,
        %swap3A_378 = arith.index_cast %mul3A_367 : i32 to index
        %swap3A_379 = arith.constant 0 : index
        %swap3A_380 = tpu.vector_load %arg11[%swap3A_378, %swap3A_379] {strides = array<i32>} : memref<17x128xi32, #tpu.memory_space<vmem>>, vector<16xi32>,
        tpu.vector_store %arg11[%swap3A_378, %swap3A_379], %get3A_377 {strides = array<i32>} : memref<17x128xi32, #tpu.memory_space<vmem>>, vector<16xi32>,
        %mul3A_381 = arith.constant 128 : i32
        %mul3A_382 = arith.muli %mul3A_367, %mul3A_381 : i32
        %add3A_383 = arith.constant 16 : i32
        %add3A_384 = arith.addi %mul3A_382, %add3A_383 : i32
        %get3A_385 = arith.index_cast %add3A_384 : i32 to index
        %get3A_386 = tpu.vector_load %arg10[%get3A_385] {strides = array<i32>} : memref<2144xi32, #tpu.memory_space<vmem>>, vector<16xi32>,
        %swap3A_387 = arith.index_cast %mul3A_367 : i32 to index
        %swap3A_388 = arith.constant 16 : index
        %swap3A_389 = tpu.vector_load %arg11[%swap3A_387, %swap3A_388] {strides = array<i32>} : memref<17x128xi32, #tpu.memory_space<vmem>>, vector<16xi32>,
        tpu.vector_store %arg11[%swap3A_387, %swap3A_388], %get3A_386 {strides = array<i32>} : memref<17x128xi32, #tpu.memory_space<vmem>>, vector<16xi32>,
        %mul3A_390 = arith.constant 128 : i32
        %mul3A_391 = arith.muli %mul3A_367, %mul3A_390 : i32
        %add3A_392 = arith.constant 32 : i32
        %add3A_393 = arith.addi %mul3A_391, %add3A_392 : i32
        %get3A_394 = arith.index_cast %add3A_393 : i32 to index
        %get3A_395 = tpu.vector_load %arg10[%get3A_394] {strides = array<i32>} : memref<2144xi32, #tpu.memory_space<vmem>>, vector<16xi32>,
        %swap3A_396 = arith.index_cast %mul3A_367 : i32 to index
        %swap3A_397 = arith.constant 32 : index
        %swap3A_398 = tpu.vector_load %arg11[%swap3A_396, %swap3A_397] {strides = array<i32>} : memref<17x128xi32, #tpu.memory_space<vmem>>, vector<16xi32>,
        tpu.vector_store %arg11[%swap3A_396, %swap3A_397], %get3A_395 {strides = array<i32>} : memref<17x128xi32, #tpu.memory_space<vmem>>, vector<16xi32>,
        %mul3A_399 = arith.constant 128 : i32
        %mul3A_400 = arith.muli %mul3A_367, %mul3A_399 : i32
        %add3A_401 = arith.constant 48 : i32
        %add3A_402 = arith.addi %mul3A_400, %add3A_401 : i32
        %get3A_403 = arith.index_cast %add3A_402 : i32 to index
        %get3A_404 = tpu.vector_load %arg10[%get3A_403] {strides = array<i32>} : memref<2144xi32, #tpu.memory_space<vmem>>, vector<16xi32>,
        %swap3A_405 = arith.index_cast %mul3A_367 : i32 to index
        %swap3A_406 = arith.constant 48 : index
        %swap3A_407 = tpu.vector_load %arg11[%swap3A_405, %swap3A_406] {strides = array<i32>} : memref<17x128xi32, #tpu.memory_space<vmem>>, vector<16xi32>,
        tpu.vector_store %arg11[%swap3A_405, %swap3A_406], %get3A_404 {strides = array<i32>} : memref<17x128xi32, #tpu.memory_space<vmem>>, vector<16xi32>,
        %mul3A_408 = arith.constant 128 : i32
        %mul3A_409 = arith.muli %mul3A_367, %mul3A_408 : i32
        %add3A_410 = arith.constant 64 : i32
        %add3A_411 = arith.addi %mul3A_409, %add3A_410 : i32
        %get3A_412 = arith.index_cast %add3A_411 : i32 to index
        %get3A_413 = tpu.vector_load %arg10[%get3A_412] {strides = array<i32>} : memref<2144xi32, #tpu.memory_space<vmem>>, vector<16xi32>,
        %swap3A_414 = arith.index_cast %mul3A_367 : i32 to index
        %swap3A_415 = arith.constant 64 : index
        %swap3A_416 = tpu.vector_load %arg11[%swap3A_414, %swap3A_415] {strides = array<i32>} : memref<17x128xi32, #tpu.memory_space<vmem>>, vector<16xi32>,
        tpu.vector_store %arg11[%swap3A_414, %swap3A_415], %get3A_413 {strides = array<i32>} : memref<17x128xi32, #tpu.memory_space<vmem>>, vector<16xi32>,
        %mul3A_417 = arith.constant 128 : i32
        %mul3A_418 = arith.muli %mul3A_367, %mul3A_417 : i32
        %add3A_419 = arith.constant 80 : i32
        %add3A_420 = arith.addi %mul3A_418, %add3A_419 : i32
        %get3A_421 = arith.index_cast %add3A_420 : i32 to index
        %get3A_422 = tpu.vector_load %arg10[%get3A_421] {strides = array<i32>} : memref<2144xi32, #tpu.memory_space<vmem>>, vector<16xi32>,
        %swap3A_423 = arith.index_cast %mul3A_367 : i32 to index
        %swap3A_424 = arith.constant 80 : index
        %swap3A_425 = tpu.vector_load %arg11[%swap3A_423, %swap3A_424] {strides = array<i32>} : memref<17x128xi32, #tpu.memory_space<vmem>>, vector<16xi32>,
        tpu.vector_store %arg11[%swap3A_423, %swap3A_424], %get3A_422 {strides = array<i32>} : memref<17x128xi32, #tpu.memory_space<vmem>>, vector<16xi32>,
        %mul3A_426 = arith.constant 128 : i32
        %mul3A_427 = arith.muli %mul3A_367, %mul3A_426 : i32
        %add3A_428 = arith.constant 96 : i32
        %add3A_429 = arith.addi %mul3A_427, %add3A_428 : i32
        %get3A_430 = arith.index_cast %add3A_429 : i32 to index
        %get3A_431 = tpu.vector_load %arg10[%get3A_430] {strides = array<i32>} : memref<2144xi32, #tpu.memory_space<vmem>>, vector<16xi32>,
        %swap3A_432 = arith.index_cast %mul3A_367 : i32 to index
        %swap3A_433 = arith.constant 96 : index
        %swap3A_434 = tpu.vector_load %arg11[%swap3A_432, %swap3A_433] {strides = array<i32>} : memref<17x128xi32, #tpu.memory_space<vmem>>, vector<16xi32>,
        tpu.vector_store %arg11[%swap3A_432, %swap3A_433], %get3A_431 {strides = array<i32>} : memref<17x128xi32, #tpu.memory_space<vmem>>, vector<16xi32>,
        %mul3A_435 = arith.constant 128 : i32
        %mul3A_436 = arith.muli %mul3A_367, %mul3A_435 : i32
        %add3A_437 = arith.constant 112 : i32
        %add3A_438 = arith.addi %mul3A_436, %add3A_437 : i32
        %get3A_439 = arith.index_cast %add3A_438 : i32 to index
        %get3A_440 = tpu.vector_load %arg10[%get3A_439] {strides = array<i32>} : memref<2144xi32, #tpu.memory_space<vmem>>, vector<16xi32>,
        %swap3A_441 = arith.index_cast %mul3A_367 : i32 to index
        %swap3A_442 = arith.constant 112 : index
        %swap3A_443 = tpu.vector_load %arg11[%swap3A_441, %swap3A_442] {strides = array<i32>} : memref<17x128xi32, #tpu.memory_space<vmem>>, vector<16xi32>,
        tpu.vector_store %arg11[%swap3A_441, %swap3A_442], %get3A_440 {strides = array<i32>} : memref<17x128xi32, #tpu.memory_space<vmem>>, vector<16xi32>,
        %mul3A_444 = arith.constant 128 : i32
        %mul3A_445 = arith.muli %mul3A_367, %mul3A_444 : i32
        %dma_wait3A = tpu.memref_slice %arg9[%mul3A_445] : memref<2144xi32, #tpu.memory_space<vmem>> -> memref<128xi32, #tpu.memory_space<vmem>>
        %dma_wait3A_446 = arith.constant 0 : i32
        %dma_wait3A_447 = arith.constant 0 : i32
        %dma_wait3A_448 = tpu.memref_slice %arg2[%dma_wait3A_446, %dma_wait3A_447] : memref<100352x64xf32, #tpu.memory_space<hbm>> -> memref<100352x64xf32, #tpu.memory_space<hbm>>
        tpu.wait_indirect_dma semaphore(%arg14 : memref<!tpu.dma_semaphore, #tpu.memory_space<semaphore_mem>>) src(%dma_wait3A_448 : memref<100352x64xf32, #tpu.memory_space<hbm>>) dst(%arg12 : memref<128x64xf32, #tpu.memory_space<vmem>>)
        "tpu.region"() ({
          %run_scoped3A = tpu.sem_alloc : memref<!tpu.dma_semaphore, #tpu.memory_space<semaphore_mem>>
          %dma_start3A = arith.constant 0 : i32
          %dma_start3A_460 = tpu.memref_slice %arg11[%mul3A_367, %dma_start3A] : memref<17x128xi32, #tpu.memory_space<vmem>> -> memref<1x128xi32, #tpu.memory_space<vmem>>
          %dma_start3A_461 = tpu.memref_squeeze %dma_start3A_460 : memref<1x128xi32, #tpu.memory_space<vmem>> -> memref<128xi32, #tpu.memory_space<vmem>>
          %dma_start3A_462 = arith.constant 0 : i32
          %dma_start3A_463 = arith.constant 0 : i32
          %dma_start3A_464 = tpu.memref_slice %arg6[%dma_start3A_462, %dma_start3A_463] : memref<25104x64xf32, #tpu.memory_space<vmem_shared>> -> memref<25104x64xf32, #tpu.memory_space<vmem_shared>>
          tpu.enqueue_indirect_dma source(%arg12 : memref<128x64xf32, #tpu.memory_space<vmem>>) target(%dma_start3A_464 : memref<25104x64xf32, #tpu.memory_space<vmem_shared>>) offsets(%dma_start3A_461 : memref<128xi32, #tpu.memory_space<vmem>>) semaphore(%run_scoped3A : memref<!tpu.dma_semaphore, #tpu.memory_space<semaphore_mem>>) {add = true}
          %dma_wait3A_465 = arith.constant 0 : i32
          %dma_wait3A_466 = tpu.memref_slice %arg11[%mul3A_367, %dma_wait3A_465] : memref<17x128xi32, #tpu.memory_space<vmem>> -> memref<1x128xi32, #tpu.memory_space<vmem>>
          %dma_wait3A_467 = tpu.memref_squeeze %dma_wait3A_466 : memref<1x128xi32, #tpu.memory_space<vmem>> -> memref<128xi32, #tpu.memory_space<vmem>>
          %dma_wait3A_468 = arith.constant 0 : i32
          %dma_wait3A_469 = arith.constant 0 : i32
          %dma_wait3A_470 = tpu.memref_slice %arg6[%dma_wait3A_468, %dma_wait3A_469] : memref<25104x64xf32, #tpu.memory_space<vmem_shared>> -> memref<25104x64xf32, #tpu.memory_space<vmem_shared>>
          tpu.wait_indirect_dma semaphore(%run_scoped3A : memref<!tpu.dma_semaphore, #tpu.memory_space<semaphore_mem>>) src(%arg12 : memref<128x64xf32, #tpu.memory_space<vmem>>) dst(%dma_wait3A_470 : memref<25104x64xf32, #tpu.memory_space<vmem_shared>>)
          tpu.yield
        }) : () -> ()
        %add3A_449 = arith.constant 2 : i32
        %add3A_450 = arith.addi %mul3A_367, %add3A_449 : i32
        %lt3A_451 = arith.cmpi slt, %add3A_450, %select_n3A : i32
        %convert_element_type3A_452 = arith.extui %lt3A_451 : i1 to i32
        %cond3A_453 = arith.constant 0 : i32
        %cond3A_454 = arith.cmpi ne, %convert_element_type3A_452, %cond3A_453 : i32
        scf.if %cond3A_454 {
          %add3A_460 = arith.constant 2 : i32
          %add3A_461 = arith.addi %mul3A_367, %add3A_460 : i32
          %mul3A_462 = arith.constant 128 : i32
          %mul3A_463 = arith.muli %add3A_461, %mul3A_462 : i32
          %dma_start3A = tpu.memref_slice %arg9[%mul3A_463] : memref<2144xi32, #tpu.memory_space<vmem>> -> memref<128xi32, #tpu.memory_space<vmem>>
          %dma_start3A_464 = arith.constant 0 : i32
          %dma_start3A_465 = arith.constant 0 : i32
          %dma_start3A_466 = tpu.memref_slice %arg2[%dma_start3A_464, %dma_start3A_465] : memref<100352x64xf32, #tpu.memory_space<hbm>> -> memref<100352x64xf32, #tpu.memory_space<hbm>>
          tpu.enqueue_indirect_dma source(%dma_start3A_466 : memref<100352x64xf32, #tpu.memory_space<hbm>>) target(%arg12 : memref<128x64xf32, #tpu.memory_space<vmem>>) offsets(%dma_start3A : memref<128xi32, #tpu.memory_space<vmem>>) semaphore(%arg14 : memref<!tpu.dma_semaphore, #tpu.memory_space<semaphore_mem>>)
        } else {
        }
        %lt3A_455 = arith.cmpi slt, %add3A_369, %select_n3A : i32
        %convert_element_type3A_456 = arith.extui %lt3A_455 : i1 to i32
        %cond3A_457 = arith.constant 0 : i32
        %cond3A_458 = arith.cmpi ne, %convert_element_type3A_456, %cond3A_457 : i32
        scf.if %cond3A_458 {
          %mul3A_460 = arith.constant 128 : i32
          %mul3A_461 = arith.muli %add3A_369, %mul3A_460 : i32
          %add3A_462 = arith.constant 0 : i32
          %add3A_463 = arith.addi %mul3A_461, %add3A_462 : i32
          %get3A_464 = arith.index_cast %add3A_463 : i32 to index
          %get3A_465 = tpu.vector_load %arg10[%get3A_464] {strides = array<i32>} : memref<2144xi32, #tpu.memory_space<vmem>>, vector<16xi32>,
          %swap3A_466 = arith.index_cast %add3A_369 : i32 to index
          %swap3A_467 = arith.constant 0 : index
          %swap3A_468 = tpu.vector_load %arg11[%swap3A_466, %swap3A_467] {strides = array<i32>} : memref<17x128xi32, #tpu.memory_space<vmem>>, vector<16xi32>,
          tpu.vector_store %arg11[%swap3A_466, %swap3A_467], %get3A_465 {strides = array<i32>} : memref<17x128xi32, #tpu.memory_space<vmem>>, vector<16xi32>,
          %mul3A_469 = arith.constant 128 : i32
          %mul3A_470 = arith.muli %add3A_369, %mul3A_469 : i32
          %add3A_471 = arith.constant 16 : i32
          %add3A_472 = arith.addi %mul3A_470, %add3A_471 : i32
          %get3A_473 = arith.index_cast %add3A_472 : i32 to index
          %get3A_474 = tpu.vector_load %arg10[%get3A_473] {strides = array<i32>} : memref<2144xi32, #tpu.memory_space<vmem>>, vector<16xi32>,
          %swap3A_475 = arith.index_cast %add3A_369 : i32 to index
          %swap3A_476 = arith.constant 16 : index
          %swap3A_477 = tpu.vector_load %arg11[%swap3A_475, %swap3A_476] {strides = array<i32>} : memref<17x128xi32, #tpu.memory_space<vmem>>, vector<16xi32>,
          tpu.vector_store %arg11[%swap3A_475, %swap3A_476], %get3A_474 {strides = array<i32>} : memref<17x128xi32, #tpu.memory_space<vmem>>, vector<16xi32>,
          %mul3A_478 = arith.constant 128 : i32
          %mul3A_479 = arith.muli %add3A_369, %mul3A_478 : i32
          %add3A_480 = arith.constant 32 : i32
          %add3A_481 = arith.addi %mul3A_479, %add3A_480 : i32
          %get3A_482 = arith.index_cast %add3A_481 : i32 to index
          %get3A_483 = tpu.vector_load %arg10[%get3A_482] {strides = array<i32>} : memref<2144xi32, #tpu.memory_space<vmem>>, vector<16xi32>,
          %swap3A_484 = arith.index_cast %add3A_369 : i32 to index
          %swap3A_485 = arith.constant 32 : index
          %swap3A_486 = tpu.vector_load %arg11[%swap3A_484, %swap3A_485] {strides = array<i32>} : memref<17x128xi32, #tpu.memory_space<vmem>>, vector<16xi32>,
          tpu.vector_store %arg11[%swap3A_484, %swap3A_485], %get3A_483 {strides = array<i32>} : memref<17x128xi32, #tpu.memory_space<vmem>>, vector<16xi32>,
          %mul3A_487 = arith.constant 128 : i32
          %mul3A_488 = arith.muli %add3A_369, %mul3A_487 : i32
          %add3A_489 = arith.constant 48 : i32
          %add3A_490 = arith.addi %mul3A_488, %add3A_489 : i32
          %get3A_491 = arith.index_cast %add3A_490 : i32 to index
          %get3A_492 = tpu.vector_load %arg10[%get3A_491] {strides = array<i32>} : memref<2144xi32, #tpu.memory_space<vmem>>, vector<16xi32>,
          %swap3A_493 = arith.index_cast %add3A_369 : i32 to index
          %swap3A_494 = arith.constant 48 : index
          %swap3A_495 = tpu.vector_load %arg11[%swap3A_493, %swap3A_494] {strides = array<i32>} : memref<17x128xi32, #tpu.memory_space<vmem>>, vector<16xi32>,
          tpu.vector_store %arg11[%swap3A_493, %swap3A_494], %get3A_492 {strides = array<i32>} : memref<17x128xi32, #tpu.memory_space<vmem>>, vector<16xi32>,
          %mul3A_496 = arith.constant 128 : i32
          %mul3A_497 = arith.muli %add3A_369, %mul3A_496 : i32
          %add3A_498 = arith.constant 64 : i32
          %add3A_499 = arith.addi %mul3A_497, %add3A_498 : i32
          %get3A_500 = arith.index_cast %add3A_499 : i32 to index
          %get3A_501 = tpu.vector_load %arg10[%get3A_500] {strides = array<i32>} : memref<2144xi32, #tpu.memory_space<vmem>>, vector<16xi32>,
          %swap3A_502 = arith.index_cast %add3A_369 : i32 to index
          %swap3A_503 = arith.constant 64 : index
          %swap3A_504 = tpu.vector_load %arg11[%swap3A_502, %swap3A_503] {strides = array<i32>} : memref<17x128xi32, #tpu.memory_space<vmem>>, vector<16xi32>,
          tpu.vector_store %arg11[%swap3A_502, %swap3A_503], %get3A_501 {strides = array<i32>} : memref<17x128xi32, #tpu.memory_space<vmem>>, vector<16xi32>,
          %mul3A_505 = arith.constant 128 : i32
          %mul3A_506 = arith.muli %add3A_369, %mul3A_505 : i32
          %add3A_507 = arith.constant 80 : i32
          %add3A_508 = arith.addi %mul3A_506, %add3A_507 : i32
          %get3A_509 = arith.index_cast %add3A_508 : i32 to index
          %get3A_510 = tpu.vector_load %arg10[%get3A_509] {strides = array<i32>} : memref<2144xi32, #tpu.memory_space<vmem>>, vector<16xi32>,
          %swap3A_511 = arith.index_cast %add3A_369 : i32 to index
          %swap3A_512 = arith.constant 80 : index
          %swap3A_513 = tpu.vector_load %arg11[%swap3A_511, %swap3A_512] {strides = array<i32>} : memref<17x128xi32, #tpu.memory_space<vmem>>, vector<16xi32>,
          tpu.vector_store %arg11[%swap3A_511, %swap3A_512], %get3A_510 {strides = array<i32>} : memref<17x128xi32, #tpu.memory_space<vmem>>, vector<16xi32>,
          %mul3A_514 = arith.constant 128 : i32
          %mul3A_515 = arith.muli %add3A_369, %mul3A_514 : i32
          %add3A_516 = arith.constant 96 : i32
          %add3A_517 = arith.addi %mul3A_515, %add3A_516 : i32
          %get3A_518 = arith.index_cast %add3A_517 : i32 to index
          %get3A_519 = tpu.vector_load %arg10[%get3A_518] {strides = array<i32>} : memref<2144xi32, #tpu.memory_space<vmem>>, vector<16xi32>,
          %swap3A_520 = arith.index_cast %add3A_369 : i32 to index
          %swap3A_521 = arith.constant 96 : index
          %swap3A_522 = tpu.vector_load %arg11[%swap3A_520, %swap3A_521] {strides = array<i32>} : memref<17x128xi32, #tpu.memory_space<vmem>>, vector<16xi32>,
          tpu.vector_store %arg11[%swap3A_520, %swap3A_521], %get3A_519 {strides = array<i32>} : memref<17x128xi32, #tpu.memory_space<vmem>>, vector<16xi32>,
          %mul3A_523 = arith.constant 128 : i32
          %mul3A_524 = arith.muli %add3A_369, %mul3A_523 : i32
          %add3A_525 = arith.constant 112 : i32
          %add3A_526 = arith.addi %mul3A_524, %add3A_525 : i32
          %get3A_527 = arith.index_cast %add3A_526 : i32 to index
          %get3A_528 = tpu.vector_load %arg10[%get3A_527] {strides = array<i32>} : memref<2144xi32, #tpu.memory_space<vmem>>, vector<16xi32>,
          %swap3A_529 = arith.index_cast %add3A_369 : i32 to index
          %swap3A_530 = arith.constant 112 : index
          %swap3A_531 = tpu.vector_load %arg11[%swap3A_529, %swap3A_530] {strides = array<i32>} : memref<17x128xi32, #tpu.memory_space<vmem>>, vector<16xi32>,
          tpu.vector_store %arg11[%swap3A_529, %swap3A_530], %get3A_528 {strides = array<i32>} : memref<17x128xi32, #tpu.memory_space<vmem>>, vector<16xi32>,
          %mul3A_532 = arith.constant 128 : i32
          %mul3A_533 = arith.muli %add3A_369, %mul3A_532 : i32
          %dma_wait3A_534 = tpu.memref_slice %arg9[%mul3A_533] : memref<2144xi32, #tpu.memory_space<vmem>> -> memref<128xi32, #tpu.memory_space<vmem>>
          %dma_wait3A_535 = arith.constant 0 : i32
          %dma_wait3A_536 = arith.constant 0 : i32
          %dma_wait3A_537 = tpu.memref_slice %arg2[%dma_wait3A_535, %dma_wait3A_536] : memref<100352x64xf32, #tpu.memory_space<hbm>> -> memref<100352x64xf32, #tpu.memory_space<hbm>>
          tpu.wait_indirect_dma semaphore(%arg15 : memref<!tpu.dma_semaphore, #tpu.memory_space<semaphore_mem>>) src(%dma_wait3A_537 : memref<100352x64xf32, #tpu.memory_space<hbm>>) dst(%arg13 : memref<128x64xf32, #tpu.memory_space<vmem>>)
          "tpu.region"() ({
            %run_scoped3A = tpu.sem_alloc : memref<!tpu.dma_semaphore, #tpu.memory_space<semaphore_mem>>
            %dma_start3A = arith.constant 0 : i32
            %dma_start3A_538 = tpu.memref_slice %arg11[%add3A_369, %dma_start3A] : memref<17x128xi32, #tpu.memory_space<vmem>> -> memref<1x128xi32, #tpu.memory_space<vmem>>
            %dma_start3A_539 = tpu.memref_squeeze %dma_start3A_538 : memref<1x128xi32, #tpu.memory_space<vmem>> -> memref<128xi32, #tpu.memory_space<vmem>>
            %dma_start3A_540 = arith.constant 0 : i32
            %dma_start3A_541 = arith.constant 0 : i32
            %dma_start3A_542 = tpu.memref_slice %arg6[%dma_start3A_540, %dma_start3A_541] : memref<25104x64xf32, #tpu.memory_space<vmem_shared>> -> memref<25104x64xf32, #tpu.memory_space<vmem_shared>>
            tpu.enqueue_indirect_dma source(%arg13 : memref<128x64xf32, #tpu.memory_space<vmem>>) target(%dma_start3A_542 : memref<25104x64xf32, #tpu.memory_space<vmem_shared>>) offsets(%dma_start3A_539 : memref<128xi32, #tpu.memory_space<vmem>>) semaphore(%run_scoped3A : memref<!tpu.dma_semaphore, #tpu.memory_space<semaphore_mem>>) {add = true}
            %dma_wait3A_543 = arith.constant 0 : i32
            %dma_wait3A_544 = tpu.memref_slice %arg11[%add3A_369, %dma_wait3A_543] : memref<17x128xi32, #tpu.memory_space<vmem>> -> memref<1x128xi32, #tpu.memory_space<vmem>>
            %dma_wait3A_545 = tpu.memref_squeeze %dma_wait3A_544 : memref<1x128xi32, #tpu.memory_space<vmem>> -> memref<128xi32, #tpu.memory_space<vmem>>
            %dma_wait3A_546 = arith.constant 0 : i32
            %dma_wait3A_547 = arith.constant 0 : i32
            %dma_wait3A_548 = tpu.memref_slice %arg6[%dma_wait3A_546, %dma_wait3A_547] : memref<25104x64xf32, #tpu.memory_space<vmem_shared>> -> memref<25104x64xf32, #tpu.memory_space<vmem_shared>>
            tpu.wait_indirect_dma semaphore(%run_scoped3A : memref<!tpu.dma_semaphore, #tpu.memory_space<semaphore_mem>>) src(%arg13 : memref<128x64xf32, #tpu.memory_space<vmem>>) dst(%dma_wait3A_548 : memref<25104x64xf32, #tpu.memory_space<vmem_shared>>)
            tpu.yield
          }) : () -> ()
        } else {
        }
        %while3A_459 = arith.constant 0 : i32
        scf.yield %while3A_459 : i32
      }
      %while3A_361 = arith.constant 1 : i32
      %while3A_362 = scf.for %while3A_364 = %while3A_358 to %while3A_354 step %while3A_361 iter_args(%while3A_365 = %while3A_360) -> (i32)  : i32 {
        %mul3A_366 = arith.constant 2 : i32
        %mul3A_367 = arith.muli %mul3A_366, %while3A_364 : i32
        %add3A_368 = arith.constant 1 : i32
        %add3A_369 = arith.addi %mul3A_367, %add3A_368 : i32
        %lt3A = arith.cmpi slt, %add3A_369, %select_n3A : i32
        %convert_element_type3A_370 = arith.extui %lt3A : i1 to i32
        %cond3A_371 = arith.constant 0 : i32
        %cond3A_372 = arith.cmpi ne, %convert_element_type3A_370, %cond3A_371 : i32
        scf.if %cond3A_372 {
          %mul3A_460 = arith.constant 128 : i32
          %mul3A_461 = arith.muli %add3A_369, %mul3A_460 : i32
          %dma_start3A = tpu.memref_slice %arg9[%mul3A_461] : memref<2144xi32, #tpu.memory_space<vmem>> -> memref<128xi32, #tpu.memory_space<vmem>>
          %dma_start3A_462 = arith.constant 0 : i32
          %dma_start3A_463 = arith.constant 0 : i32
          %dma_start3A_464 = tpu.memref_slice %arg2[%dma_start3A_462, %dma_start3A_463] : memref<100352x64xf32, #tpu.memory_space<hbm>> -> memref<100352x64xf32, #tpu.memory_space<hbm>>
          tpu.enqueue_indirect_dma source(%dma_start3A_464 : memref<100352x64xf32, #tpu.memory_space<hbm>>) target(%arg13 : memref<128x64xf32, #tpu.memory_space<vmem>>) offsets(%dma_start3A : memref<128xi32, #tpu.memory_space<vmem>>) semaphore(%arg15 : memref<!tpu.dma_semaphore, #tpu.memory_space<semaphore_mem>>)
        } else {
        }
        %mul3A_373 = arith.constant 128 : i32
        %mul3A_374 = arith.muli %mul3A_367, %mul3A_373 : i32
        %add3A_375 = arith.constant 0 : i32
        %add3A_376 = arith.addi %mul3A_374, %add3A_375 : i32
        %get3A = arith.index_cast %add3A_376 : i32 to index
        %get3A_377 = tpu.vector_load %arg10[%get3A] {strides = array<i32>} : memref<2144xi32, #tpu.memory_space<vmem>>, vector<16xi32>,
        %swap3A_378 = arith.index_cast %mul3A_367 : i32 to index
        %swap3A_379 = arith.constant 0 : index
        %swap3A_380 = tpu.vector_load %arg11[%swap3A_378, %swap3A_379] {strides = array<i32>} : memref<17x128xi32, #tpu.memory_space<vmem>>, vector<16xi32>,
        tpu.vector_store %arg11[%swap3A_378, %swap3A_379], %get3A_377 {strides = array<i32>} : memref<17x128xi32, #tpu.memory_space<vmem>>, vector<16xi32>,
        %mul3A_381 = arith.constant 128 : i32
        %mul3A_382 = arith.muli %mul3A_367, %mul3A_381 : i32
        %add3A_383 = arith.constant 16 : i32
        %add3A_384 = arith.addi %mul3A_382, %add3A_383 : i32
        %get3A_385 = arith.index_cast %add3A_384 : i32 to index
        %get3A_386 = tpu.vector_load %arg10[%get3A_385] {strides = array<i32>} : memref<2144xi32, #tpu.memory_space<vmem>>, vector<16xi32>,
        %swap3A_387 = arith.index_cast %mul3A_367 : i32 to index
        %swap3A_388 = arith.constant 16 : index
        %swap3A_389 = tpu.vector_load %arg11[%swap3A_387, %swap3A_388] {strides = array<i32>} : memref<17x128xi32, #tpu.memory_space<vmem>>, vector<16xi32>,
        tpu.vector_store %arg11[%swap3A_387, %swap3A_388], %get3A_386 {strides = array<i32>} : memref<17x128xi32, #tpu.memory_space<vmem>>, vector<16xi32>,
        %mul3A_390 = arith.constant 128 : i32
        %mul3A_391 = arith.muli %mul3A_367, %mul3A_390 : i32
        %add3A_392 = arith.constant 32 : i32
        %add3A_393 = arith.addi %mul3A_391, %add3A_392 : i32
        %get3A_394 = arith.index_cast %add3A_393 : i32 to index
        %get3A_395 = tpu.vector_load %arg10[%get3A_394] {strides = array<i32>} : memref<2144xi32, #tpu.memory_space<vmem>>, vector<16xi32>,
        %swap3A_396 = arith.index_cast %mul3A_367 : i32 to index
        %swap3A_397 = arith.constant 32 : index
        %swap3A_398 = tpu.vector_load %arg11[%swap3A_396, %swap3A_397] {strides = array<i32>} : memref<17x128xi32, #tpu.memory_space<vmem>>, vector<16xi32>,
        tpu.vector_store %arg11[%swap3A_396, %swap3A_397], %get3A_395 {strides = array<i32>} : memref<17x128xi32, #tpu.memory_space<vmem>>, vector<16xi32>,
        %mul3A_399 = arith.constant 128 : i32
        %mul3A_400 = arith.muli %mul3A_367, %mul3A_399 : i32
        %add3A_401 = arith.constant 48 : i32
        %add3A_402 = arith.addi %mul3A_400, %add3A_401 : i32
        %get3A_403 = arith.index_cast %add3A_402 : i32 to index
        %get3A_404 = tpu.vector_load %arg10[%get3A_403] {strides = array<i32>} : memref<2144xi32, #tpu.memory_space<vmem>>, vector<16xi32>,
        %swap3A_405 = arith.index_cast %mul3A_367 : i32 to index
        %swap3A_406 = arith.constant 48 : index
        %swap3A_407 = tpu.vector_load %arg11[%swap3A_405, %swap3A_406] {strides = array<i32>} : memref<17x128xi32, #tpu.memory_space<vmem>>, vector<16xi32>,
        tpu.vector_store %arg11[%swap3A_405, %swap3A_406], %get3A_404 {strides = array<i32>} : memref<17x128xi32, #tpu.memory_space<vmem>>, vector<16xi32>,
        %mul3A_408 = arith.constant 128 : i32
        %mul3A_409 = arith.muli %mul3A_367, %mul3A_408 : i32
        %add3A_410 = arith.constant 64 : i32
        %add3A_411 = arith.addi %mul3A_409, %add3A_410 : i32
        %get3A_412 = arith.index_cast %add3A_411 : i32 to index
        %get3A_413 = tpu.vector_load %arg10[%get3A_412] {strides = array<i32>} : memref<2144xi32, #tpu.memory_space<vmem>>, vector<16xi32>,
        %swap3A_414 = arith.index_cast %mul3A_367 : i32 to index
        %swap3A_415 = arith.constant 64 : index
        %swap3A_416 = tpu.vector_load %arg11[%swap3A_414, %swap3A_415] {strides = array<i32>} : memref<17x128xi32, #tpu.memory_space<vmem>>, vector<16xi32>,
        tpu.vector_store %arg11[%swap3A_414, %swap3A_415], %get3A_413 {strides = array<i32>} : memref<17x128xi32, #tpu.memory_space<vmem>>, vector<16xi32>,
        %mul3A_417 = arith.constant 128 : i32
        %mul3A_418 = arith.muli %mul3A_367, %mul3A_417 : i32
        %add3A_419 = arith.constant 80 : i32
        %add3A_420 = arith.addi %mul3A_418, %add3A_419 : i32
        %get3A_421 = arith.index_cast %add3A_420 : i32 to index
        %get3A_422 = tpu.vector_load %arg10[%get3A_421] {strides = array<i32>} : memref<2144xi32, #tpu.memory_space<vmem>>, vector<16xi32>,
        %swap3A_423 = arith.index_cast %mul3A_367 : i32 to index
        %swap3A_424 = arith.constant 80 : index
        %swap3A_425 = tpu.vector_load %arg11[%swap3A_423, %swap3A_424] {strides = array<i32>} : memref<17x128xi32, #tpu.memory_space<vmem>>, vector<16xi32>,
        tpu.vector_store %arg11[%swap3A_423, %swap3A_424], %get3A_422 {strides = array<i32>} : memref<17x128xi32, #tpu.memory_space<vmem>>, vector<16xi32>,
        %mul3A_426 = arith.constant 128 : i32
        %mul3A_427 = arith.muli %mul3A_367, %mul3A_426 : i32
        %add3A_428 = arith.constant 96 : i32
        %add3A_429 = arith.addi %mul3A_427, %add3A_428 : i32
        %get3A_430 = arith.index_cast %add3A_429 : i32 to index
        %get3A_431 = tpu.vector_load %arg10[%get3A_430] {strides = array<i32>} : memref<2144xi32, #tpu.memory_space<vmem>>, vector<16xi32>,
        %swap3A_432 = arith.index_cast %mul3A_367 : i32 to index
        %swap3A_433 = arith.constant 96 : index
        %swap3A_434 = tpu.vector_load %arg11[%swap3A_432, %swap3A_433] {strides = array<i32>} : memref<17x128xi32, #tpu.memory_space<vmem>>, vector<16xi32>,
        tpu.vector_store %arg11[%swap3A_432, %swap3A_433], %get3A_431 {strides = array<i32>} : memref<17x128xi32, #tpu.memory_space<vmem>>, vector<16xi32>,
        %mul3A_435 = arith.constant 128 : i32
        %mul3A_436 = arith.muli %mul3A_367, %mul3A_435 : i32
        %add3A_437 = arith.constant 112 : i32
        %add3A_438 = arith.addi %mul3A_436, %add3A_437 : i32
        %get3A_439 = arith.index_cast %add3A_438 : i32 to index
        %get3A_440 = tpu.vector_load %arg10[%get3A_439] {strides = array<i32>} : memref<2144xi32, #tpu.memory_space<vmem>>, vector<16xi32>,
        %swap3A_441 = arith.index_cast %mul3A_367 : i32 to index
        %swap3A_442 = arith.constant 112 : index
        %swap3A_443 = tpu.vector_load %arg11[%swap3A_441, %swap3A_442] {strides = array<i32>} : memref<17x128xi32, #tpu.memory_space<vmem>>, vector<16xi32>,
        tpu.vector_store %arg11[%swap3A_441, %swap3A_442], %get3A_440 {strides = array<i32>} : memref<17x128xi32, #tpu.memory_space<vmem>>, vector<16xi32>,
        %mul3A_444 = arith.constant 128 : i32
        %mul3A_445 = arith.muli %mul3A_367, %mul3A_444 : i32
        %dma_wait3A = tpu.memref_slice %arg9[%mul3A_445] : memref<2144xi32, #tpu.memory_space<vmem>> -> memref<128xi32, #tpu.memory_space<vmem>>
        %dma_wait3A_446 = arith.constant 0 : i32
        %dma_wait3A_447 = arith.constant 0 : i32
        %dma_wait3A_448 = tpu.memref_slice %arg2[%dma_wait3A_446, %dma_wait3A_447] : memref<100352x64xf32, #tpu.memory_space<hbm>> -> memref<100352x64xf32, #tpu.memory_space<hbm>>
        tpu.wait_indirect_dma semaphore(%arg14 : memref<!tpu.dma_semaphore, #tpu.memory_space<semaphore_mem>>) src(%dma_wait3A_448 : memref<100352x64xf32, #tpu.memory_space<hbm>>) dst(%arg12 : memref<128x64xf32, #tpu.memory_space<vmem>>)
        "tpu.region"() ({
          %run_scoped3A = tpu.sem_alloc : memref<!tpu.dma_semaphore, #tpu.memory_space<semaphore_mem>>
          %dma_start3A = arith.constant 0 : i32
          %dma_start3A_460 = tpu.memref_slice %arg11[%mul3A_367, %dma_start3A] : memref<17x128xi32, #tpu.memory_space<vmem>> -> memref<1x128xi32, #tpu.memory_space<vmem>>
          %dma_start3A_461 = tpu.memref_squeeze %dma_start3A_460 : memref<1x128xi32, #tpu.memory_space<vmem>> -> memref<128xi32, #tpu.memory_space<vmem>>
          %dma_start3A_462 = arith.constant 0 : i32
          %dma_start3A_463 = arith.constant 0 : i32
          %dma_start3A_464 = tpu.memref_slice %arg6[%dma_start3A_462, %dma_start3A_463] : memref<25104x64xf32, #tpu.memory_space<vmem_shared>> -> memref<25104x64xf32, #tpu.memory_space<vmem_shared>>
          tpu.enqueue_indirect_dma source(%arg12 : memref<128x64xf32, #tpu.memory_space<vmem>>) target(%dma_start3A_464 : memref<25104x64xf32, #tpu.memory_space<vmem_shared>>) offsets(%dma_start3A_461 : memref<128xi32, #tpu.memory_space<vmem>>) semaphore(%run_scoped3A : memref<!tpu.dma_semaphore, #tpu.memory_space<semaphore_mem>>) {add = true}
          %dma_wait3A_465 = arith.constant 0 : i32
          %dma_wait3A_466 = tpu.memref_slice %arg11[%mul3A_367, %dma_wait3A_465] : memref<17x128xi32, #tpu.memory_space<vmem>> -> memref<1x128xi32, #tpu.memory_space<vmem>>
          %dma_wait3A_467 = tpu.memref_squeeze %dma_wait3A_466 : memref<1x128xi32, #tpu.memory_space<vmem>> -> memref<128xi32, #tpu.memory_space<vmem>>
          %dma_wait3A_468 = arith.constant 0 : i32
          %dma_wait3A_469 = arith.constant 0 : i32
          %dma_wait3A_470 = tpu.memref_slice %arg6[%dma_wait3A_468, %dma_wait3A_469] : memref<25104x64xf32, #tpu.memory_space<vmem_shared>> -> memref<25104x64xf32, #tpu.memory_space<vmem_shared>>
          tpu.wait_indirect_dma semaphore(%run_scoped3A : memref<!tpu.dma_semaphore, #tpu.memory_space<semaphore_mem>>) src(%arg12 : memref<128x64xf32, #tpu.memory_space<vmem>>) dst(%dma_wait3A_470 : memref<25104x64xf32, #tpu.memory_space<vmem_shared>>)
          tpu.yield
        }) : () -> ()
        %add3A_449 = arith.constant 2 : i32
        %add3A_450 = arith.addi %mul3A_367, %add3A_449 : i32
        %lt3A_451 = arith.cmpi slt, %add3A_450, %select_n3A : i32
        %convert_element_type3A_452 = arith.extui %lt3A_451 : i1 to i32
        %cond3A_453 = arith.constant 0 : i32
        %cond3A_454 = arith.cmpi ne, %convert_element_type3A_452, %cond3A_453 : i32
        scf.if %cond3A_454 {
          %add3A_460 = arith.constant 2 : i32
          %add3A_461 = arith.addi %mul3A_367, %add3A_460 : i32
          %mul3A_462 = arith.constant 128 : i32
          %mul3A_463 = arith.muli %add3A_461, %mul3A_462 : i32
          %dma_start3A = tpu.memref_slice %arg9[%mul3A_463] : memref<2144xi32, #tpu.memory_space<vmem>> -> memref<128xi32, #tpu.memory_space<vmem>>
          %dma_start3A_464 = arith.constant 0 : i32
          %dma_start3A_465 = arith.constant 0 : i32
          %dma_start3A_466 = tpu.memref_slice %arg2[%dma_start3A_464, %dma_start3A_465] : memref<100352x64xf32, #tpu.memory_space<hbm>> -> memref<100352x64xf32, #tpu.memory_space<hbm>>
          tpu.enqueue_indirect_dma source(%dma_start3A_466 : memref<100352x64xf32, #tpu.memory_space<hbm>>) target(%arg12 : memref<128x64xf32, #tpu.memory_space<vmem>>) offsets(%dma_start3A : memref<128xi32, #tpu.memory_space<vmem>>) semaphore(%arg14 : memref<!tpu.dma_semaphore, #tpu.memory_space<semaphore_mem>>)
        } else {
        }
        %lt3A_455 = arith.cmpi slt, %add3A_369, %select_n3A : i32
        %convert_element_type3A_456 = arith.extui %lt3A_455 : i1 to i32
        %cond3A_457 = arith.constant 0 : i32
        %cond3A_458 = arith.cmpi ne, %convert_element_type3A_456, %cond3A_457 : i32
        scf.if %cond3A_458 {
          %mul3A_460 = arith.constant 128 : i32
          %mul3A_461 = arith.muli %add3A_369, %mul3A_460 : i32
          %add3A_462 = arith.constant 0 : i32
          %add3A_463 = arith.addi %mul3A_461, %add3A_462 : i32
          %get3A_464 = arith.index_cast %add3A_463 : i32 to index
          %get3A_465 = tpu.vector_load %arg10[%get3A_464] {strides = array<i32>} : memref<2144xi32, #tpu.memory_space<vmem>>, vector<16xi32>,
          %swap3A_466 = arith.index_cast %add3A_369 : i32 to index
          %swap3A_467 = arith.constant 0 : index
          %swap3A_468 = tpu.vector_load %arg11[%swap3A_466, %swap3A_467] {strides = array<i32>} : memref<17x128xi32, #tpu.memory_space<vmem>>, vector<16xi32>,
          tpu.vector_store %arg11[%swap3A_466, %swap3A_467], %get3A_465 {strides = array<i32>} : memref<17x128xi32, #tpu.memory_space<vmem>>, vector<16xi32>,
          %mul3A_469 = arith.constant 128 : i32
          %mul3A_470 = arith.muli %add3A_369, %mul3A_469 : i32
          %add3A_471 = arith.constant 16 : i32
          %add3A_472 = arith.addi %mul3A_470, %add3A_471 : i32
          %get3A_473 = arith.index_cast %add3A_472 : i32 to index
          %get3A_474 = tpu.vector_load %arg10[%get3A_473] {strides = array<i32>} : memref<2144xi32, #tpu.memory_space<vmem>>, vector<16xi32>,
          %swap3A_475 = arith.index_cast %add3A_369 : i32 to index
          %swap3A_476 = arith.constant 16 : index
          %swap3A_477 = tpu.vector_load %arg11[%swap3A_475, %swap3A_476] {strides = array<i32>} : memref<17x128xi32, #tpu.memory_space<vmem>>, vector<16xi32>,
          tpu.vector_store %arg11[%swap3A_475, %swap3A_476], %get3A_474 {strides = array<i32>} : memref<17x128xi32, #tpu.memory_space<vmem>>, vector<16xi32>,
          %mul3A_478 = arith.constant 128 : i32
          %mul3A_479 = arith.muli %add3A_369, %mul3A_478 : i32
          %add3A_480 = arith.constant 32 : i32
          %add3A_481 = arith.addi %mul3A_479, %add3A_480 : i32
          %get3A_482 = arith.index_cast %add3A_481 : i32 to index
          %get3A_483 = tpu.vector_load %arg10[%get3A_482] {strides = array<i32>} : memref<2144xi32, #tpu.memory_space<vmem>>, vector<16xi32>,
          %swap3A_484 = arith.index_cast %add3A_369 : i32 to index
          %swap3A_485 = arith.constant 32 : index
          %swap3A_486 = tpu.vector_load %arg11[%swap3A_484, %swap3A_485] {strides = array<i32>} : memref<17x128xi32, #tpu.memory_space<vmem>>, vector<16xi32>,
          tpu.vector_store %arg11[%swap3A_484, %swap3A_485], %get3A_483 {strides = array<i32>} : memref<17x128xi32, #tpu.memory_space<vmem>>, vector<16xi32>,
          %mul3A_487 = arith.constant 128 : i32
          %mul3A_488 = arith.muli %add3A_369, %mul3A_487 : i32
          %add3A_489 = arith.constant 48 : i32
          %add3A_490 = arith.addi %mul3A_488, %add3A_489 : i32
          %get3A_491 = arith.index_cast %add3A_490 : i32 to index
          %get3A_492 = tpu.vector_load %arg10[%get3A_491] {strides = array<i32>} : memref<2144xi32, #tpu.memory_space<vmem>>, vector<16xi32>,
          %swap3A_493 = arith.index_cast %add3A_369 : i32 to index
          %swap3A_494 = arith.constant 48 : index
          %swap3A_495 = tpu.vector_load %arg11[%swap3A_493, %swap3A_494] {strides = array<i32>} : memref<17x128xi32, #tpu.memory_space<vmem>>, vector<16xi32>,
          tpu.vector_store %arg11[%swap3A_493, %swap3A_494], %get3A_492 {strides = array<i32>} : memref<17x128xi32, #tpu.memory_space<vmem>>, vector<16xi32>,
          %mul3A_496 = arith.constant 128 : i32
          %mul3A_497 = arith.muli %add3A_369, %mul3A_496 : i32
          %add3A_498 = arith.constant 64 : i32
          %add3A_499 = arith.addi %mul3A_497, %add3A_498 : i32
          %get3A_500 = arith.index_cast %add3A_499 : i32 to index
          %get3A_501 = tpu.vector_load %arg10[%get3A_500] {strides = array<i32>} : memref<2144xi32, #tpu.memory_space<vmem>>, vector<16xi32>,
          %swap3A_502 = arith.index_cast %add3A_369 : i32 to index
          %swap3A_503 = arith.constant 64 : index
          %swap3A_504 = tpu.vector_load %arg11[%swap3A_502, %swap3A_503] {strides = array<i32>} : memref<17x128xi32, #tpu.memory_space<vmem>>, vector<16xi32>,
          tpu.vector_store %arg11[%swap3A_502, %swap3A_503], %get3A_501 {strides = array<i32>} : memref<17x128xi32, #tpu.memory_space<vmem>>, vector<16xi32>,
          %mul3A_505 = arith.constant 128 : i32
          %mul3A_506 = arith.muli %add3A_369, %mul3A_505 : i32
          %add3A_507 = arith.constant 80 : i32
          %add3A_508 = arith.addi %mul3A_506, %add3A_507 : i32
          %get3A_509 = arith.index_cast %add3A_508 : i32 to index
          %get3A_510 = tpu.vector_load %arg10[%get3A_509] {strides = array<i32>} : memref<2144xi32, #tpu.memory_space<vmem>>, vector<16xi32>,
          %swap3A_511 = arith.index_cast %add3A_369 : i32 to index
          %swap3A_512 = arith.constant 80 : index
          %swap3A_513 = tpu.vector_load %arg11[%swap3A_511, %swap3A_512] {strides = array<i32>} : memref<17x128xi32, #tpu.memory_space<vmem>>, vector<16xi32>,
          tpu.vector_store %arg11[%swap3A_511, %swap3A_512], %get3A_510 {strides = array<i32>} : memref<17x128xi32, #tpu.memory_space<vmem>>, vector<16xi32>,
          %mul3A_514 = arith.constant 128 : i32
          %mul3A_515 = arith.muli %add3A_369, %mul3A_514 : i32
          %add3A_516 = arith.constant 96 : i32
          %add3A_517 = arith.addi %mul3A_515, %add3A_516 : i32
          %get3A_518 = arith.index_cast %add3A_517 : i32 to index
          %get3A_519 = tpu.vector_load %arg10[%get3A_518] {strides = array<i32>} : memref<2144xi32, #tpu.memory_space<vmem>>, vector<16xi32>,
          %swap3A_520 = arith.index_cast %add3A_369 : i32 to index
          %swap3A_521 = arith.constant 96 : index
          %swap3A_522 = tpu.vector_load %arg11[%swap3A_520, %swap3A_521] {strides = array<i32>} : memref<17x128xi32, #tpu.memory_space<vmem>>, vector<16xi32>,
          tpu.vector_store %arg11[%swap3A_520, %swap3A_521], %get3A_519 {strides = array<i32>} : memref<17x128xi32, #tpu.memory_space<vmem>>, vector<16xi32>,
          %mul3A_523 = arith.constant 128 : i32
          %mul3A_524 = arith.muli %add3A_369, %mul3A_523 : i32
          %add3A_525 = arith.constant 112 : i32
          %add3A_526 = arith.addi %mul3A_524, %add3A_525 : i32
          %get3A_527 = arith.index_cast %add3A_526 : i32 to index
          %get3A_528 = tpu.vector_load %arg10[%get3A_527] {strides = array<i32>} : memref<2144xi32, #tpu.memory_space<vmem>>, vector<16xi32>,
          %swap3A_529 = arith.index_cast %add3A_369 : i32 to index
          %swap3A_530 = arith.constant 112 : index
          %swap3A_531 = tpu.vector_load %arg11[%swap3A_529, %swap3A_530] {strides = array<i32>} : memref<17x128xi32, #tpu.memory_space<vmem>>, vector<16xi32>,
          tpu.vector_store %arg11[%swap3A_529, %swap3A_530], %get3A_528 {strides = array<i32>} : memref<17x128xi32, #tpu.memory_space<vmem>>, vector<16xi32>,
          %mul3A_532 = arith.constant 128 : i32
          %mul3A_533 = arith.muli %add3A_369, %mul3A_532 : i32
          %dma_wait3A_534 = tpu.memref_slice %arg9[%mul3A_533] : memref<2144xi32, #tpu.memory_space<vmem>> -> memref<128xi32, #tpu.memory_space<vmem>>
          %dma_wait3A_535 = arith.constant 0 : i32
          %dma_wait3A_536 = arith.constant 0 : i32
          %dma_wait3A_537 = tpu.memref_slice %arg2[%dma_wait3A_535, %dma_wait3A_536] : memref<100352x64xf32, #tpu.memory_space<hbm>> -> memref<100352x64xf32, #tpu.memory_space<hbm>>
          tpu.wait_indirect_dma semaphore(%arg15 : memref<!tpu.dma_semaphore, #tpu.memory_space<semaphore_mem>>) src(%dma_wait3A_537 : memref<100352x64xf32, #tpu.memory_space<hbm>>) dst(%arg13 : memref<128x64xf32, #tpu.memory_space<vmem>>)
          "tpu.region"() ({
            %run_scoped3A = tpu.sem_alloc : memref<!tpu.dma_semaphore, #tpu.memory_space<semaphore_mem>>
            %dma_start3A = arith.constant 0 : i32
            %dma_start3A_538 = tpu.memref_slice %arg11[%add3A_369, %dma_start3A] : memref<17x128xi32, #tpu.memory_space<vmem>> -> memref<1x128xi32, #tpu.memory_space<vmem>>
            %dma_start3A_539 = tpu.memref_squeeze %dma_start3A_538 : memref<1x128xi32, #tpu.memory_space<vmem>> -> memref<128xi32, #tpu.memory_space<vmem>>
            %dma_start3A_540 = arith.constant 0 : i32
            %dma_start3A_541 = arith.constant 0 : i32
            %dma_start3A_542 = tpu.memref_slice %arg6[%dma_start3A_540, %dma_start3A_541] : memref<25104x64xf32, #tpu.memory_space<vmem_shared>> -> memref<25104x64xf32, #tpu.memory_space<vmem_shared>>
            tpu.enqueue_indirect_dma source(%arg13 : memref<128x64xf32, #tpu.memory_space<vmem>>) target(%dma_start3A_542 : memref<25104x64xf32, #tpu.memory_space<vmem_shared>>) offsets(%dma_start3A_539 : memref<128xi32, #tpu.memory_space<vmem>>) semaphore(%run_scoped3A : memref<!tpu.dma_semaphore, #tpu.memory_space<semaphore_mem>>) {add = true}
            %dma_wait3A_543 = arith.constant 0 : i32
            %dma_wait3A_544 = tpu.memref_slice %arg11[%add3A_369, %dma_wait3A_543] : memref<17x128xi32, #tpu.memory_space<vmem>> -> memref<1x128xi32, #tpu.memory_space<vmem>>
            %dma_wait3A_545 = tpu.memref_squeeze %dma_wait3A_544 : memref<1x128xi32, #tpu.memory_space<vmem>> -> memref<128xi32, #tpu.memory_space<vmem>>
            %dma_wait3A_546 = arith.constant 0 : i32
            %dma_wait3A_547 = arith.constant 0 : i32
            %dma_wait3A_548 = tpu.memref_slice %arg6[%dma_wait3A_546, %dma_wait3A_547] : memref<25104x64xf32, #tpu.memory_space<vmem_shared>> -> memref<25104x64xf32, #tpu.memory_space<vmem_shared>>
            tpu.wait_indirect_dma semaphore(%run_scoped3A : memref<!tpu.dma_semaphore, #tpu.memory_space<semaphore_mem>>) src(%arg13 : memref<128x64xf32, #tpu.memory_space<vmem>>) dst(%dma_wait3A_548 : memref<25104x64xf32, #tpu.memory_space<vmem_shared>>)
            tpu.yield
          }) : () -> ()
        } else {
        }
        %while3A_459 = arith.constant 0 : i32
        scf.yield %while3A_459 : i32
      }
      %scan3A_363 = arith.constant 0 : i32
      scf.yield %scan3A_363 : i32
    }
    %scan3A_163 = arith.constant 50 : i32
    %barrier3A_164 = arith.constant 0 : index
    tpu.barrier barrier_id(%barrier3A_164)
    %mul3A_165 = arith.constant 25088 : i32
    %mul3A_166 = arith.muli %add3A_116, %mul3A_165 : i32
    %mul3A_167 = arith.constant 1568 : i32
    %mul3A_168 = arith.muli %arg1, %mul3A_167 : i32
    %add3A_169 = arith.addi %mul3A_166, %mul3A_168 : i32
    %add3A_170 = arith.constant 0 : i32
    %add3A_171 = arith.addi %mul3A_127, %add3A_170 : i32
    %add3A_172 = arith.constant 0 : i32
    %add3A_173 = arith.addi %add3A_169, %add3A_172 : i32
    "tpu.region"() ({
      %run_scoped3A = tpu.sem_alloc : memref<!tpu.dma_semaphore, #tpu.memory_space<semaphore_mem>>
      %dma_start3A = arith.constant 0 : i32
      %dma_start3A_226 = tpu.memref_slice %arg5[%add3A_173, %dma_start3A] : memref<100352x64xf32, #tpu.memory_space<hbm>> -> memref<128x64xf32, #tpu.memory_space<hbm>>
      %dma_start3A_227 = arith.constant 0 : i32
      %dma_start3A_228 = tpu.memref_slice %arg6[%add3A_171, %dma_start3A_227] : memref<25104x64xf32, #tpu.memory_space<vmem_shared>> -> memref<128x64xf32, #tpu.memory_space<vmem_shared>>
      tpu.enqueue_dma source(%dma_start3A_228 : memref<128x64xf32, #tpu.memory_space<vmem_shared>>) target(%dma_start3A_226 : memref<128x64xf32, #tpu.memory_space<hbm>>) target_semaphore(%run_scoped3A : memref<!tpu.dma_semaphore, #tpu.memory_space<semaphore_mem>>)
      %dma_wait3A = arith.constant 0 : i32
      %dma_wait3A_229 = tpu.memref_slice %arg5[%add3A_173, %dma_wait3A] : memref<100352x64xf32, #tpu.memory_space<hbm>> -> memref<128x64xf32, #tpu.memory_space<hbm>>
      %dma_wait3A_230 = arith.constant 0 : i32
      %dma_wait3A_231 = tpu.memref_slice %arg6[%add3A_171, %dma_wait3A_230] : memref<25104x64xf32, #tpu.memory_space<vmem_shared>> -> memref<128x64xf32, #tpu.memory_space<vmem_shared>>
      tpu.wait_dma2 semaphore(%run_scoped3A : memref<!tpu.dma_semaphore, #tpu.memory_space<semaphore_mem>>) src(%dma_wait3A_231 : memref<128x64xf32, #tpu.memory_space<vmem_shared>>) dst(%dma_wait3A_229 : memref<128x64xf32, #tpu.memory_space<hbm>>)
      tpu.yield
    }) : () -> ()
    %add3A_174 = arith.constant 128 : i32
    %add3A_175 = arith.addi %mul3A_127, %add3A_174 : i32
    %add3A_176 = arith.constant 128 : i32
    %add3A_177 = arith.addi %add3A_169, %add3A_176 : i32
    "tpu.region"() ({
      %run_scoped3A = tpu.sem_alloc : memref<!tpu.dma_semaphore, #tpu.memory_space<semaphore_mem>>
      %dma_start3A = arith.constant 0 : i32
      %dma_start3A_226 = tpu.memref_slice %arg5[%add3A_177, %dma_start3A] : memref<100352x64xf32, #tpu.memory_space<hbm>> -> memref<128x64xf32, #tpu.memory_space<hbm>>
      %dma_start3A_227 = arith.constant 0 : i32
      %dma_start3A_228 = tpu.memref_slice %arg6[%add3A_175, %dma_start3A_227] : memref<25104x64xf32, #tpu.memory_space<vmem_shared>> -> memref<128x64xf32, #tpu.memory_space<vmem_shared>>
      tpu.enqueue_dma source(%dma_start3A_228 : memref<128x64xf32, #tpu.memory_space<vmem_shared>>) target(%dma_start3A_226 : memref<128x64xf32, #tpu.memory_space<hbm>>) target_semaphore(%run_scoped3A : memref<!tpu.dma_semaphore, #tpu.memory_space<semaphore_mem>>)
      %dma_wait3A = arith.constant 0 : i32
      %dma_wait3A_229 = tpu.memref_slice %arg5[%add3A_177, %dma_wait3A] : memref<100352x64xf32, #tpu.memory_space<hbm>> -> memref<128x64xf32, #tpu.memory_space<hbm>>
      %dma_wait3A_230 = arith.constant 0 : i32
      %dma_wait3A_231 = tpu.memref_slice %arg6[%add3A_175, %dma_wait3A_230] : memref<25104x64xf32, #tpu.memory_space<vmem_shared>> -> memref<128x64xf32, #tpu.memory_space<vmem_shared>>
      tpu.wait_dma2 semaphore(%run_scoped3A : memref<!tpu.dma_semaphore, #tpu.memory_space<semaphore_mem>>) src(%dma_wait3A_231 : memref<128x64xf32, #tpu.memory_space<vmem_shared>>) dst(%dma_wait3A_229 : memref<128x64xf32, #tpu.memory_space<hbm>>)
      tpu.yield
    }) : () -> ()
    %add3A_178 = arith.constant 256 : i32
    %add3A_179 = arith.addi %mul3A_127, %add3A_178 : i32
    %add3A_180 = arith.constant 256 : i32
    %add3A_181 = arith.addi %add3A_169, %add3A_180 : i32
    "tpu.region"() ({
      %run_scoped3A = tpu.sem_alloc : memref<!tpu.dma_semaphore, #tpu.memory_space<semaphore_mem>>
      %dma_start3A = arith.constant 0 : i32
      %dma_start3A_226 = tpu.memref_slice %arg5[%add3A_181, %dma_start3A] : memref<100352x64xf32, #tpu.memory_space<hbm>> -> memref<128x64xf32, #tpu.memory_space<hbm>>
      %dma_start3A_227 = arith.constant 0 : i32
      %dma_start3A_228 = tpu.memref_slice %arg6[%add3A_179, %dma_start3A_227] : memref<25104x64xf32, #tpu.memory_space<vmem_shared>> -> memref<128x64xf32, #tpu.memory_space<vmem_shared>>
      tpu.enqueue_dma source(%dma_start3A_228 : memref<128x64xf32, #tpu.memory_space<vmem_shared>>) target(%dma_start3A_226 : memref<128x64xf32, #tpu.memory_space<hbm>>) target_semaphore(%run_scoped3A : memref<!tpu.dma_semaphore, #tpu.memory_space<semaphore_mem>>)
      %dma_wait3A = arith.constant 0 : i32
      %dma_wait3A_229 = tpu.memref_slice %arg5[%add3A_181, %dma_wait3A] : memref<100352x64xf32, #tpu.memory_space<hbm>> -> memref<128x64xf32, #tpu.memory_space<hbm>>
      %dma_wait3A_230 = arith.constant 0 : i32
      %dma_wait3A_231 = tpu.memref_slice %arg6[%add3A_179, %dma_wait3A_230] : memref<25104x64xf32, #tpu.memory_space<vmem_shared>> -> memref<128x64xf32, #tpu.memory_space<vmem_shared>>
      tpu.wait_dma2 semaphore(%run_scoped3A : memref<!tpu.dma_semaphore, #tpu.memory_space<semaphore_mem>>) src(%dma_wait3A_231 : memref<128x64xf32, #tpu.memory_space<vmem_shared>>) dst(%dma_wait3A_229 : memref<128x64xf32, #tpu.memory_space<hbm>>)
      tpu.yield
    }) : () -> ()
    %add3A_182 = arith.constant 384 : i32
    %add3A_183 = arith.addi %mul3A_127, %add3A_182 : i32
    %add3A_184 = arith.constant 384 : i32
    %add3A_185 = arith.addi %add3A_169, %add3A_184 : i32
    "tpu.region"() ({
      %run_scoped3A = tpu.sem_alloc : memref<!tpu.dma_semaphore, #tpu.memory_space<semaphore_mem>>
      %dma_start3A = arith.constant 0 : i32
      %dma_start3A_226 = tpu.memref_slice %arg5[%add3A_185, %dma_start3A] : memref<100352x64xf32, #tpu.memory_space<hbm>> -> memref<128x64xf32, #tpu.memory_space<hbm>>
      %dma_start3A_227 = arith.constant 0 : i32
      %dma_start3A_228 = tpu.memref_slice %arg6[%add3A_183, %dma_start3A_227] : memref<25104x64xf32, #tpu.memory_space<vmem_shared>> -> memref<128x64xf32, #tpu.memory_space<vmem_shared>>
      tpu.enqueue_dma source(%dma_start3A_228 : memref<128x64xf32, #tpu.memory_space<vmem_shared>>) target(%dma_start3A_226 : memref<128x64xf32, #tpu.memory_space<hbm>>) target_semaphore(%run_scoped3A : memref<!tpu.dma_semaphore, #tpu.memory_space<semaphore_mem>>)
      %dma_wait3A = arith.constant 0 : i32
      %dma_wait3A_229 = tpu.memref_slice %arg5[%add3A_185, %dma_wait3A] : memref<100352x64xf32, #tpu.memory_space<hbm>> -> memref<128x64xf32, #tpu.memory_space<hbm>>
      %dma_wait3A_230 = arith.constant 0 : i32
      %dma_wait3A_231 = tpu.memref_slice %arg6[%add3A_183, %dma_wait3A_230] : memref<25104x64xf32, #tpu.memory_space<vmem_shared>> -> memref<128x64xf32, #tpu.memory_space<vmem_shared>>
      tpu.wait_dma2 semaphore(%run_scoped3A : memref<!tpu.dma_semaphore, #tpu.memory_space<semaphore_mem>>) src(%dma_wait3A_231 : memref<128x64xf32, #tpu.memory_space<vmem_shared>>) dst(%dma_wait3A_229 : memref<128x64xf32, #tpu.memory_space<hbm>>)
      tpu.yield
    }) : () -> ()
    %add3A_186 = arith.constant 512 : i32
    %add3A_187 = arith.addi %mul3A_127, %add3A_186 : i32
    %add3A_188 = arith.constant 512 : i32
    %add3A_189 = arith.addi %add3A_169, %add3A_188 : i32
    "tpu.region"() ({
      %run_scoped3A = tpu.sem_alloc : memref<!tpu.dma_semaphore, #tpu.memory_space<semaphore_mem>>
      %dma_start3A = arith.constant 0 : i32
      %dma_start3A_226 = tpu.memref_slice %arg5[%add3A_189, %dma_start3A] : memref<100352x64xf32, #tpu.memory_space<hbm>> -> memref<128x64xf32, #tpu.memory_space<hbm>>
      %dma_start3A_227 = arith.constant 0 : i32
      %dma_start3A_228 = tpu.memref_slice %arg6[%add3A_187, %dma_start3A_227] : memref<25104x64xf32, #tpu.memory_space<vmem_shared>> -> memref<128x64xf32, #tpu.memory_space<vmem_shared>>
      tpu.enqueue_dma source(%dma_start3A_228 : memref<128x64xf32, #tpu.memory_space<vmem_shared>>) target(%dma_start3A_226 : memref<128x64xf32, #tpu.memory_space<hbm>>) target_semaphore(%run_scoped3A : memref<!tpu.dma_semaphore, #tpu.memory_space<semaphore_mem>>)
      %dma_wait3A = arith.constant 0 : i32
      %dma_wait3A_229 = tpu.memref_slice %arg5[%add3A_189, %dma_wait3A] : memref<100352x64xf32, #tpu.memory_space<hbm>> -> memref<128x64xf32, #tpu.memory_space<hbm>>
      %dma_wait3A_230 = arith.constant 0 : i32
      %dma_wait3A_231 = tpu.memref_slice %arg6[%add3A_187, %dma_wait3A_230] : memref<25104x64xf32, #tpu.memory_space<vmem_shared>> -> memref<128x64xf32, #tpu.memory_space<vmem_shared>>
      tpu.wait_dma2 semaphore(%run_scoped3A : memref<!tpu.dma_semaphore, #tpu.memory_space<semaphore_mem>>) src(%dma_wait3A_231 : memref<128x64xf32, #tpu.memory_space<vmem_shared>>) dst(%dma_wait3A_229 : memref<128x64xf32, #tpu.memory_space<hbm>>)
      tpu.yield
    }) : () -> ()
    %add3A_190 = arith.constant 640 : i32
    %add3A_191 = arith.addi %mul3A_127, %add3A_190 : i32
    %add3A_192 = arith.constant 640 : i32
    %add3A_193 = arith.addi %add3A_169, %add3A_192 : i32
    "tpu.region"() ({
      %run_scoped3A = tpu.sem_alloc : memref<!tpu.dma_semaphore, #tpu.memory_space<semaphore_mem>>
      %dma_start3A = arith.constant 0 : i32
      %dma_start3A_226 = tpu.memref_slice %arg5[%add3A_193, %dma_start3A] : memref<100352x64xf32, #tpu.memory_space<hbm>> -> memref<128x64xf32, #tpu.memory_space<hbm>>
      %dma_start3A_227 = arith.constant 0 : i32
      %dma_start3A_228 = tpu.memref_slice %arg6[%add3A_191, %dma_start3A_227] : memref<25104x64xf32, #tpu.memory_space<vmem_shared>> -> memref<128x64xf32, #tpu.memory_space<vmem_shared>>
      tpu.enqueue_dma source(%dma_start3A_228 : memref<128x64xf32, #tpu.memory_space<vmem_shared>>) target(%dma_start3A_226 : memref<128x64xf32, #tpu.memory_space<hbm>>) target_semaphore(%run_scoped3A : memref<!tpu.dma_semaphore, #tpu.memory_space<semaphore_mem>>)
      %dma_wait3A = arith.constant 0 : i32
      %dma_wait3A_229 = tpu.memref_slice %arg5[%add3A_193, %dma_wait3A] : memref<100352x64xf32, #tpu.memory_space<hbm>> -> memref<128x64xf32, #tpu.memory_space<hbm>>
      %dma_wait3A_230 = arith.constant 0 : i32
      %dma_wait3A_231 = tpu.memref_slice %arg6[%add3A_191, %dma_wait3A_230] : memref<25104x64xf32, #tpu.memory_space<vmem_shared>> -> memref<128x64xf32, #tpu.memory_space<vmem_shared>>
      tpu.wait_dma2 semaphore(%run_scoped3A : memref<!tpu.dma_semaphore, #tpu.memory_space<semaphore_mem>>) src(%dma_wait3A_231 : memref<128x64xf32, #tpu.memory_space<vmem_shared>>) dst(%dma_wait3A_229 : memref<128x64xf32, #tpu.memory_space<hbm>>)
      tpu.yield
    }) : () -> ()
    %add3A_194 = arith.constant 768 : i32
    %add3A_195 = arith.addi %mul3A_127, %add3A_194 : i32
    %add3A_196 = arith.constant 768 : i32
    %add3A_197 = arith.addi %add3A_169, %add3A_196 : i32
    "tpu.region"() ({
      %run_scoped3A = tpu.sem_alloc : memref<!tpu.dma_semaphore, #tpu.memory_space<semaphore_mem>>
      %dma_start3A = arith.constant 0 : i32
      %dma_start3A_226 = tpu.memref_slice %arg5[%add3A_197, %dma_start3A] : memref<100352x64xf32, #tpu.memory_space<hbm>> -> memref<128x64xf32, #tpu.memory_space<hbm>>
      %dma_start3A_227 = arith.constant 0 : i32
      %dma_start3A_228 = tpu.memref_slice %arg6[%add3A_195, %dma_start3A_227] : memref<25104x64xf32, #tpu.memory_space<vmem_shared>> -> memref<128x64xf32, #tpu.memory_space<vmem_shared>>
      tpu.enqueue_dma source(%dma_start3A_228 : memref<128x64xf32, #tpu.memory_space<vmem_shared>>) target(%dma_start3A_226 : memref<128x64xf32, #tpu.memory_space<hbm>>) target_semaphore(%run_scoped3A : memref<!tpu.dma_semaphore, #tpu.memory_space<semaphore_mem>>)
      %dma_wait3A = arith.constant 0 : i32
      %dma_wait3A_229 = tpu.memref_slice %arg5[%add3A_197, %dma_wait3A] : memref<100352x64xf32, #tpu.memory_space<hbm>> -> memref<128x64xf32, #tpu.memory_space<hbm>>
      %dma_wait3A_230 = arith.constant 0 : i32
      %dma_wait3A_231 = tpu.memref_slice %arg6[%add3A_195, %dma_wait3A_230] : memref<25104x64xf32, #tpu.memory_space<vmem_shared>> -> memref<128x64xf32, #tpu.memory_space<vmem_shared>>
      tpu.wait_dma2 semaphore(%run_scoped3A : memref<!tpu.dma_semaphore, #tpu.memory_space<semaphore_mem>>) src(%dma_wait3A_231 : memref<128x64xf32, #tpu.memory_space<vmem_shared>>) dst(%dma_wait3A_229 : memref<128x64xf32, #tpu.memory_space<hbm>>)
      tpu.yield
    }) : () -> ()
    %add3A_198 = arith.constant 896 : i32
    %add3A_199 = arith.addi %mul3A_127, %add3A_198 : i32
    %add3A_200 = arith.constant 896 : i32
    %add3A_201 = arith.addi %add3A_169, %add3A_200 : i32
    "tpu.region"() ({
      %run_scoped3A = tpu.sem_alloc : memref<!tpu.dma_semaphore, #tpu.memory_space<semaphore_mem>>
      %dma_start3A = arith.constant 0 : i32
      %dma_start3A_226 = tpu.memref_slice %arg5[%add3A_201, %dma_start3A] : memref<100352x64xf32, #tpu.memory_space<hbm>> -> memref<128x64xf32, #tpu.memory_space<hbm>>
      %dma_start3A_227 = arith.constant 0 : i32
      %dma_start3A_228 = tpu.memref_slice %arg6[%add3A_199, %dma_start3A_227] : memref<25104x64xf32, #tpu.memory_space<vmem_shared>> -> memref<128x64xf32, #tpu.memory_space<vmem_shared>>
      tpu.enqueue_dma source(%dma_start3A_228 : memref<128x64xf32, #tpu.memory_space<vmem_shared>>) target(%dma_start3A_226 : memref<128x64xf32, #tpu.memory_space<hbm>>) target_semaphore(%run_scoped3A : memref<!tpu.dma_semaphore, #tpu.memory_space<semaphore_mem>>)
      %dma_wait3A = arith.constant 0 : i32
      %dma_wait3A_229 = tpu.memref_slice %arg5[%add3A_201, %dma_wait3A] : memref<100352x64xf32, #tpu.memory_space<hbm>> -> memref<128x64xf32, #tpu.memory_space<hbm>>
      %dma_wait3A_230 = arith.constant 0 : i32
      %dma_wait3A_231 = tpu.memref_slice %arg6[%add3A_199, %dma_wait3A_230] : memref<25104x64xf32, #tpu.memory_space<vmem_shared>> -> memref<128x64xf32, #tpu.memory_space<vmem_shared>>
      tpu.wait_dma2 semaphore(%run_scoped3A : memref<!tpu.dma_semaphore, #tpu.memory_space<semaphore_mem>>) src(%dma_wait3A_231 : memref<128x64xf32, #tpu.memory_space<vmem_shared>>) dst(%dma_wait3A_229 : memref<128x64xf32, #tpu.memory_space<hbm>>)
      tpu.yield
    }) : () -> ()
    %add3A_202 = arith.constant 1024 : i32
    %add3A_203 = arith.addi %mul3A_127, %add3A_202 : i32
    %add3A_204 = arith.constant 1024 : i32
    %add3A_205 = arith.addi %add3A_169, %add3A_204 : i32
    "tpu.region"() ({
      %run_scoped3A = tpu.sem_alloc : memref<!tpu.dma_semaphore, #tpu.memory_space<semaphore_mem>>
      %dma_start3A = arith.constant 0 : i32
      %dma_start3A_226 = tpu.memref_slice %arg5[%add3A_205, %dma_start3A] : memref<100352x64xf32, #tpu.memory_space<hbm>> -> memref<128x64xf32, #tpu.memory_space<hbm>>
      %dma_start3A_227 = arith.constant 0 : i32
      %dma_start3A_228 = tpu.memref_slice %arg6[%add3A_203, %dma_start3A_227] : memref<25104x64xf32, #tpu.memory_space<vmem_shared>> -> memref<128x64xf32, #tpu.memory_space<vmem_shared>>
      tpu.enqueue_dma source(%dma_start3A_228 : memref<128x64xf32, #tpu.memory_space<vmem_shared>>) target(%dma_start3A_226 : memref<128x64xf32, #tpu.memory_space<hbm>>) target_semaphore(%run_scoped3A : memref<!tpu.dma_semaphore, #tpu.memory_space<semaphore_mem>>)
      %dma_wait3A = arith.constant 0 : i32
      %dma_wait3A_229 = tpu.memref_slice %arg5[%add3A_205, %dma_wait3A] : memref<100352x64xf32, #tpu.memory_space<hbm>> -> memref<128x64xf32, #tpu.memory_space<hbm>>
      %dma_wait3A_230 = arith.constant 0 : i32
      %dma_wait3A_231 = tpu.memref_slice %arg6[%add3A_203, %dma_wait3A_230] : memref<25104x64xf32, #tpu.memory_space<vmem_shared>> -> memref<128x64xf32, #tpu.memory_space<vmem_shared>>
      tpu.wait_dma2 semaphore(%run_scoped3A : memref<!tpu.dma_semaphore, #tpu.memory_space<semaphore_mem>>) src(%dma_wait3A_231 : memref<128x64xf32, #tpu.memory_space<vmem_shared>>) dst(%dma_wait3A_229 : memref<128x64xf32, #tpu.memory_space<hbm>>)
      tpu.yield
    }) : () -> ()
    %add3A_206 = arith.constant 1152 : i32
    %add3A_207 = arith.addi %mul3A_127, %add3A_206 : i32
    %add3A_208 = arith.constant 1152 : i32
    %add3A_209 = arith.addi %add3A_169, %add3A_208 : i32
    "tpu.region"() ({
      %run_scoped3A = tpu.sem_alloc : memref<!tpu.dma_semaphore, #tpu.memory_space<semaphore_mem>>
      %dma_start3A = arith.constant 0 : i32
      %dma_start3A_226 = tpu.memref_slice %arg5[%add3A_209, %dma_start3A] : memref<100352x64xf32, #tpu.memory_space<hbm>> -> memref<128x64xf32, #tpu.memory_space<hbm>>
      %dma_start3A_227 = arith.constant 0 : i32
      %dma_start3A_228 = tpu.memref_slice %arg6[%add3A_207, %dma_start3A_227] : memref<25104x64xf32, #tpu.memory_space<vmem_shared>> -> memref<128x64xf32, #tpu.memory_space<vmem_shared>>
      tpu.enqueue_dma source(%dma_start3A_228 : memref<128x64xf32, #tpu.memory_space<vmem_shared>>) target(%dma_start3A_226 : memref<128x64xf32, #tpu.memory_space<hbm>>) target_semaphore(%run_scoped3A : memref<!tpu.dma_semaphore, #tpu.memory_space<semaphore_mem>>)
      %dma_wait3A = arith.constant 0 : i32
      %dma_wait3A_229 = tpu.memref_slice %arg5[%add3A_209, %dma_wait3A] : memref<100352x64xf32, #tpu.memory_space<hbm>> -> memref<128x64xf32, #tpu.memory_space<hbm>>
      %dma_wait3A_230 = arith.constant 0 : i32
      %dma_wait3A_231 = tpu.memref_slice %arg6[%add3A_207, %dma_wait3A_230] : memref<25104x64xf32, #tpu.memory_space<vmem_shared>> -> memref<128x64xf32, #tpu.memory_space<vmem_shared>>
      tpu.wait_dma2 semaphore(%run_scoped3A : memref<!tpu.dma_semaphore, #tpu.memory_space<semaphore_mem>>) src(%dma_wait3A_231 : memref<128x64xf32, #tpu.memory_space<vmem_shared>>) dst(%dma_wait3A_229 : memref<128x64xf32, #tpu.memory_space<hbm>>)
      tpu.yield
    }) : () -> ()
    %add3A_210 = arith.constant 1280 : i32
    %add3A_211 = arith.addi %mul3A_127, %add3A_210 : i32
    %add3A_212 = arith.constant 1280 : i32
    %add3A_213 = arith.addi %add3A_169, %add3A_212 : i32
    "tpu.region"() ({
      %run_scoped3A = tpu.sem_alloc : memref<!tpu.dma_semaphore, #tpu.memory_space<semaphore_mem>>
      %dma_start3A = arith.constant 0 : i32
      %dma_start3A_226 = tpu.memref_slice %arg5[%add3A_213, %dma_start3A] : memref<100352x64xf32, #tpu.memory_space<hbm>> -> memref<128x64xf32, #tpu.memory_space<hbm>>
      %dma_start3A_227 = arith.constant 0 : i32
      %dma_start3A_228 = tpu.memref_slice %arg6[%add3A_211, %dma_start3A_227] : memref<25104x64xf32, #tpu.memory_space<vmem_shared>> -> memref<128x64xf32, #tpu.memory_space<vmem_shared>>
      tpu.enqueue_dma source(%dma_start3A_228 : memref<128x64xf32, #tpu.memory_space<vmem_shared>>) target(%dma_start3A_226 : memref<128x64xf32, #tpu.memory_space<hbm>>) target_semaphore(%run_scoped3A : memref<!tpu.dma_semaphore, #tpu.memory_space<semaphore_mem>>)
      %dma_wait3A = arith.constant 0 : i32
      %dma_wait3A_229 = tpu.memref_slice %arg5[%add3A_213, %dma_wait3A] : memref<100352x64xf32, #tpu.memory_space<hbm>> -> memref<128x64xf32, #tpu.memory_space<hbm>>
      %dma_wait3A_230 = arith.constant 0 : i32
      %dma_wait3A_231 = tpu.memref_slice %arg6[%add3A_211, %dma_wait3A_230] : memref<25104x64xf32, #tpu.memory_space<vmem_shared>> -> memref<128x64xf32, #tpu.memory_space<vmem_shared>>
      tpu.wait_dma2 semaphore(%run_scoped3A : memref<!tpu.dma_semaphore, #tpu.memory_space<semaphore_mem>>) src(%dma_wait3A_231 : memref<128x64xf32, #tpu.memory_space<vmem_shared>>) dst(%dma_wait3A_229 : memref<128x64xf32, #tpu.memory_space<hbm>>)
      tpu.yield
    }) : () -> ()
    %add3A_214 = arith.constant 1408 : i32
    %add3A_215 = arith.addi %mul3A_127, %add3A_214 : i32
    %add3A_216 = arith.constant 1408 : i32
    %add3A_217 = arith.addi %add3A_169, %add3A_216 : i32
    "tpu.region"() ({
      %run_scoped3A = tpu.sem_alloc : memref<!tpu.dma_semaphore, #tpu.memory_space<semaphore_mem>>
      %dma_start3A = arith.constant 0 : i32
      %dma_start3A_226 = tpu.memref_slice %arg5[%add3A_217, %dma_start3A] : memref<100352x64xf32, #tpu.memory_space<hbm>> -> memref<128x64xf32, #tpu.memory_space<hbm>>
      %dma_start3A_227 = arith.constant 0 : i32
      %dma_start3A_228 = tpu.memref_slice %arg6[%add3A_215, %dma_start3A_227] : memref<25104x64xf32, #tpu.memory_space<vmem_shared>> -> memref<128x64xf32, #tpu.memory_space<vmem_shared>>
      tpu.enqueue_dma source(%dma_start3A_228 : memref<128x64xf32, #tpu.memory_space<vmem_shared>>) target(%dma_start3A_226 : memref<128x64xf32, #tpu.memory_space<hbm>>) target_semaphore(%run_scoped3A : memref<!tpu.dma_semaphore, #tpu.memory_space<semaphore_mem>>)
      %dma_wait3A = arith.constant 0 : i32
      %dma_wait3A_229 = tpu.memref_slice %arg5[%add3A_217, %dma_wait3A] : memref<100352x64xf32, #tpu.memory_space<hbm>> -> memref<128x64xf32, #tpu.memory_space<hbm>>
      %dma_wait3A_230 = arith.constant 0 : i32
      %dma_wait3A_231 = tpu.memref_slice %arg6[%add3A_215, %dma_wait3A_230] : memref<25104x64xf32, #tpu.memory_space<vmem_shared>> -> memref<128x64xf32, #tpu.memory_space<vmem_shared>>
      tpu.wait_dma2 semaphore(%run_scoped3A : memref<!tpu.dma_semaphore, #tpu.memory_space<semaphore_mem>>) src(%dma_wait3A_231 : memref<128x64xf32, #tpu.memory_space<vmem_shared>>) dst(%dma_wait3A_229 : memref<128x64xf32, #tpu.memory_space<hbm>>)
      tpu.yield
    }) : () -> ()
    %add3A_218 = arith.constant 1568 : i32
    %add3A_219 = arith.addi %mul3A_127, %add3A_218 : i32
    %sub3A_220 = arith.constant 32 : i32
    %sub3A_221 = arith.subi %add3A_219, %sub3A_220 : i32
    %add3A_222 = arith.constant 1568 : i32
    %add3A_223 = arith.addi %add3A_169, %add3A_222 : i32
    %sub3A_224 = arith.constant 32 : i32
    %sub3A_225 = arith.subi %add3A_223, %sub3A_224 : i32
    "tpu.region"() ({
      %run_scoped3A = tpu.sem_alloc : memref<!tpu.dma_semaphore, #tpu.memory_space<semaphore_mem>>
      %dma_start3A = arith.constant 0 : i32
      %dma_start3A_226 = tpu.memref_slice %arg5[%sub3A_225, %dma_start3A] : memref<100352x64xf32, #tpu.memory_space<hbm>> -> memref<32x64xf32, #tpu.memory_space<hbm>>
      %dma_start3A_227 = arith.constant 0 : i32
      %dma_start3A_228 = tpu.memref_slice %arg6[%sub3A_221, %dma_start3A_227] : memref<25104x64xf32, #tpu.memory_space<vmem_shared>> -> memref<32x64xf32, #tpu.memory_space<vmem_shared>>
      tpu.enqueue_dma source(%dma_start3A_228 : memref<32x64xf32, #tpu.memory_space<vmem_shared>>) target(%dma_start3A_226 : memref<32x64xf32, #tpu.memory_space<hbm>>) target_semaphore(%run_scoped3A : memref<!tpu.dma_semaphore, #tpu.memory_space<semaphore_mem>>)
      %dma_wait3A = arith.constant 0 : i32
      %dma_wait3A_229 = tpu.memref_slice %arg5[%sub3A_225, %dma_wait3A] : memref<100352x64xf32, #tpu.memory_space<hbm>> -> memref<32x64xf32, #tpu.memory_space<hbm>>
      %dma_wait3A_230 = arith.constant 0 : i32
      %dma_wait3A_231 = tpu.memref_slice %arg6[%sub3A_221, %dma_wait3A_230] : memref<25104x64xf32, #tpu.memory_space<vmem_shared>> -> memref<32x64xf32, #tpu.memory_space<vmem_shared>>
      tpu.wait_dma2 semaphore(%run_scoped3A : memref<!tpu.dma_semaphore, #tpu.memory_space<semaphore_mem>>) src(%dma_wait3A_231 : memref<32x64xf32, #tpu.memory_space<vmem_shared>>) dst(%dma_wait3A_229 : memref<32x64xf32, #tpu.memory_space<hbm>>)
      tpu.yield
    }) : () -> ()
    return
  }
}

module attributes {stable_mosaic.version = 14 : i64} {
  func.func @_tc_body(%arg0: i32, %arg1: memref<2048x64xf32, #tpu.memory_space<vmem>>, %arg2: memref<2048x64xf32, #tpu.memory_space<vmem>>, %arg3: memref<1x1x2048xi32, #tpu.memory_space<vmem>>, %arg4: memref<64x64xf32, #tpu.memory_space<vmem>>, %arg5: memref<1x64xf32, #tpu.memory_space<vmem>>, %arg6: memref<64x64xf32, #tpu.memory_space<vmem>>, %arg7: memref<2x64xf32, #tpu.memory_space<vmem>>, %arg8: memref<1x2xf32, #tpu.memory_space<vmem>>, %arg9: memref<128x2xf32, #tpu.memory_space<vmem>>, %arg10: memref<128x64xf32, #tpu.memory_space<vmem>>, %arg11: memref<128x1xf32, #tpu.memory_space<vmem>>) attributes {dimension_semantics = [#tpu.dimension_semantics<arbitrary>], iteration_bounds = array<i64: 49>, scalar_prefetch = 0 : i64, scratch_operands = 2 : i64, tpu.core_type = #tpu.core_type<tc>, window_params = [{transform_indices = @transform_0, window_bounds = array<i64: 2048, 64>}, {transform_indices = @transform_1, window_bounds = array<i64: 2048, 64>}, {transform_indices = @transform_2, window_bounds = array<i64: 1, 1, 2048>}, {pipeline_mode = #tpu.pipeline_mode<synchronous>, transform_indices = @transform_3, window_bounds = array<i64: 64, 64>}, {pipeline_mode = #tpu.pipeline_mode<synchronous>, transform_indices = @transform_4, window_bounds = array<i64: 1, 64>}, {pipeline_mode = #tpu.pipeline_mode<synchronous>, transform_indices = @transform_5, window_bounds = array<i64: 64, 64>}, {pipeline_mode = #tpu.pipeline_mode<synchronous>, transform_indices = @transform_6, window_bounds = array<i64: 2, 64>}, {pipeline_mode = #tpu.pipeline_mode<synchronous>, transform_indices = @transform_7, window_bounds = array<i64: 1, 2>}, {pipeline_mode = #tpu.pipeline_mode<synchronous>, transform_indices = @transform_8, window_bounds = array<i64: 128, 2>}]} {
    %eq3A = arith.constant 0 : i32
    %eq3A_0 = arith.cmpi eq, %arg0, %eq3A : i32
    %convert_element_type3A = arith.extui %eq3A_0 : i1 to i32
    %cond3A = arith.constant 0 : i32
    %cond3A_1 = arith.cmpi ne, %convert_element_type3A, %cond3A : i32
    scf.if %cond3A_1 {
      %broadcast_in_dim3A_62 = arith.constant 0.000000e+00 : f32
      %broadcast_in_dim3A_63 = vector.broadcast %broadcast_in_dim3A_62 : f32 to vector<128x64xf32>
      %swap3A_64 = arith.constant 0 : index
      %swap3A_65 = arith.constant 0 : index
      %swap3A_66 = vector.load %arg10[%swap3A_64, %swap3A_65] : memref<128x64xf32, #tpu.memory_space<vmem>>, vector<128x64xf32>
      tpu.vector_store %arg10[%swap3A_64, %swap3A_65], %broadcast_in_dim3A_63 {strides = array<i32>} : memref<128x64xf32, #tpu.memory_space<vmem>>, vector<128x64xf32>,
      %broadcast_in_dim3A_67 = arith.constant 0.000000e+00 : f32
      %broadcast_in_dim3A_68 = vector.broadcast %broadcast_in_dim3A_67 : f32 to vector<128x1xf32>
      %swap3A_69 = arith.constant 0 : index
      %swap3A_70 = arith.constant 0 : index
      %swap3A_71 = vector.load %arg11[%swap3A_69, %swap3A_70] : memref<128x1xf32, #tpu.memory_space<vmem>>, vector<128x1xf32>
      tpu.vector_store %arg11[%swap3A_69, %swap3A_70], %broadcast_in_dim3A_68 {strides = array<i32>} : memref<128x1xf32, #tpu.memory_space<vmem>>, vector<128x1xf32>,
    } else {
    }
    %get3A = arith.constant 0 : index
    %get3A_2 = arith.constant 0 : index
    %get3A_3 = vector.load %arg2[%get3A, %get3A_2] : memref<2048x64xf32, #tpu.memory_space<vmem>>, vector<2048x64xf32>
    %slice3A = vector.extract_strided_slice %get3A_3 {offsets = [0, 50], sizes = [2048, 1], strides = [1, 1]} : vector<2048x64xf32> to vector<2048x1xf32>
    %max3A = arith.constant 1.000000e+00 : f32
    %max3A_4 = vector.broadcast %max3A : f32 to vector<2048x1xf32>
    %max3A_5 = arith.maximumf %slice3A, %max3A_4 : vector<2048x1xf32>
    %div3A = arith.constant 1.000000e+00 : f32
    %div3A_6 = vector.broadcast %div3A : f32 to vector<2048x1xf32>
    %div3A_7 = arith.divf %div3A_6, %max3A_5 : vector<2048x1xf32>
    %mul3A = vector.broadcast %div3A_7 : vector<2048x1xf32> to vector<2048x64xf32>
    %mul3A_8 = arith.mulf %get3A_3, %mul3A : vector<2048x64xf32>
    %get3A_9 = arith.constant 0 : index
    %get3A_10 = arith.constant 0 : index
    %get3A_11 = vector.load %arg4[%get3A_9, %get3A_10] : memref<64x64xf32, #tpu.memory_space<vmem>>, vector<64x64xf32>
    %transpose3A = tpu.transpose %get3A_11, [1, 0] : vector<64x64xf32> -> vector<64x64xf32>
    %dot_general3A = arith.constant dense<0.000000e+00> : vector<2048x64xf32>
    %dot_general3A_12 = tpu.matmul %mul3A_8, %transpose3A, %dot_general3A {dimension_numbers = #tpu.dot_dimension_numbers<[1], [0], [0], [1], [0, 0, 1, 1], [], []>, transpose_lhs_hint = false} : vector<2048x64xf32>, vector<64x64xf32>, vector<2048x64xf32> -> vector<2048x64xf32>
    %get3A_13 = arith.constant 0 : index
    %get3A_14 = arith.constant 0 : index
    %get3A_15 = vector.load %arg5[%get3A_13, %get3A_14] : memref<1x64xf32, #tpu.memory_space<vmem>>, vector<1x64xf32>
    %add3A = vector.broadcast %get3A_15 : vector<1x64xf32> to vector<2048x64xf32>
    %add3A_16 = arith.addf %dot_general3A_12, %add3A : vector<2048x64xf32>
    %get3A_17 = arith.constant 0 : index
    %get3A_18 = arith.constant 0 : index
    %get3A_19 = vector.load %arg1[%get3A_17, %get3A_18] : memref<2048x64xf32, #tpu.memory_space<vmem>>, vector<2048x64xf32>
    %get3A_20 = arith.constant 0 : index
    %get3A_21 = arith.constant 0 : index
    %get3A_22 = vector.load %arg6[%get3A_20, %get3A_21] : memref<64x64xf32, #tpu.memory_space<vmem>>, vector<64x64xf32>
    %transpose3A_23 = tpu.transpose %get3A_22, [1, 0] : vector<64x64xf32> -> vector<64x64xf32>
    %dot_general3A_24 = arith.constant dense<0.000000e+00> : vector<2048x64xf32>
    %dot_general3A_25 = tpu.matmul %get3A_19, %transpose3A_23, %dot_general3A_24 {dimension_numbers = #tpu.dot_dimension_numbers<[1], [0], [0], [1], [0, 0, 1, 1], [], []>, transpose_lhs_hint = false} : vector<2048x64xf32>, vector<64x64xf32>, vector<2048x64xf32> -> vector<2048x64xf32>
    %add3A_26 = arith.addf %add3A_16, %dot_general3A_25 : vector<2048x64xf32>
    %gt3A = arith.constant 0.000000e+00 : f32
    %gt3A_27 = vector.broadcast %gt3A : f32 to vector<2048x64xf32>
    %gt3A_28 = arith.cmpf ogt, %add3A_26, %gt3A_27 : vector<2048x64xf32>
    %mul3A_29 = arith.constant 0.00999999977 : f32
    %mul3A_30 = vector.broadcast %mul3A_29 : f32 to vector<2048x64xf32>
    %mul3A_31 = arith.mulf %mul3A_30, %add3A_26 : vector<2048x64xf32>
    %select_n3A = arith.select %gt3A_28, %add3A_26, %mul3A_31 : vector<2048x64xi1>, vector<2048x64xf32>
    %get3A_32 = arith.constant 0 : index
    %get3A_33 = arith.constant 0 : index
    %get3A_34 = arith.constant 0 : index
    %get3A_35 = vector.load %arg3[%get3A_32, %get3A_33, %get3A_34] : memref<1x1x2048xi32, #tpu.memory_space<vmem>>, vector<1x1x2048xi32>
    %get3A_36 = vector.shape_cast %get3A_35 : vector<1x1x2048xi32> to vector<1x2048xi32>
    %iota3A = tpu.iota {dimensions = array<i32: 0>} : vector<128x2048xi32>
    %eq3A_37 = vector.broadcast %get3A_36 : vector<1x2048xi32> to vector<128x2048xi32>
    %eq3A_38 = arith.cmpi eq, %iota3A, %eq3A_37 : vector<128x2048xi32>
    %convert_element_type3A_39 = arith.extui %eq3A_38 : vector<128x2048xi1> to vector<128x2048xi32>
    %convert_element_type3A_40 = arith.sitofp %convert_element_type3A_39 : vector<128x2048xi32> to vector<128x2048xf32>
    %get3A_41 = arith.constant 0 : index
    %get3A_42 = arith.constant 0 : index
    %get3A_43 = vector.load %arg10[%get3A_41, %get3A_42] : memref<128x64xf32, #tpu.memory_space<vmem>>, vector<128x64xf32>
    %dot_general3A_44 = arith.constant dense<0.000000e+00> : vector<128x64xf32>
    %dot_general3A_45 = tpu.matmul %convert_element_type3A_40, %select_n3A, %dot_general3A_44 {dimension_numbers = #tpu.dot_dimension_numbers<[1], [0], [0], [1], [0, 0, 1, 1], [], []>, transpose_lhs_hint = false} : vector<128x2048xf32>, vector<2048x64xf32>, vector<128x64xf32> -> vector<128x64xf32>
    %add3A_46 = arith.addf %get3A_43, %dot_general3A_45 : vector<128x64xf32>
    %swap3A = arith.constant 0 : index
    %swap3A_47 = arith.constant 0 : index
    %swap3A_48 = vector.load %arg10[%swap3A, %swap3A_47] : memref<128x64xf32, #tpu.memory_space<vmem>>, vector<128x64xf32>
    tpu.vector_store %arg10[%swap3A, %swap3A_47], %add3A_46 {strides = array<i32>} : memref<128x64xf32, #tpu.memory_space<vmem>>, vector<128x64xf32>,
    %get3A_49 = arith.constant 0 : index
    %get3A_50 = arith.constant 0 : index
    %get3A_51 = vector.load %arg11[%get3A_49, %get3A_50] : memref<128x1xf32, #tpu.memory_space<vmem>>, vector<128x1xf32>
    %reduce_sum3A = arith.constant dense<0.000000e+00> : vector<128xf32>
    %reduce_sum3A_52 = vector.multi_reduction <add>, %convert_element_type3A_40, %reduce_sum3A [1] : vector<128x2048xf32> to vector<128xf32>
    %broadcast_in_dim3A = vector.shape_cast %reduce_sum3A_52 : vector<128xf32> to vector<128x1xf32>
    %add3A_53 = arith.addf %get3A_51, %broadcast_in_dim3A : vector<128x1xf32>
    %swap3A_54 = arith.constant 0 : index
    %swap3A_55 = arith.constant 0 : index
    %swap3A_56 = vector.load %arg11[%swap3A_54, %swap3A_55] : memref<128x1xf32, #tpu.memory_space<vmem>>, vector<128x1xf32>
    tpu.vector_store %arg11[%swap3A_54, %swap3A_55], %add3A_53 {strides = array<i32>} : memref<128x1xf32, #tpu.memory_space<vmem>>, vector<128x1xf32>,
    %eq3A_57 = arith.constant 48 : i32
    %eq3A_58 = arith.cmpi eq, %arg0, %eq3A_57 : i32
    %convert_element_type3A_59 = arith.extui %eq3A_58 : i1 to i32
    %cond3A_60 = arith.constant 0 : i32
    %cond3A_61 = arith.cmpi ne, %convert_element_type3A_59, %cond3A_60 : i32
    scf.if %cond3A_61 {
      %get3A_62 = arith.constant 0 : index
      %get3A_63 = arith.constant 0 : index
      %get3A_64 = vector.load %arg10[%get3A_62, %get3A_63] : memref<128x64xf32, #tpu.memory_space<vmem>>, vector<128x64xf32>
      %get3A_65 = arith.constant 0 : index
      %get3A_66 = arith.constant 0 : index
      %get3A_67 = vector.load %arg11[%get3A_65, %get3A_66] : memref<128x1xf32, #tpu.memory_space<vmem>>, vector<128x1xf32>
      %max3A_68 = arith.constant 1.000000e+00 : f32
      %max3A_69 = vector.broadcast %max3A_68 : f32 to vector<128x1xf32>
      %max3A_70 = arith.maximumf %get3A_67, %max3A_69 : vector<128x1xf32>
      %div3A_71 = vector.broadcast %max3A_70 : vector<128x1xf32> to vector<128x64xf32>
      %div3A_72 = arith.divf %get3A_64, %div3A_71 : vector<128x64xf32>
      %get3A_73 = arith.constant 0 : index
      %get3A_74 = arith.constant 0 : index
      %get3A_75 = vector.load %arg7[%get3A_73, %get3A_74] : memref<2x64xf32, #tpu.memory_space<vmem>>, vector<2x64xf32>
      %transpose3A_76 = tpu.transpose %get3A_75, [1, 0] : vector<2x64xf32> -> vector<64x2xf32>
      %dot_general3A_77 = arith.constant dense<0.000000e+00> : vector<128x2xf32>
      %dot_general3A_78 = tpu.matmul %div3A_72, %transpose3A_76, %dot_general3A_77 {dimension_numbers = #tpu.dot_dimension_numbers<[1], [0], [0], [1], [0, 0, 1, 1], [], []>, transpose_lhs_hint = false} : vector<128x64xf32>, vector<64x2xf32>, vector<128x2xf32> -> vector<128x2xf32>
      %get3A_79 = arith.constant 0 : index
      %get3A_80 = arith.constant 0 : index
      %get3A_81 = vector.load %arg8[%get3A_79, %get3A_80] : memref<1x2xf32, #tpu.memory_space<vmem>>, vector<1x2xf32>
      %add3A_82 = vector.broadcast %get3A_81 : vector<1x2xf32> to vector<128x2xf32>
      %add3A_83 = arith.addf %dot_general3A_78, %add3A_82 : vector<128x2xf32>
      %swap3A_84 = arith.constant 0 : index
      %swap3A_85 = arith.constant 0 : index
      %swap3A_86 = vector.load %arg9[%swap3A_84, %swap3A_85] : memref<128x2xf32, #tpu.memory_space<vmem>>, vector<128x2xf32>
      tpu.vector_store %arg9[%swap3A_84, %swap3A_85], %add3A_83 {strides = array<i32>} : memref<128x2xf32, #tpu.memory_space<vmem>>, vector<128x2xf32>,
    } else {
    }
    return
  }
  func.func @transform_0(%arg0: i32) -> (i32, i32) {
    %c0_i32 = arith.constant 0 : i32
    %c0_i32_0 = arith.constant 0 : i32
    return %arg0, %c0_i32 : i32, i32
  }
  func.func @transform_1(%arg0: i32) -> (i32, i32) {
    %c0_i32 = arith.constant 0 : i32
    %c0_i32_0 = arith.constant 0 : i32
    return %arg0, %c0_i32 : i32, i32
  }
  func.func @transform_2(%arg0: i32) -> (i32, i32, i32) {
    %c0_i32 = arith.constant 0 : i32
    %c0_i32_0 = arith.constant 0 : i32
    %c0_i32_1 = arith.constant 0 : i32
    return %arg0, %c0_i32, %c0_i32_0 : i32, i32, i32
  }
  func.func @transform_3(%arg0: i32) -> (i32, i32) {
    %c0_i32 = arith.constant 0 : i32
    %c0_i32_0 = arith.constant 0 : i32
    %c0_i32_1 = arith.constant 0 : i32
    return %c0_i32, %c0_i32_0 : i32, i32
  }
  func.func @transform_4(%arg0: i32) -> (i32, i32) {
    %c0_i32 = arith.constant 0 : i32
    %c0_i32_0 = arith.constant 0 : i32
    %c0_i32_1 = arith.constant 0 : i32
    return %c0_i32, %c0_i32_0 : i32, i32
  }
  func.func @transform_5(%arg0: i32) -> (i32, i32) {
    %c0_i32 = arith.constant 0 : i32
    %c0_i32_0 = arith.constant 0 : i32
    %c0_i32_1 = arith.constant 0 : i32
    return %c0_i32, %c0_i32_0 : i32, i32
  }
  func.func @transform_6(%arg0: i32) -> (i32, i32) {
    %c0_i32 = arith.constant 0 : i32
    %c0_i32_0 = arith.constant 0 : i32
    %c0_i32_1 = arith.constant 0 : i32
    return %c0_i32, %c0_i32_0 : i32, i32
  }
  func.func @transform_7(%arg0: i32) -> (i32, i32) {
    %c0_i32 = arith.constant 0 : i32
    %c0_i32_0 = arith.constant 0 : i32
    %c0_i32_1 = arith.constant 0 : i32
    return %c0_i32, %c0_i32_0 : i32, i32
  }
  func.func @transform_8(%arg0: i32) -> (i32, i32) {
    %c0_i32 = arith.constant 0 : i32
    %c0_i32_0 = arith.constant 0 : i32
    %c0_i32_1 = arith.constant 0 : i32
    return %c0_i32, %c0_i32_0 : i32, i32
  }
}

</mosaic_0001>

<sc_bundles>
// kernel: kernel.4.cloned.1.call-start
scs
__scs_entry_jumppad:
0x0: {  	(pc) =	sbr.rel $0x88, $3  }
0x1: {  	(tag) =	ssettag $0x0;
	lr =	simm.s32 $0x1  }
0x2: {  	[smem:$0x3F99] =	sst lr;
	_ =	strace $0xD0000000  }
0x3: {  	_ = 	snop  }
0x4: {  	_ = 	snop  }
0x5: {  	_ = 	snop  }
0x6: {  	_ = 	snop  }
0x7: {  	_ = 	snop  }
__scs_overlays_trampoline_lowered:
0x8: {  	[smem:$0x3FA8] =	sst s0  }
0x9: {  	[smem:$0x3FA9] =	sst s1  }
0xa: {  	[smem:$0x3FAA] =	sst s2  }
0xb: {  	[smem:$0x3FAB] =	sst s3  }
0xc: {  	[smem:$0x3FAC] =	sst s4  }
0xd: {  	[smem:$0x3FAD] =	sst s5  }
0xe: {  	[smem:$0x3FAE] =	sst s6  }
0xf: {  	[smem:$0x3FAF] =	sst s7  }
0x10: {  	[smem:$0x3FB0] =	sst s8  }
0x11: {  	[smem:$0x3FB1] =	sst s9;
	s0 =	simm.s32 @!p0 $0x0  }
0x12: {  	s1 =	sld [smem:$0x3F97];
	s0 =	simm.s32 @p0 $0x1  }
0x13: {  	[smem:$0x3FB2] =	sst s0;
	s0 =	simm.s32 @!p1 $0x0  }
0x14: {  	s2 =	sld [smem:$0x3F96];
	s0 =	simm.s32 @p1 $0x1  }
0x15: {  	[smem:$0x3FB3] =	sst s0;
	s0 =	simm.s32 @!p2 $0x0  }
0x16: {  	s3 =	sld [smem:$0x3FDB];
	s0 =	simm.s32 @p2 $0x1  }
0x17: {  	s4 =	simm.s32 $0x1BF5;
	[smem:$0x3FB5] =	sst s0  }
0x18: {  	s0 =	sld [smem:$0x3F98];
	_ =	swait.ge [sflag:s4], $0x0  }
0x19: {  	s7 =	sld [smem:$0x3F99]  }
0x1a: {  	s8 =	sadd.s32 $0xFFFFE003, lr  }
0x1b: {  	s9 =	sadd.s32 $0xFFFFFEF7, lr;
	s5 =	simm.s32 $0xFFFFFFFF;
	p2 =	slt.u32 s8, $0xFFFFF086  }
0x1c: {  	p1 =	slt.u32 s9, $0xF7A;
	s5 =	simm.s32 @!p2 $0x0  }
0x1d: {  	s5 =	simm.s32 @p1 $0x1;
	p0 =	seq.s32 s7, s2  }
0x1e: {  	s7 =	smul.u32 @!p0 $0xF7A, s2;
	p2 =	seq.s32 @!p0 s5, $0x0  }
0x1f: {  	s9 =	smul.u32 $0xF7A, s1;
	s8 =	simm.s32 @!p0 $0x1BF5;
	p2 =	por !p2, p0  }
0x20: {  	[sflag:s8] =	ssyncset.s32 @!p0 $0xFFFFF086;
	s6 =	sadd.s32 @!p0 s3, s7;
	s7 =	simm.s32 @!p0 $0x108  }
0x21: {  	s3 =	sadd.s32 s3, s9;
	s6 =	sadd.s32 @!p0 $0x88, s6;
	s7 =	simm.s32 @p2 $0x1082  }
0x22: {  	[simem:s7], [sflag:s8] =	dma.local @!p0 [hbm:s6], $0xF7A  }
0x23: {  	s9 =	sor.u32 $0xD0000000, s2;
	s6 =	simm.s32 $0x108;
	_ =	swait.ge @!p0 [sflag:s8], $0x0  }
0x24: {  	s3 =	sadd.s32 $0x88, s3;
	s6 =	simm.s32 @!p1 $0x1082;
	[sflag:s4] =	ssyncset.s32 $0xFFFFF086  }
0x25: {  	[simem:s6], [sflag:s4] =	dma.local [hbm:s3], $0xF7A  }
0x26: {  	[smem:$0x3F99] =	sst s1;
	(tag) =	ssettag s2;
	_ =	strace s9  }
0x27: {  	s1 =	sld [smem:$0x3FA9]  }
0x28: {  	s2 =	sld [smem:$0x3FAA]  }
0x29: {  	s4 =	sld [smem:$0x3FAC]  }
0x2a: {  	p0 =	seq.s32 s5, $0x0;
	s5 =	sld [smem:$0x3FAD]  }
0x2b: {  	s6 =	sld [smem:$0x3FAE]  }
0x2c: {  	s7 =	sld [smem:$0x3FAF]  }
0x2d: {  	s3 =	simm.s32 $0x108;
	s8 =	sld [smem:$0x3FB0]  }
0x2e: {  	s3 =	simm.s32 @!p0 $0x1082;
	s9 =	sld [smem:$0x3FB1]  }
0x2f: {  	lr =	sadd.s32 s0, s3;
	s0 =	sld [smem:$0x3FA8]  }
0x30: {  	s3 =	sld [smem:$0x3FAB]  }
0x31: {  	[smem:$0x3FB4] =	sst s10  }
0x32: {  	s10 =	sld [smem:$0x3FB2];
	_ =	sdelay $0x3  }
0x33: {  	p0 =	seq.s32 s10, $0x1;
	s10 =	sld [smem:$0x3FB4];
	_ =	sdelay $0x3  }
0x34: {  	[smem:$0x3FB4] =	sst s10  }
0x35: {  	s10 =	sld [smem:$0x3FB3];
	_ =	sdelay $0x3  }
0x36: {  	p1 =	seq.s32 s10, $0x1;
	s10 =	sld [smem:$0x3FB4];
	_ =	sdelay $0x3  }
0x37: {  	[smem:$0x3FB4] =	sst s10  }
0x38: {  	s10 =	sld [smem:$0x3FB5]  }
0x39: {  	_ = 	snop;
	(pc) =	sbr.ind lr, $3  }
0x3a: {  	_ = 	snop  }
0x3b: {  	_ = 	snop  }
0x3c: {  	p2 =	seq.s32 s10, $0x1;
	s10 =	sld [smem:$0x3FB4]  }
0x3d: {  	_ =	shalt  }
0x3e: {  	_ =	shalt  }
0x3f: {  	_ =	shalt  }
0x40: {  	_ =	shalt  }
0x41: {  	_ =	shalt  }
0x42: {  	_ =	shalt  }
0x43: {  	_ =	shalt  }
0x44: {  	_ =	shalt  }
0x45: {  	_ =	shalt  }
0x46: {  	_ =	shalt  }
0x47: {  	_ =	shalt  }
0x48: {  	_ =	shalt  }
0x49: {  	_ =	shalt  }
0x4a: {  	_ =	shalt  }
0x4b: {  	_ =	shalt  }
0x4c: {  	_ =	shalt  }
0x4d: {  	_ =	shalt  }
0x4e: {  	_ =	shalt  }
0x4f: {  	_ =	shalt  }
0x50: {  	_ =	shalt  }
0x51: {  	_ =	shalt  }
0x52: {  	_ =	shalt  }
0x53: {  	_ =	shalt  }
0x54: {  	_ =	shalt  }
0x55: {  	_ =	shalt  }
0x56: {  	_ =	shalt  }
0x57: {  	_ =	shalt  }
0x58: {  	_ =	shalt  }
0x59: {  	_ =	shalt  }
0x5a: {  	_ =	shalt  }
0x5b: {  	_ =	shalt  }
0x5c: {  	_ =	shalt  }
0x5d: {  	_ =	shalt  }
0x5e: {  	_ =	shalt  }
0x5f: {  	_ =	shalt  }
0x60: {  	_ =	shalt  }
0x61: {  	_ =	shalt  }
0x62: {  	_ =	shalt  }
0x63: {  	_ =	shalt  }
0x64: {  	_ =	shalt  }
0x65: {  	_ =	shalt  }
0x66: {  	_ =	shalt  }
0x67: {  	_ =	shalt  }
0x68: {  	_ =	shalt  }
0x69: {  	_ =	shalt  }
0x6a: {  	_ =	shalt  }
0x6b: {  	_ =	shalt  }
0x6c: {  	_ =	shalt  }
0x6d: {  	_ =	shalt  }
0x6e: {  	_ =	shalt  }
0x6f: {  	_ =	shalt  }
0x70: {  	_ =	shalt  }
0x71: {  	_ =	shalt  }
0x72: {  	_ =	shalt  }
0x73: {  	_ =	shalt  }
0x74: {  	_ =	shalt  }
0x75: {  	_ =	shalt  }
0x76: {  	_ =	shalt  }
0x77: {  	_ =	shalt  }
0x78: {  	_ =	shalt  }
0x79: {  	_ =	shalt  }
0x7a: {  	_ =	shalt  }
0x7b: {  	_ =	shalt  }
0x7c: {  	_ =	shalt  }
0x7d: {  	_ =	shalt  }
0x7e: {  	_ =	shalt  }
0x7f: {  	_ =	shalt  }
0x80: {  	_ =	shalt  }
0x81: {  	_ =	shalt  }
0x82: {  	_ =	shalt  }
0x83: {  	_ =	shalt  }
0x84: {  	_ =	shalt  }
0x85: {  	_ =	shalt  }
0x86: {  	_ =	shalt  }
0x87: {  	_ =	shalt  }
.Lfunc_end0:
.L_simem_size_0:
called_computation_lowered:
.L_overlay_start_0:
0x88: {  	s2 =	sld [smem:$0x3FD9]  }
0x89: {  	s3 =	sld [smem:$0x3FFE];
	_ =	sdelay $0x1  }
0x8a: {  	s1 =	srdreg.scid  }
0x8b: {  	s0 =	sand.u32 $0x1, s1  }
0x8c: {  	s16 =	sshll.u32 s0, $0xA;
	s2 =	sadd.s32 s3, s2  }
0x8d: {  	s2 =	sadd.s32 s2, s16  }
0x8e: {  	[smem:$0x3FC0] =	sst s2  }
0x8f: {  	_ = 	snop  }
0x90: {  	(tm) =	ssettm $0x1  }
0x91: {  	s17 =	sld [smem:$0x3FFB];
	_ =	sdelay $0x3  }
0x92: {  	_ =	strace s17  }
0x93: {  	s2 =	sld [smem:$0x3FFC];
	_ =	sdelay $0x3  }
0x94: {  	_ =	strace s2  }
0x95: {  	s2 =	sld [smem:$0x3FFD];
	_ =	sdelay $0x3  }
0x96: {  	_ =	strace s2  }
0x97: {  	_ =	strace $0x8FFFFFFF  }
0x98: {  	s18 =	sld [smem:$0x3FDB];
	_ =	sdelay $0x1  }
0x99: {  	s19 =	simm.s32 $_scs_section_size  }
0x9a: {  	s4 =	simm.s32 $_size__tile_overlayer_lowered;
	s5 =	simm.s32 $_tile_overlayer_lowered  }
0x9b: {  	s22 =	simm.s32 $0x1BFF;
	s21 =	sshll.u32 s5, $0x1;
	s2 =	sadd.s32 s19, s18  }
0x9c: {  	s6 =	simm.s32 $0x0;
	s20 =	sshll.u32 s4, $0x1;
	s4 =	sadd.s32 s21, s2  }
0x9d: {  	[timem:s6], [sflag:s22] =	dma.local [hbm:s4], s20  }
0x9e: {  	_ =	swait.ge [sflag:s22], s20  }
0x9f: {  	s3 =	ssub.s32 $0x0, s20;
	[sflag:s22] =	ssyncset.done $0x0  }
0xa0: {  	[sflag:s22] =	ssyncadd.s32 s3;
	_ =	sdelay $0x1  }
0xa1: {  	s23 =	simm.s32 $0x1B8B  }
0xa2: {  	_ =	swait.ge [sflag:s23], $0x1  }
0xa3: {  	[sflag:s23] =	ssyncset.done $0x0  }
0xa4: {  	s25 =	simm.s32 $0x1B8E;
	s24 =	sld [smem:$0x3FFE];
	[sflag:s23] =	ssyncadd.s32 $0xFFFFFFFF  }
0xa5: {  	s26 =	simm.s32 $execute0_lowered;
	[smem:$0x3FD2] =	sst s25  }
0xa6: {  	s4 =	sshll.u32 s26, $0x1;
	_ =	strace $0x80000046;
	[dreg:$0x1] =	wrdreg $0xFFFFFFFF  }
0xa7: {  	s28 =	simm.s32 $_size_execute0_lowered;
	s2 =	sadd.s32 s2, s4;
	[dreg:$0x0] =	wrdreg $0x0  }
0xa8: {  	s4 =	sshll.u32 s28, $0x1;
	[dreg:$0x2] =	wrdreg s2  }
0xa9: {  	[dreg:$0x3] =	wrdreg s4  }
0xaa: {  	[dreg:$0x4] =	wrdreg $0xC0  }
0xab: {  	_ =	task [dreg:s6], $0x5FFFF  }
0xac: {  	[dreg:$0x1] =	wrdreg $0xFFFFFFFF  }
0xad: {  	[dreg:$0x0] =	wrdreg $0x60  }
0xae: {  	[dreg:$0x2] =	wrdreg s24  }
0xaf: {  	[dreg:$0x3] =	wrdreg $0x0  }
0xb0: {  	[dreg:$0x4] =	wrdreg $0x9  }
0xb1: {  	_ =	task.clear_ibuf [dreg:s6], $0x5FFFF;
	_ =	strace $0x90000046  }
0xb2: {  	s29 =	simm.s32 $0x9;
	_ =	strace $0x80000048  }
0xb3: {  	_ =	swait.ge [sflag:s29], $0x1  }
0xb4: {  	[sflag:s29] =	ssyncadd.s32 $0xFFFFFFFF  }
0xb5: {  	_ =	strace $0x90000048  }
0xb6: {  	_ =	sfence  }
0xb7: {  	s30 =	sld [smem:$0x0];
	_ =	sdelay $0x2  }
0xb8: {  	s31 =	sshll.u32 s1, $0xD;
	s1 =	sshrl.u32 s1, $0x2  }
0xb9: {  	s3 =	sand.u32 $0x4000, s31;
	s1 =	sadd.s32 s1, s30  }
0xba: {  	s0 =	sor.u32 s3, s0;
	s1 =	sshll.u32 s1, $0x11  }
0xbb: {  	s0 =	sor.u32 s1, s0  }
0xbc: {  	s0 =	sadd.s32 $0x8F2B, s0  }
0xbd: {  	[sflag:s0] =	ssyncadd.remote.s32 $0x1  }
0xbe: {  	_ =	sfence.sel $0xFFFF  }
0xbf: {  	[dreg:$0x0] =	wrdreg $0xFFFFFFFF;
	(pc) =	sbr.abs _section_cstart, $3  }
0xc0: {  	[dreg:$0x1] =	wrdreg $0xFFFFFFFF  }
0xc1: {  	_ =	task.clear_ibuf [dreg:s6], $0x2FFFF;
	_ =	strace $0x9FFFFFFF  }
0xc2: {  	(tm) =	ssettm $0x7FFFFFFF  }
0xc3: {  	_ =	shalt  }
tec
execute0_lowered:
.L_overlay_start_1:
0x0: {  	(tag) =	ssettag $0x1  }
0x1: {  	s11 =	stileid.u32  }
0x2: {  	s0 =	rddreg [dreg:$0x0];
	s7 =	smul.u32 $0x62000, s11  }
0x3: {  	s1 =	rddreg [dreg:$0x1];
	s3 =	simm.s32 $0x0  }
0x4: {  	s2 =	srdreg.scid;
	[smem:$0x7FF] =	sst s3;
	s7 =	sshrl.u32 s7, $0x2  }
0x5: {  	s4 =	sadd.s32 $0x1800, s0;
	s5 =	sadd.s32 $0xF6600, s0;
	s20 =	sadd.s32 s7, s1  }
0x6: {  	_ =	strace $0x80000047;
	s22 =	sadd.s32 $0x2000, s20;
	[dreg:$0x3] =	wrdreg s20  }
0x7: {  	s6 =	sadd.s32 $0xC5800, s0;
	s23 =	sadd.s32 $0x4000, s20;
	[dreg:$0x4] =	wrdreg s22  }
0x8: {  	s2 =	sand.u32 $0x1, s2;
	s24 =	sadd.s32 $0x6000, s20;
	[dreg:$0x5] =	wrdreg s23  }
0x9: {  	s0 =	sadd.s32 $0x310200, s0;
	s25 =	sadd.s32 $0x8000, s20;
	[dreg:$0x6] =	wrdreg s24  }
0xa: {  	s21 =	smul.u32 $0x620, s11;
	s26 =	sadd.s32 $0xA000, s20;
	[dreg:$0x7] =	wrdreg s25  }
0xb: {  	s8 =	ssub.s32 $0x2, s2;
	s28 =	sadd.s32 $0xC000, s20;
	[dreg:$0x8] =	wrdreg s26  }
0xc: {  	s2 =	smul.u32 $0xC400, s2;
	s10 =	sadd.s32 $0xE000, s20;
	[dreg:$0x9] =	wrdreg s28  }
0xd: {  	s9 =	sshrl.u32 s8, $0x1;
	s12 =	sadd.s32 $0x10000, s20;
	[dreg:$0xa] =	wrdreg s10  }
0xe: {  	s19 =	ssub.s32 s8, s9;
	s13 =	sadd.s32 $0x12000, s20;
	[dreg:$0xb] =	wrdreg s12  }
0xf: {  	s9 =	sadd.s32 $0x6200, s2;
	s15 =	sadd.s32 $0x18000, s20;
	[dreg:$0xc] =	wrdreg s13  }
0x10: {  	s14 =	sadd.s32 s21, s2;
	s16 =	smax.u32 s19, $0x1;
	[dreg:$0xf] =	wrdreg s15  }
0x11: {  	s8 =	sadd.s32 s21, s9;
	s10 =	sadd.s32 $0x14000, s20;
	[dreg:$0x12] =	wrdreg s16  }
0x12: {  	s12 =	sadd.s32 $0x16000, s20;
	s8 =	sshll.u32 s8, $0x3;
	[dreg:$0xd] =	wrdreg s10  }
0x13: {  	[dreg:$0xe] =	wrdreg s12;
	s10 =	sshll.u32 s14, $0x3;
	s8 =	sadd.s32 s0, s8  }
0x14: {  	s10 =	sadd.s32 s0, s10;
	[dreg:$0x11] =	wrdreg s8  }
0x15: {  	s14 =	sadd.s32 $0x400, s8;
	[dreg:$0x10] =	wrdreg s10  }
0x16: {  	s15 =	sadd.s32 $0x800, s8;
	[dreg:$0x1f] =	wrdreg s14  }
0x17: {  	s16 =	sadd.s32 $0xC00, s8;
	[smem:$0x7F3] =	sst s15  }
0x18: {  	s17 =	sadd.s32 $0x400, s10;
	[smem:$0x7F4] =	sst s16  }
0x19: {  	s18 =	sadd.s32 $0x800, s10;
	[dreg:$0x13] =	wrdreg s17  }
0x1a: {  	s19 =	sadd.s32 $0xC00, s10;
	[dreg:$0x14] =	wrdreg s18  }
0x1b: {  	s21 =	sadd.s32 $0x1000, s10;
	[dreg:$0x15] =	wrdreg s19  }
0x1c: {  	s23 =	sadd.s32 $0x1400, s10;
	[dreg:$0x16] =	wrdreg s21  }
0x1d: {  	s24 =	sadd.s32 $0x1800, s10;
	[dreg:$0x17] =	wrdreg s23  }
0x1e: {  	s25 =	sadd.s32 $0x1C00, s10;
	[dreg:$0x18] =	wrdreg s24  }
0x1f: {  	s26 =	sadd.s32 $0x2000, s10;
	[dreg:$0x19] =	wrdreg s25  }
0x20: {  	s28 =	sadd.s32 $0x2400, s10;
	[dreg:$0x1a] =	wrdreg s26  }
0x21: {  	s7 =	sadd.s32 $0x2800, s10;
	[dreg:$0x1b] =	wrdreg s28  }
0x22: {  	s22 =	smul.u32 $0x186A0, s11;
	s11 =	sadd.s32 $0x2C00, s10;
	[dreg:$0x1c] =	wrdreg s7  }
0x23: {  	s12 =	sadd.s32 $0x3000, s10;
	[dreg:$0x1d] =	wrdreg s11  }
0x24: {  	[dreg:$0x1e] =	wrdreg s12;
	s17 =	sadd.s32 $0x1000, s8  }
0x25: {  	s18 =	sadd.s32 $0x1400, s8;
	[smem:$0x7F5] =	sst s17  }
0x26: {  	s19 =	sadd.s32 $0x1800, s8;
	[smem:$0x7F6] =	sst s18  }
0x27: {  	s29 =	simm.s32 $0x1B120;
	s21 =	sadd.s32 $0x1C00, s8;
	[smem:$0x7F7] =	sst s19  }
0x28: {  	s30 =	simm.s32 $0x3;
	s23 =	sadd.s32 $0x2000, s8;
	[smem:$0x7F8] =	sst s21  }
0x29: {  	s31 =	simm.s32 $0x18840;
	s24 =	sadd.s32 $0x2400, s8;
	[smem:$0x7F9] =	sst s23  }
.Ltmp0:
0x2a: {  	s25 =	sadd.s32 $0x2800, s8;
	[smem:$0x7FA] =	sst s24;
	(pc) =	sbr.rel .LBB2_1-.Ltmp0, $4  }
0x2b: {  	s13 =	sadd.s32 $0xC400, s2;
	s26 =	sadd.s32 $0x2C00, s8;
	[smem:$0x7FB] =	sst s25  }
0x2c: {  	v0 =	vmov s2;
	s2 =	simm.s32 $0x1A040;
	s28 =	sadd.s32 $0x3000, s8;
	[smem:$0x7FC] =	sst s26  }
0x2d: {  	v3 =	vimm.f32 $0.0e+00;
	v4 =	vimm.s32 $0x0;
	s0 =	simm.s32 $0x19010;
	[smem:$0x7FD] =	sst s28;
	s23 =	simm.s32 $0x197E0  }
0x2e: {  	v5 =	vimm.s32 $0x6200;
	v1 =	vmov s9;
	v2 =	vmov s13;
	s24 =	simm.s32 $0x1;
	s25 =	simm.s32 $0x80;
	s26 =	simm.s32 $0x4  }
.LBB2_21:
0x2f: {  	[bflag:$0x0] =	sbarrier.arrive $0xFFFF  }
0x30: {  	s8 =	sld [smem:$0x7E8];
	_ =	sdelay $0x1  }
0x31: {  	s7 =	rddreg [dreg:$0x11]  }
0x32: {  	[hbm:s7], [sflag:s28] =	dma.local [spmem:s8], $0x400  }
0x33: {  	_ =	swait.ge [sflag:s30], $0x400  }
0x34: {  	s11 =	sld [smem:$0x7E9]  }
0x35: {  	[sflag:s30] =	ssyncset.done $0x0  }
0x36: {  	s10 =	rddreg [dreg:$0x1f];
	[sflag:s30] =	ssyncadd.s32 $0xFFFFFC00  }
0x37: {  	[hbm:s10], [sflag:s28] =	dma.local [spmem:s11], $0x400  }
0x38: {  	_ =	swait.ge [sflag:s30], $0x400  }
0x39: {  	s12 =	sld [smem:$0x7F3]  }
0x3a: {  	s13 =	sld [smem:$0x7EA]  }
0x3b: {  	[sflag:s30] =	ssyncset.done $0x0  }
0x3c: {  	[sflag:s30] =	ssyncadd.s32 $0xFFFFFC00  }
0x3d: {  	[hbm:s12], [sflag:s28] =	dma.local [spmem:s13], $0x400  }
0x3e: {  	_ =	swait.ge [sflag:s30], $0x400  }
0x3f: {  	s14 =	sld [smem:$0x7F4]  }
0x40: {  	s15 =	sld [smem:$0x7EB]  }
0x41: {  	[sflag:s30] =	ssyncset.done $0x0  }
0x42: {  	[sflag:s30] =	ssyncadd.s32 $0xFFFFFC00  }
0x43: {  	[hbm:s14], [sflag:s28] =	dma.local [spmem:s15], $0x400  }
0x44: {  	_ =	swait.ge [sflag:s30], $0x400  }
0x45: {  	s16 =	sld [smem:$0x7F5]  }
0x46: {  	s19 =	sld [smem:$0x7EC]  }
0x47: {  	[sflag:s30] =	ssyncset.done $0x0  }
0x48: {  	[sflag:s30] =	ssyncadd.s32 $0xFFFFFC00  }
0x49: {  	[hbm:s16], [sflag:s28] =	dma.local [spmem:s19], $0x400  }
0x4a: {  	_ =	swait.ge [sflag:s30], $0x400  }
0x4b: {  	s20 =	sld [smem:$0x7F6]  }
0x4c: {  	s21 =	sld [smem:$0x7ED]  }
0x4d: {  	[sflag:s30] =	ssyncset.done $0x0  }
0x4e: {  	[sflag:s30] =	ssyncadd.s32 $0xFFFFFC00  }
0x4f: {  	[hbm:s20], [sflag:s28] =	dma.local [spmem:s21], $0x400  }
0x50: {  	_ =	swait.ge [sflag:s30], $0x400  }
0x51: {  	s8 =	sld [smem:$0x7F7]  }
0x52: {  	s9 =	sld [smem:$0x7EE]  }
0x53: {  	[sflag:s30] =	ssyncset.done $0x0  }
0x54: {  	[sflag:s30] =	ssyncadd.s32 $0xFFFFFC00  }
0x55: {  	[hbm:s8], [sflag:s28] =	dma.local [spmem:s9], $0x400  }
0x56: {  	_ =	swait.ge [sflag:s30], $0x400  }
0x57: {  	s10 =	sld [smem:$0x7F8]  }
0x58: {  	s11 =	sld [smem:$0x7EF]  }
0x59: {  	[sflag:s30] =	ssyncset.done $0x0  }
0x5a: {  	[sflag:s30] =	ssyncadd.s32 $0xFFFFFC00  }
0x5b: {  	[hbm:s10], [sflag:s28] =	dma.local [spmem:s11], $0x400  }
0x5c: {  	_ =	swait.ge [sflag:s30], $0x400  }
0x5d: {  	s12 =	sld [smem:$0x7F9]  }
0x5e: {  	s13 =	sld [smem:$0x7F0]  }
0x5f: {  	[sflag:s30] =	ssyncset.done $0x0  }
0x60: {  	[sflag:s30] =	ssyncadd.s32 $0xFFFFFC00  }
0x61: {  	[hbm:s12], [sflag:s28] =	dma.local [spmem:s13], $0x400  }
0x62: {  	_ =	swait.ge [sflag:s30], $0x400  }
0x63: {  	s14 =	sld [smem:$0x7FA]  }
0x64: {  	s15 =	sld [smem:$0x7F1]  }
0x65: {  	[sflag:s30] =	ssyncset.done $0x0  }
0x66: {  	[sflag:s30] =	ssyncadd.s32 $0xFFFFFC00  }
0x67: {  	[hbm:s14], [sflag:s28] =	dma.local [spmem:s15], $0x400  }
0x68: {  	_ =	swait.ge [sflag:s30], $0x400  }
0x69: {  	s16 =	sld [smem:$0x7FB]  }
0x6a: {  	s19 =	sld [smem:$0x7F2]  }
0x6b: {  	[sflag:s30] =	ssyncset.done $0x0  }
0x6c: {  	[sflag:s30] =	ssyncadd.s32 $0xFFFFFC00  }
0x6d: {  	[hbm:s16], [sflag:s28] =	dma.local [spmem:s19], $0x400  }
0x6e: {  	_ =	swait.ge [sflag:s30], $0x400  }
0x6f: {  	s20 =	sld [smem:$0x7FC]  }
0x70: {  	[sflag:s30] =	ssyncset.done $0x0  }
0x71: {  	[sflag:s30] =	ssyncadd.s32 $0xFFFFFC00  }
0x72: {  	[hbm:s20], [sflag:s28] =	dma.local [spmem:s17], $0x400  }
0x73: {  	_ =	swait.ge [sflag:s30], $0x400  }
0x74: {  	s21 =	sld [smem:$0x7FD]  }
0x75: {  	[sflag:s30] =	ssyncset.done $0x0  }
0x76: {  	[sflag:s30] =	ssyncadd.s32 $0xFFFFFC00  }
0x77: {  	[hbm:s21], [sflag:s28] =	dma.local [spmem:s18], $0x100  }
0x78: {  	_ =	swait.ge [sflag:s30], $0x100  }
0x79: {  	s3 =	sadd.s32 $0x1, s3;
	s28 =	rddreg [dreg:$0x12]  }
0x7a: {  	p0 =	sne.s32 s3, s28  }
.Ltmp1:
0x7b: {  	_ = 	snop;
	(pc) =	sbr.rel @!p0 .LBB2_22-.Ltmp1, $3  }
0x7c: {  	_ =	sdelay $0x1  }
0x7d: {  	[sflag:s30] =	ssyncset.done $0x0  }
0x7e: {  	s20 =	rddreg [dreg:$0x3];
	[sflag:s30] =	ssyncadd.s32 $0xFFFFFF00  }
.LBB2_1:
0x7f: {  	s8 =	simm.s32 $0x100;
	s7 =	simm.s32 $0x0  }
.LBB2_2:
0x80: {  	p0 =	sne.s32 s8, $0x7F00;
	[tilespmem:s7+$0x1B150] =	vst v3;
	s9 =	smov.u32 s8;
	s8 =	sadd.s32 $0x100, s8  }
.Ltmp2:
0x81: {  	[tilespmem:s7+$0x1B140] =	vst v3;
	(pc) =	sbr.rel @p0 .LBB2_2-.Ltmp2, $3  }
0x82: {  	[tilespmem:s7+$0x1B120] =	vst v3  }
0x83: {  	[tilespmem:s7+$0x1B130] =	vst v3;
	_ =	sdelay $0x1  }
0x84: {  	s7 =	sshra.s32 s9, $0x2  }
0x85: {  	[tilespmem:s7+$0x1B150] =	vst v3  }
0x86: {  	[tilespmem:s7+$0x1B140] =	vst v3  }
0x87: {  	[tilespmem:s7+$0x1B120] =	vst v3  }
0x88: {  	[tilespmem:s7+$0x1B130] =	vst v3  }
0x89: {  	[spmem:s20] =	stream.linear.scatter [tilespmem:s29], [sflag:$0x3], $0x2000, $0x38;
	[tilespmem:$0x1F120] =	vst v63  }
0x8a: {  	_ =	swait.ge [sflag:s30], $0x2000  }
0x8b: {  	[sflag:s30] =	ssyncset.done $0x0  }
0x8c: {  	s10 =	rddreg [dreg:$0x4];
	[sflag:s30] =	ssyncadd.s32 $0xFFFFE000  }
0x8d: {  	[spmem:s10] =	stream.linear.scatter [tilespmem:s29], [sflag:$0x3], $0x2000, $0x38;
	[tilespmem:$0x1F120] =	vst v63  }
0x8e: {  	_ =	swait.ge [sflag:s30], $0x2000  }
0x8f: {  	[sflag:s30] =	ssyncset.done $0x0  }
0x90: {  	s11 =	rddreg [dreg:$0x5];
	[sflag:s30] =	ssyncadd.s32 $0xFFFFE000  }
0x91: {  	[spmem:s11] =	stream.linear.scatter [tilespmem:s29], [sflag:$0x3], $0x2000, $0x38;
	[tilespmem:$0x1F120] =	vst v63  }
0x92: {  	_ =	swait.ge [sflag:s30], $0x2000  }
0x93: {  	[sflag:s30] =	ssyncset.done $0x0  }
0x94: {  	s12 =	rddreg [dreg:$0x6];
	[sflag:s30] =	ssyncadd.s32 $0xFFFFE000  }
0x95: {  	[spmem:s12] =	stream.linear.scatter [tilespmem:s29], [sflag:$0x3], $0x2000, $0x38;
	[tilespmem:$0x1F120] =	vst v63  }
0x96: {  	_ =	swait.ge [sflag:s30], $0x2000  }
0x97: {  	[sflag:s30] =	ssyncset.done $0x0  }
0x98: {  	s13 =	rddreg [dreg:$0x7];
	[sflag:s30] =	ssyncadd.s32 $0xFFFFE000  }
0x99: {  	[spmem:s13] =	stream.linear.scatter [tilespmem:s29], [sflag:$0x3], $0x2000, $0x38;
	[tilespmem:$0x1F120] =	vst v63  }
0x9a: {  	_ =	swait.ge [sflag:s30], $0x2000  }
0x9b: {  	[sflag:s30] =	ssyncset.done $0x0  }
0x9c: {  	s14 =	rddreg [dreg:$0x8];
	[sflag:s30] =	ssyncadd.s32 $0xFFFFE000  }
0x9d: {  	[spmem:s14] =	stream.linear.scatter [tilespmem:s29], [sflag:$0x3], $0x2000, $0x38;
	[tilespmem:$0x1F120] =	vst v63  }
0x9e: {  	_ =	swait.ge [sflag:s30], $0x2000  }
0x9f: {  	[sflag:s30] =	ssyncset.done $0x0  }
0xa0: {  	s15 =	rddreg [dreg:$0x9];
	[sflag:s30] =	ssyncadd.s32 $0xFFFFE000  }
0xa1: {  	[spmem:s15] =	stream.linear.scatter [tilespmem:s29], [sflag:$0x3], $0x2000, $0x38;
	[tilespmem:$0x1F120] =	vst v63  }
0xa2: {  	_ =	swait.ge [sflag:s30], $0x2000  }
0xa3: {  	[sflag:s30] =	ssyncset.done $0x0  }
0xa4: {  	s16 =	rddreg [dreg:$0xa];
	[sflag:s30] =	ssyncadd.s32 $0xFFFFE000  }
0xa5: {  	[spmem:s16] =	stream.linear.scatter [tilespmem:s29], [sflag:$0x3], $0x2000, $0x38;
	[tilespmem:$0x1F120] =	vst v63  }
0xa6: {  	_ =	swait.ge [sflag:s30], $0x2000  }
0xa7: {  	[sflag:s30] =	ssyncset.done $0x0  }
0xa8: {  	s17 =	rddreg [dreg:$0xb];
	[sflag:s30] =	ssyncadd.s32 $0xFFFFE000  }
0xa9: {  	[spmem:s17] =	stream.linear.scatter [tilespmem:s29], [sflag:$0x3], $0x2000, $0x38;
	[tilespmem:$0x1F120] =	vst v63  }
0xaa: {  	_ =	swait.ge [sflag:s30], $0x2000  }
0xab: {  	[sflag:s30] =	ssyncset.done $0x0  }
0xac: {  	s18 =	rddreg [dreg:$0xc];
	[sflag:s30] =	ssyncadd.s32 $0xFFFFE000  }
0xad: {  	[spmem:s18] =	stream.linear.scatter [tilespmem:s29], [sflag:$0x3], $0x2000, $0x38;
	[tilespmem:$0x1F120] =	vst v63  }
0xae: {  	_ =	swait.ge [sflag:s30], $0x2000  }
0xaf: {  	[sflag:s30] =	ssyncset.done $0x0  }
0xb0: {  	s19 =	rddreg [dreg:$0xd];
	[sflag:s30] =	ssyncadd.s32 $0xFFFFE000  }
0xb1: {  	[spmem:s19] =	stream.linear.scatter [tilespmem:s29], [sflag:$0x3], $0x2000, $0x38;
	[tilespmem:$0x1F120] =	vst v63  }
0xb2: {  	_ =	swait.ge [sflag:s30], $0x2000  }
0xb3: {  	[sflag:s30] =	ssyncset.done $0x0  }
0xb4: {  	s21 =	rddreg [dreg:$0xe];
	[sflag:s30] =	ssyncadd.s32 $0xFFFFE000  }
0xb5: {  	[spmem:s21] =	stream.linear.scatter [tilespmem:s29], [sflag:$0x3], $0x2000, $0x38;
	[tilespmem:$0x1F120] =	vst v63  }
0xb6: {  	_ =	swait.ge [sflag:s30], $0x2000  }
0xb7: {  	[sflag:s30] =	ssyncset.done $0x0  }
0xb8: {  	s28 =	rddreg [dreg:$0xf];
	[sflag:s30] =	ssyncadd.s32 $0xFFFFE000  }
0xb9: {  	[spmem:s28] =	stream.linear.scatter [tilespmem:s29], [sflag:$0x3], $0x800, $0x38;
	[tilespmem:$0x1F120] =	vst v63  }
.Ltmp3:
0xba: {  	_ =	swait.ge [sflag:s30], $0x800;
	(pc) =	sbr.rel .LBB2_4-.Ltmp3, $4  }
0xbb: {  	[sflag:s30] =	ssyncset.done $0x0  }
0xbc: {  	[sflag:s30] =	ssyncadd.s32 $0xFFFFF800  }
0xbd: {  	[bflag:$0x0] =	sbarrier.arrive $0xFFFF  }
0xbe: {  	s8 =	simm.s32 $0x0;
	s9 =	simm.s32 $0x0  }
.LBB2_9:
0xbf: {  	[tilespmem:s12+$0x1A920] =	vst @!p0 v10;
	v10 =	vld @!p0 [tilespmem:s12+$0x1A0F0]  }
0xc0: {  	v11 =	vld @!p0 [tilespmem:s12+$0x1A0D0];
	[tilespmem:s12+$0x1A970] =	vst @!p0 v7  }
0xc1: {  	v7 =	vld @!p0 [tilespmem:s12+$0x1A100];
	[tilespmem:s12+$0x1A990] =	vst @!p0 v6  }
0xc2: {  	[tilespmem:s12+$0x1A980] =	vst @!p0 v8  }
0xc3: {  	[tilespmem:s12+$0x1A940] =	vst @!p0 v9  }
0xc4: {  	[tilespmem:s12+$0x1A950] =	vst @!p0 v10  }
0xc5: {  	[tilespmem:s12+$0x1A930] =	vst @!p0 v11  }
0xc6: {  	s7 =	simm.s32 @!p0 $0x2;
	[tilespmem:s12+$0x1A960] =	vst @!p0 v7  }
0xc7: {  	_ =	swait.ge @!p0 [sflag:s7], $0x2000  }
0xc8: {  	[sflag:s7] =	ssyncset.done @!p0 $0x0  }
0xc9: {  	[sflag:s7] =	ssyncadd.s32 @!p0 $0xFFFFE000;
	s7 =	simm.s32 @!p0 $0x3  }
0xca: {  	[spmem:s1] =	stream.indirect.scatter.add.f32 @!p0 [tilespmem:s10], [sflag:$0x3], $0x40, s16, s11, $0xb8;
	[tilespmem:$0x1F120] =	vst v63  }
0xcb: {  	_ =	swait.ge @!p0 [sflag:s7], $0x2000  }
0xcc: {  	[sflag:s7] =	ssyncset.done @!p0 $0x0  }
0xcd: {  	[sflag:s7] =	ssyncadd.s32 @!p0 $0xFFFFE000  }
.LBB2_10:
0xce: {  	s9 =	sadd.s32 $0x1, s9  }
0xcf: {  	p0 =	sne.s32 s9, $0x32  }
.Ltmp4:
0xd0: {  	_ = 	snop;
	(pc) =	sbr.rel @!p0 .LBB2_11-.Ltmp4, $1  }
0xd1: {  	_ =	sdelay $0x3  }
.LBB2_4:
0xd2: {  	s7 =	smul.u32 $0x7D0, s9;
	_ =	sdelay $0x1  }
0xd3: {  	s7 =	sadd.s32 s22, s7  }
0xd4: {  	s7 =	sshrl.u32 s7, $0x3  }
0xd5: {  	s10 =	sadd.s32 s5, s7  }
0xd6: {  	[tilespmem:s31], [sflag:$0x3] =	stream.linear.gather [hbm4b:s10+s8], $0x7D0, $0x38;
	[tilespmem:$0x1F120] =	vst v63  }
0xd7: {  	_ =	swait.ge [sflag:s30], $0x7D0  }
0xd8: {  	[sflag:s30] =	ssyncset.done $0x0  }
0xd9: {  	s7 =	sadd.s32 s6, s7;
	[sflag:s30] =	ssyncadd.s32 $0xFFFFF830  }
0xda: {  	[tilespmem:s0], [sflag:$0x3] =	stream.linear.gather [hbm4b:s7+s8], $0x7D0, $0x38;
	[tilespmem:$0x1F120] =	vst v63  }
0xdb: {  	_ =	swait.ge [sflag:s30], $0x7D0  }
0xdc: {  	[sflag:s30] =	ssyncset.done $0x0  }
0xdd: {  	s28 =	simm.s32 $0x0;
	[sflag:s30] =	ssyncadd.s32 $0xFFFFF830  }
0xde: {  	v6 =	vld [tilespmem:s28+$0x19010];
	_ =	sdelay $0x4  }
0xdf: {  	vm0 =	vge.s32 v6, v0;
	vm1 =	vlt.s32 v6, v1  }
0xe0: {  	vm0 =	vmand vm0, vm1  }
0xe1: {  	v7 =	vsel vm0, $0x1, v4  }
0xe2: {  	(xrf0) =	vadd.scan.msk.s32 $0xffff, v7;
	_ =	sdelay $0x2  }
0xe3: {  	v7 =	vmov s8  }
0xe4: {  	v7 =	vadd.s32 $0xFFFFFFFF, v7  }
0xe5: {  	v7 =	vbroadcast v7, $0x0  }
0xe6: {  	v8, _, _ =	vpop (xrf0)  }
0xe7: {  	v7 =	vadd.s32 v8, v7;
	(v2sf) =	vpush v8, $0xF  }
0xe8: {  	v7 =	vnsel vm0, $0x850, v7  }
0xe9: {  	v9 =	vld [tilespmem:s28+$0x18840];
	_ =	sdelay $0x2  }
0xea: {  	v6 =	vsub.s32 v6, v0  }
0xeb: {  	[tilespmem:v7+s2+$0x0] =	vst.idx.msk $0xffff, v6  }
0xec: {  	s11 =	simm.s32 $0x80;
	s10 =	simm.s32 $0x0;
	s7 =	simm.s32 $0x10;
	[tilespmem:v7+s23+$0x0] =	vst.idx.msk $0xffff, v9  }
.LBB2_5:
0xed: {  	p0 =	sne.s32 s11, $0x1F00;
	v6 =	vld [tilespmem:s7+$0x19010];
	_ =	sdelay $0x4  }
0xee: {  	vm0 =	vge.s32 v6, v0;
	vm1 =	vlt.s32 v6, v1;
	v6 =	vsub.s32 v6, v0  }
0xef: {  	vm0 =	vmand vm0, vm1  }
0xf0: {  	v7 =	vsel vm0, $0x1, v4;
	s12 =	spop (v2sf)  }
0xf1: {  	(xrf0) =	vadd.scan.msk.s32 $0xffff, v7;
	s10 =	sadd.s32 s10, s12  }
0xf2: {  	v7 =	vmov s10  }
0xf3: {  	v7 =	vadd.s32 $0xFFFFFFFF, v7  }
0xf4: {  	v7 =	vbroadcast v7, $0x0;
	_ =	sdelay $0x2  }
0xf5: {  	v8, _, _ =	vpop (xrf0)  }
0xf6: {  	v7 =	vadd.s32 v8, v7;
	(v2sf) =	vpush v8, $0xF  }
0xf7: {  	v7 =	vnsel vm0, $0x850, v7  }
0xf8: {  	v8 =	vld [tilespmem:s7+$0x18840]  }
.Ltmp5:
0xf9: {  	(pc) =	sbr.rel @p0 .LBB2_5-.Ltmp5, $3  }
0xfa: {  	_ =	sdelay $0x1  }
0xfb: {  	[tilespmem:v7+s2+$0x0] =	vst.idx.msk $0xffff, v6  }
0xfc: {  	s7 =	sshra.s32 s11, $0x2;
	s11 =	sadd.s32 $0x40, s11;
	[tilespmem:v7+s23+$0x0] =	vst.idx.msk $0xffff, v8  }
0xfd: {  	v6 =	vld [tilespmem:s7+$0x19010];
	_ =	sdelay $0x4  }
0xfe: {  	vm0 =	vge.s32 v6, v0;
	vm1 =	vlt.s32 v6, v1  }
0xff: {  	vm0 =	vmand vm0, vm1  }
0x100: {  	v7 =	vsel vm0, $0x1, v4  }
0x101: {  	(xrf0) =	vadd.scan.msk.s32 $0xffff, v7;
	_ =	sdelay $0x5  }
0x102: {  	v7, _, _ =	vpop (xrf0)  }
0x103: {  	(v2sf) =	vpush v7, $0xF;
	_ =	sdelay $0x2  }
0x104: {  	s11 =	spop (v2sf)  }
0x105: {  	s10 =	sadd.s32 s10, s11  }
0x106: {  	v8 =	vmov s10  }
0x107: {  	v8 =	vadd.s32 $0xFFFFFFFF, v8  }
0x108: {  	v8 =	vbroadcast v8, $0x0;
	_ =	sdelay $0x1  }
0x109: {  	v7 =	vadd.s32 v7, v8  }
0x10a: {  	v7 =	vnsel vm0, $0x850, v7  }
0x10b: {  	v63 =	vld [tilespmem:s7+$0x18840];
	_ =	sdelay $0x2  }
0x10c: {  	v6 =	vsub.s32 v6, v0  }
0x10d: {  	[tilespmem:v7+s2+$0x0] =	vst.idx.msk $0xffff, v6;
	s16 =	spop (v2sf)  }
0x10e: {  	[tilespmem:v7+s23+$0x0] =	vst.idx.msk $0xffff, v63;
	s10 =	sadd.s32 s10, s16  }
0x10f: {  	[tilespmem:s10+$0x1A040] =	vst v5  }
0x110: {  	[tilespmem:s10+$0x197E0] =	vst v4  }
0x111: {  	[tilespmem:s10+$0x1A050] =	vst v5  }
0x112: {  	[tilespmem:s10+$0x197F0] =	vst v4  }
0x113: {  	[tilespmem:s10+$0x1A060] =	vst v5  }
0x114: {  	[tilespmem:s10+$0x19800] =	vst v4  }
0x115: {  	[tilespmem:s10+$0x1A070] =	vst v5  }
0x116: {  	[tilespmem:s10+$0x19810] =	vst v4;
	s7 =	sadd.s32 $0x7F, s10  }
0x117: {  	[tilespmem:s10+$0x1A080] =	vst v5;
	s17 =	sand.u32 $0x7F, s7  }
0x118: {  	[tilespmem:s10+$0x19820] =	vst v4;
	s12 =	sshra.s32 s7, $0x1F;
	p0 =	slt.s32 s7, $0x1;
	p1 =	sne.s32 s17, $0x0  }
0x119: {  	[tilespmem:s10+$0x1A090] =	vst v5;
	s18 =	sshrl.u32 s12, $0x19;
	p0 =	por !p0, !p1  }
0x11a: {  	s11 =	simm.s32 $0x1;
	[tilespmem:s10+$0x19830] =	vst v4;
	s7 =	sadd.s32 s18, s7;
	p0 =	por !p0, !p0  }
0x11b: {  	[tilespmem:s10+$0x1A0A0] =	vst v5;
	s7 =	sshra.s32 s7, $0x7;
	s11 =	simm.s32 @!p0 $0x0  }
0x11c: {  	[tilespmem:s10+$0x19840] =	vst v4;
	s7 =	ssub.s32 s7, s11  }
0x11d: {  	[tilespmem:s10+$0x1A0B0] =	vst v5;
	p0 =	slt.s32 s7, $0x1  }
0x11e: {  	[tilespmem:s10+$0x19850] =	vst v4;
	s19 =	sadd.s32 $0x1, s7;
	s10 =	simm.s32 @!p0 $0x80  }
0x11f: {  	s11 =	simm.s32 @!p0 $0x197E0;
	s12 =	simm.s32 @!p0 $0x1B120;
	s21 =	sand.u32 $0x1, s19  }
0x120: {  	[tilespmem:s12], [sflag:$0x1] =	stream.indirect.gather @!p0 [hbm4b:s4+s10], $0x40, s11, s10, $0xb8;
	[tilespmem:$0x1F120] =	vst v63  }
0x121: {  	p5 =	slt.s32 s7, $0x0;
	p6 =	seq.s32 s21, $0x1  }
0x122: {  	s28 =	sshrl.u32 s19, $0x1F;
	p0 =	por !p5, !p6  }
0x123: {  	s10 =	sadd.s32 s28, s19;
	s11 =	simm.s32 $0x1;
	p0 =	por !p0, !p0  }
0x124: {  	s10 =	sshra.s32 s10, $0x1;
	s11 =	simm.s32 @!p0 $0x0  }
0x125: {  	s13 =	ssub.s32 s10, s11  }
0x126: {  	p0 =	slt.s32 s13, $0x1  }
.Ltmp6:
0x127: {  	_ = 	snop;
	(pc) =	sbr.rel @p0 .LBB2_10-.Ltmp6, $1  }
0x128: {  	_ =	sdelay $0x3  }
0x129: {  	p1 =	sle.s32 s7, $0x1;
	s12 =	simm.s32 $0x0  }
0x12a: {  	s10 =	simm.s32 @!p1 $0x1D120;
	s14 =	simm.s32 @!p1 $0x19860;
	s11 =	simm.s32 @!p1 $0x80  }
0x12b: {  	[tilespmem:s10], [sflag:$0x2] =	stream.indirect.gather @!p1 [hbm4b:s4+s11], $0x40, s14, s11, $0xb8;
	[tilespmem:$0x1F120] =	vst v63  }
0x12c: {  	v6 =	vld [tilespmem:s12+$0x1A0B0]  }
0x12d: {  	v7 =	vld [tilespmem:s12+$0x1A090]  }
0x12e: {  	v8 =	vld [tilespmem:s12+$0x1A0A0]  }
0x12f: {  	v9 =	vld [tilespmem:s12+$0x1A070]  }
0x130: {  	v10 =	vld [tilespmem:s12+$0x1A080]  }
0x131: {  	v11 =	vld [tilespmem:s12+$0x1A040];
	[tilespmem:s12+$0x1A910] =	vst v6  }
0x132: {  	v6 =	vld [tilespmem:s12+$0x1A060];
	[tilespmem:s12+$0x1A8F0] =	vst v7  }
0x133: {  	v7 =	vld [tilespmem:s12+$0x1A050];
	[tilespmem:s12+$0x1A900] =	vst v8  }
0x134: {  	[tilespmem:s12+$0x1A8D0] =	vst v9  }
0x135: {  	[tilespmem:s12+$0x1A8E0] =	vst v10  }
0x136: {  	[tilespmem:s12+$0x1A8A0] =	vst v11  }
0x137: {  	[tilespmem:s12+$0x1A8C0] =	vst v6  }
0x138: {  	[tilespmem:s12+$0x1A8B0] =	vst v7  }
0x139: {  	_ =	swait.ge [sflag:s24], $0x2000  }
0x13a: {  	[sflag:s24] =	ssyncset.done $0x0  }
0x13b: {  	s28 =	simm.s32 $0x1A8A0;
	[sflag:s24] =	ssyncadd.s32 $0xFFFFE000  }
0x13c: {  	[spmem:s1] =	stream.indirect.scatter.add.f32 [tilespmem:s29], [sflag:$0x4], $0x40, s28, s25, $0xb8;
	[tilespmem:$0x1F120] =	vst v63  }
0x13d: {  	p2 =	sle.s32 s7, $0x2;
	_ =	swait.ge [sflag:s26], $0x2000  }
0x13e: {  	s13 =	sadd.s32 $0xFFFFFFFF, s13;
	s15 =	simm.s32 @!p2 $0x198E0;
	[sflag:s26] =	ssyncset.done $0x0  }
0x13f: {  	s16 =	simm.s32 @!p2 $0x80;
	s14 =	simm.s32 @!p2 $0x1B120;
	[sflag:s26] =	ssyncadd.s32 $0xFFFFE000  }
0x140: {  	[tilespmem:s14], [sflag:$0x1] =	stream.indirect.gather @!p2 [hbm4b:s4+s16], $0x40, s15, s16, $0xb8;
	[tilespmem:$0x1F120] =	vst v63  }
0x141: {  	p0 =	por p1, p1;
	s12 =	simm.s32 @!p1 $0x0;
	p2 =	sne.s32 s13, $0x0  }
.Ltmp7:
0x142: {  	v10 =	vld @!p0 [tilespmem:s12+$0x1A0C0];
	(pc) =	sbr.rel @!p2 .LBB2_9-.Ltmp7, $4  }
0x143: {  	v7 =	vld @!p0 [tilespmem:s12+$0x1A110]  }
0x144: {  	v6 =	vld @!p0 [tilespmem:s12+$0x1A130]  }
0x145: {  	v8 =	vld @!p0 [tilespmem:s12+$0x1A120]  }
0x146: {  	s14 =	simm.s32 $0x2;
	s15 =	simm.s32 $0x0;
	s16 =	simm.s32 @!p1 $0x1A920;
	v9 =	vld @!p0 [tilespmem:s12+$0x1A0E0]  }
.LBB2_8:
0x147: {  	s13 =	sadd.s32 $0xFFFFFFFF, s13;
	[tilespmem:s12+$0x1A920] =	vst @!p0 v10;
	v10 =	vld @!p0 [tilespmem:s12+$0x1A0F0];
	s14 =	sadd.s32 $0x2, s14;
	s15 =	sadd.s32 $0x400, s15  }
0x148: {  	p1 =	sne.s32 s13, $0x0;
	v11 =	vld @!p0 [tilespmem:s12+$0x1A0D0];
	[tilespmem:s12+$0x1A970] =	vst @!p0 v7  }
0x149: {  	v7 =	vld @!p0 [tilespmem:s12+$0x1A100];
	[tilespmem:s12+$0x1A990] =	vst @!p0 v6  }
0x14a: {  	[tilespmem:s12+$0x1A980] =	vst @!p0 v8  }
0x14b: {  	[tilespmem:s12+$0x1A940] =	vst @!p0 v9  }
0x14c: {  	[tilespmem:s12+$0x1A950] =	vst @!p0 v10  }
0x14d: {  	s17 =	simm.s32 @!p0 $0x2;
	[tilespmem:s12+$0x1A930] =	vst @!p0 v11  }
0x14e: {  	[tilespmem:s12+$0x1A960] =	vst @!p0 v7  }
0x14f: {  	_ =	swait.ge @!p0 [sflag:s17], $0x2000  }
0x150: {  	[sflag:s17] =	ssyncset.done @!p0 $0x0  }
0x151: {  	s12 =	sadd.s32 $0xFFFFFFFF, s14;
	[sflag:s17] =	ssyncadd.s32 @!p0 $0xFFFFE000;
	s17 =	simm.s32 @!p0 $0x3  }
0x152: {  	[spmem:s1] =	stream.indirect.scatter.add.f32 @!p0 [tilespmem:s10], [sflag:$0x3], $0x40, s16, s11, $0xb8;
	[tilespmem:$0x1F120] =	vst v63  }
0x153: {  	s18 =	sshra.s32 s15, $0x2;
	p2 =	sge.s32 s12, s7;
	_ =	swait.ge @!p0 [sflag:s17], $0x2000  }
0x154: {  	s12 =	sshra.s32 @!p2 s15, $0x2;
	s10 =	simm.s32 @!p2 $0x1D120;
	[sflag:s17] =	ssyncset.done @!p0 $0x0  }
0x155: {  	s16 =	sadd.s32 @!p2 $0x19860, s12;
	s11 =	simm.s32 @!p2 $0x80;
	[sflag:s17] =	ssyncadd.s32 @!p0 $0xFFFFE000  }
0x156: {  	[tilespmem:s10], [sflag:$0x2] =	stream.indirect.gather @!p2 [hbm4b:s4+s11], $0x40, s16, s11, $0xb8;
	[tilespmem:$0x1F120] =	vst v63  }
0x157: {  	p0 =	por p2, p2;
	s16 =	sadd.s32 @!p2 $0x1A920, s12;
	v6 =	vld [tilespmem:s18+$0x1A0B0]  }
0x158: {  	v7 =	vld [tilespmem:s18+$0x1A090]  }
0x159: {  	v8 =	vld [tilespmem:s18+$0x1A0A0]  }
0x15a: {  	v9 =	vld [tilespmem:s18+$0x1A070]  }
0x15b: {  	v10 =	vld [tilespmem:s18+$0x1A080]  }
0x15c: {  	v11 =	vld [tilespmem:s18+$0x1A040];
	[tilespmem:s18+$0x1A910] =	vst v6  }
0x15d: {  	v6 =	vld [tilespmem:s18+$0x1A060];
	[tilespmem:s18+$0x1A8F0] =	vst v7  }
0x15e: {  	v7 =	vld [tilespmem:s18+$0x1A050];
	[tilespmem:s18+$0x1A900] =	vst v8  }
0x15f: {  	[tilespmem:s18+$0x1A8D0] =	vst v9  }
0x160: {  	[tilespmem:s18+$0x1A8E0] =	vst v10  }
0x161: {  	[tilespmem:s18+$0x1A8A0] =	vst v11  }
0x162: {  	[tilespmem:s18+$0x1A8C0] =	vst v6  }
0x163: {  	[tilespmem:s18+$0x1A8B0] =	vst v7  }
0x164: {  	_ =	swait.ge [sflag:s24], $0x2000  }
0x165: {  	[sflag:s24] =	ssyncset.done $0x0  }
0x166: {  	s17 =	sadd.s32 $0x1A8A0, s18;
	[sflag:s24] =	ssyncadd.s32 $0xFFFFE000  }
0x167: {  	[spmem:s1] =	stream.indirect.scatter.add.f32 [tilespmem:s29], [sflag:$0x4], $0x40, s17, s25, $0xb8;
	[tilespmem:$0x1F120] =	vst v63  }
0x168: {  	p2 =	sge.s32 s14, s7;
	_ =	swait.ge [sflag:s26], $0x2000  }
0x169: {  	s18 =	simm.s32 @!p2 $0x1B120;
	s17 =	sshra.s32 @!p2 s15, $0x2;
	[sflag:s26] =	ssyncset.done $0x0  }
0x16a: {  	s19 =	simm.s32 @!p2 $0x80;
	s17 =	sadd.s32 @!p2 $0x198E0, s17;
	[sflag:s26] =	ssyncadd.s32 $0xFFFFE000  }
0x16b: {  	[tilespmem:s18], [sflag:$0x1] =	stream.indirect.gather @!p2 [hbm4b:s4+s19], $0x40, s17, s19, $0xb8;
	[tilespmem:$0x1F120] =	vst v63  }
.Ltmp8:
0x16c: {  	v10 =	vld @!p0 [tilespmem:s12+$0x1A0C0];
	(pc) =	sbr.rel @p1 .LBB2_8-.Ltmp8, $4  }
0x16d: {  	v7 =	vld @!p0 [tilespmem:s12+$0x1A110]  }
0x16e: {  	v6 =	vld @!p0 [tilespmem:s12+$0x1A130]  }
0x16f: {  	v8 =	vld @!p0 [tilespmem:s12+$0x1A120]  }
0x170: {  	v9 =	vld @!p0 [tilespmem:s12+$0x1A0E0]  }
.Ltmp9:
0x171: {  	_ = 	snop;
	(pc) =	sbr.rel .LBB2_9-.Ltmp9, $1  }
0x172: {  	_ =	sdelay $0x3  }
.LBB2_11:
0x173: {  	s7 =	stileid.u32;
	[bflag:$0x0] =	sbarrier.arrive $0xFFFF  }
0x174: {  	s8 =	sshrl.u32 s20, $0x3;
	s7 =	sshll.u32 s7, $0x6;
	s11 =	rddreg [dreg:$0x10]  }
0x175: {  	[smem:$0x7E8] =	sst s8;
	s28 =	sor.u32 $0x1C03, s7  }
0x176: {  	[hbm:s11], [sflag:s28] =	dma.local [spmem:s8], $0x400  }
0x177: {  	_ =	swait.ge [sflag:s30], $0x400  }
0x178: {  	s12 =	rddreg [dreg:$0x4]  }
0x179: {  	[sflag:s30] =	ssyncset.done $0x0;
	s14 =	rddreg [dreg:$0x13];
	s13 =	sshrl.u32 s12, $0x3  }
0x17a: {  	[sflag:s30] =	ssyncadd.s32 $0xFFFFFC00;
	[smem:$0x7E9] =	sst s13  }
0x17b: {  	[hbm:s14], [sflag:s28] =	dma.local [spmem:s13], $0x400  }
0x17c: {  	_ =	swait.ge [sflag:s30], $0x400  }
0x17d: {  	s15 =	rddreg [dreg:$0x5]  }
0x17e: {  	[sflag:s30] =	ssyncset.done $0x0;
	s17 =	rddreg [dreg:$0x14];
	s16 =	sshrl.u32 s15, $0x3  }
0x17f: {  	[sflag:s30] =	ssyncadd.s32 $0xFFFFFC00;
	[smem:$0x7EA] =	sst s16  }
0x180: {  	[hbm:s17], [sflag:s28] =	dma.local [spmem:s16], $0x400  }
0x181: {  	_ =	swait.ge [sflag:s30], $0x400  }
0x182: {  	s18 =	rddreg [dreg:$0x6]  }
0x183: {  	[sflag:s30] =	ssyncset.done $0x0;
	s21 =	rddreg [dreg:$0x15];
	s19 =	sshrl.u32 s18, $0x3  }
0x184: {  	[sflag:s30] =	ssyncadd.s32 $0xFFFFFC00;
	[smem:$0x7EB] =	sst s19  }
0x185: {  	[hbm:s21], [sflag:s28] =	dma.local [spmem:s19], $0x400  }
0x186: {  	_ =	swait.ge [sflag:s30], $0x400  }
0x187: {  	s9 =	rddreg [dreg:$0x7]  }
0x188: {  	[sflag:s30] =	ssyncset.done $0x0;
	s11 =	rddreg [dreg:$0x16];
	s10 =	sshrl.u32 s9, $0x3  }
0x189: {  	[sflag:s30] =	ssyncadd.s32 $0xFFFFFC00;
	[smem:$0x7EC] =	sst s10  }
0x18a: {  	[hbm:s11], [sflag:s28] =	dma.local [spmem:s10], $0x400  }
0x18b: {  	_ =	swait.ge [sflag:s30], $0x400  }
0x18c: {  	s12 =	rddreg [dreg:$0x8]  }
0x18d: {  	[sflag:s30] =	ssyncset.done $0x0;
	s14 =	rddreg [dreg:$0x17];
	s13 =	sshrl.u32 s12, $0x3  }
0x18e: {  	[sflag:s30] =	ssyncadd.s32 $0xFFFFFC00;
	[smem:$0x7ED] =	sst s13  }
0x18f: {  	[hbm:s14], [sflag:s28] =	dma.local [spmem:s13], $0x400  }
0x190: {  	_ =	swait.ge [sflag:s30], $0x400  }
0x191: {  	s15 =	rddreg [dreg:$0x9]  }
0x192: {  	[sflag:s30] =	ssyncset.done $0x0;
	s17 =	rddreg [dreg:$0x18];
	s16 =	sshrl.u32 s15, $0x3  }
0x193: {  	[sflag:s30] =	ssyncadd.s32 $0xFFFFFC00;
	[smem:$0x7EE] =	sst s16  }
0x194: {  	[hbm:s17], [sflag:s28] =	dma.local [spmem:s16], $0x400  }
0x195: {  	_ =	swait.ge [sflag:s30], $0x400  }
0x196: {  	s18 =	rddreg [dreg:$0xa]  }
0x197: {  	[sflag:s30] =	ssyncset.done $0x0;
	s21 =	rddreg [dreg:$0x19];
	s19 =	sshrl.u32 s18, $0x3  }
0x198: {  	[sflag:s30] =	ssyncadd.s32 $0xFFFFFC00;
	[smem:$0x7EF] =	sst s19  }
0x199: {  	[hbm:s21], [sflag:s28] =	dma.local [spmem:s19], $0x400  }
0x19a: {  	_ =	swait.ge [sflag:s30], $0x400  }
0x19b: {  	s8 =	rddreg [dreg:$0xb]  }
0x19c: {  	[sflag:s30] =	ssyncset.done $0x0;
	s10 =	rddreg [dreg:$0x1a];
	s9 =	sshrl.u32 s8, $0x3  }
0x19d: {  	[sflag:s30] =	ssyncadd.s32 $0xFFFFFC00;
	[smem:$0x7F0] =	sst s9  }
0x19e: {  	[hbm:s10], [sflag:s28] =	dma.local [spmem:s9], $0x400  }
0x19f: {  	_ =	swait.ge [sflag:s30], $0x400  }
0x1a0: {  	s11 =	rddreg [dreg:$0xc]  }
0x1a1: {  	[sflag:s30] =	ssyncset.done $0x0;
	s13 =	rddreg [dreg:$0x1b];
	s12 =	sshrl.u32 s11, $0x3  }
0x1a2: {  	[sflag:s30] =	ssyncadd.s32 $0xFFFFFC00;
	[smem:$0x7F1] =	sst s12  }
0x1a3: {  	[hbm:s13], [sflag:s28] =	dma.local [spmem:s12], $0x400  }
0x1a4: {  	_ =	swait.ge [sflag:s30], $0x400  }
0x1a5: {  	s14 =	rddreg [dreg:$0xd]  }
0x1a6: {  	[sflag:s30] =	ssyncset.done $0x0;
	s16 =	rddreg [dreg:$0x1c];
	s15 =	sshrl.u32 s14, $0x3  }
0x1a7: {  	[sflag:s30] =	ssyncadd.s32 $0xFFFFFC00;
	[smem:$0x7F2] =	sst s15  }
0x1a8: {  	[hbm:s16], [sflag:s28] =	dma.local [spmem:s15], $0x400  }
0x1a9: {  	_ =	swait.ge [sflag:s30], $0x400  }
0x1aa: {  	[sflag:s30] =	ssyncset.done $0x0;
	s17 =	rddreg [dreg:$0xe]  }
0x1ab: {  	s18 =	rddreg [dreg:$0x1d];
	[sflag:s30] =	ssyncadd.s32 $0xFFFFFC00;
	s17 =	sshrl.u32 s17, $0x3  }
0x1ac: {  	[hbm:s18], [sflag:s28] =	dma.local [spmem:s17], $0x400  }
0x1ad: {  	_ =	swait.ge [sflag:s30], $0x400  }
0x1ae: {  	[sflag:s30] =	ssyncset.done $0x0;
	s19 =	rddreg [dreg:$0xf]  }
0x1af: {  	s21 =	rddreg [dreg:$0x1e];
	[sflag:s30] =	ssyncadd.s32 $0xFFFFFC00;
	s18 =	sshrl.u32 s19, $0x3  }
0x1b0: {  	[hbm:s21], [sflag:s28] =	dma.local [spmem:s18], $0x100  }
0x1b1: {  	_ =	swait.ge [sflag:s30], $0x100  }
0x1b2: {  	[sflag:s30] =	ssyncset.done $0x0  }
0x1b3: {  	s7 =	simm.s32 $0x0;
	s8 =	simm.s32 $0x100;
	[sflag:s30] =	ssyncadd.s32 $0xFFFFFF00  }
.LBB2_12:
0x1b4: {  	p0 =	sne.s32 s8, $0x7F00;
	[tilespmem:s7+$0x1B150] =	vst v3;
	s9 =	smov.u32 s8;
	s8 =	sadd.s32 $0x100, s8  }
.Ltmp10:
0x1b5: {  	[tilespmem:s7+$0x1B140] =	vst v3;
	(pc) =	sbr.rel @p0 .LBB2_12-.Ltmp10, $3  }
0x1b6: {  	[tilespmem:s7+$0x1B120] =	vst v3  }
0x1b7: {  	[tilespmem:s7+$0x1B130] =	vst v3;
	_ =	sdelay $0x1  }
0x1b8: {  	s7 =	sshra.s32 s9, $0x2  }
0x1b9: {  	[tilespmem:s7+$0x1B150] =	vst v3  }
0x1ba: {  	[tilespmem:s7+$0x1B140] =	vst v3  }
0x1bb: {  	[tilespmem:s7+$0x1B120] =	vst v3  }
0x1bc: {  	[tilespmem:s7+$0x1B130] =	vst v3  }
0x1bd: {  	[spmem:s20] =	stream.linear.scatter [tilespmem:s29], [sflag:$0x3], $0x2000, $0x38;
	[tilespmem:$0x1F120] =	vst v63  }
0x1be: {  	_ =	swait.ge [sflag:s30], $0x2000  }
0x1bf: {  	[sflag:s30] =	ssyncset.done $0x0  }
0x1c0: {  	s8 =	rddreg [dreg:$0x4];
	[sflag:s30] =	ssyncadd.s32 $0xFFFFE000  }
0x1c1: {  	[spmem:s8] =	stream.linear.scatter [tilespmem:s29], [sflag:$0x3], $0x2000, $0x38;
	[tilespmem:$0x1F120] =	vst v63  }
0x1c2: {  	_ =	swait.ge [sflag:s30], $0x2000  }
0x1c3: {  	[sflag:s30] =	ssyncset.done $0x0  }
0x1c4: {  	s9 =	rddreg [dreg:$0x5];
	[sflag:s30] =	ssyncadd.s32 $0xFFFFE000  }
0x1c5: {  	[spmem:s9] =	stream.linear.scatter [tilespmem:s29], [sflag:$0x3], $0x2000, $0x38;
	[tilespmem:$0x1F120] =	vst v63  }
0x1c6: {  	_ =	swait.ge [sflag:s30], $0x2000  }
0x1c7: {  	[sflag:s30] =	ssyncset.done $0x0  }
0x1c8: {  	s10 =	rddreg [dreg:$0x6];
	[sflag:s30] =	ssyncadd.s32 $0xFFFFE000  }
0x1c9: {  	[spmem:s10] =	stream.linear.scatter [tilespmem:s29], [sflag:$0x3], $0x2000, $0x38;
	[tilespmem:$0x1F120] =	vst v63  }
0x1ca: {  	_ =	swait.ge [sflag:s30], $0x2000  }
0x1cb: {  	[sflag:s30] =	ssyncset.done $0x0  }
0x1cc: {  	s11 =	rddreg [dreg:$0x7];
	[sflag:s30] =	ssyncadd.s32 $0xFFFFE000  }
0x1cd: {  	[spmem:s11] =	stream.linear.scatter [tilespmem:s29], [sflag:$0x3], $0x2000, $0x38;
	[tilespmem:$0x1F120] =	vst v63  }
0x1ce: {  	_ =	swait.ge [sflag:s30], $0x2000  }
0x1cf: {  	[sflag:s30] =	ssyncset.done $0x0  }
0x1d0: {  	s12 =	rddreg [dreg:$0x8];
	[sflag:s30] =	ssyncadd.s32 $0xFFFFE000  }
0x1d1: {  	[spmem:s12] =	stream.linear.scatter [tilespmem:s29], [sflag:$0x3], $0x2000, $0x38;
	[tilespmem:$0x1F120] =	vst v63  }
0x1d2: {  	_ =	swait.ge [sflag:s30], $0x2000  }
0x1d3: {  	[sflag:s30] =	ssyncset.done $0x0  }
0x1d4: {  	s13 =	rddreg [dreg:$0x9];
	[sflag:s30] =	ssyncadd.s32 $0xFFFFE000  }
0x1d5: {  	[spmem:s13] =	stream.linear.scatter [tilespmem:s29], [sflag:$0x3], $0x2000, $0x38;
	[tilespmem:$0x1F120] =	vst v63  }
0x1d6: {  	_ =	swait.ge [sflag:s30], $0x2000  }
0x1d7: {  	[sflag:s30] =	ssyncset.done $0x0  }
0x1d8: {  	s14 =	rddreg [dreg:$0xa];
	[sflag:s30] =	ssyncadd.s32 $0xFFFFE000  }
0x1d9: {  	[spmem:s14] =	stream.linear.scatter [tilespmem:s29], [sflag:$0x3], $0x2000, $0x38;
	[tilespmem:$0x1F120] =	vst v63  }
0x1da: {  	_ =	swait.ge [sflag:s30], $0x2000  }
0x1db: {  	[sflag:s30] =	ssyncset.done $0x0  }
0x1dc: {  	s15 =	rddreg [dreg:$0xb];
	[sflag:s30] =	ssyncadd.s32 $0xFFFFE000  }
0x1dd: {  	[spmem:s15] =	stream.linear.scatter [tilespmem:s29], [sflag:$0x3], $0x2000, $0x38;
	[tilespmem:$0x1F120] =	vst v63  }
0x1de: {  	_ =	swait.ge [sflag:s30], $0x2000  }
0x1df: {  	[sflag:s30] =	ssyncset.done $0x0  }
0x1e0: {  	s16 =	rddreg [dreg:$0xc];
	[sflag:s30] =	ssyncadd.s32 $0xFFFFE000  }
0x1e1: {  	[spmem:s16] =	stream.linear.scatter [tilespmem:s29], [sflag:$0x3], $0x2000, $0x38;
	[tilespmem:$0x1F120] =	vst v63  }
0x1e2: {  	_ =	swait.ge [sflag:s30], $0x2000  }
0x1e3: {  	[sflag:s30] =	ssyncset.done $0x0  }
0x1e4: {  	s19 =	rddreg [dreg:$0xd];
	[sflag:s30] =	ssyncadd.s32 $0xFFFFE000  }
0x1e5: {  	[spmem:s19] =	stream.linear.scatter [tilespmem:s29], [sflag:$0x3], $0x2000, $0x38;
	[tilespmem:$0x1F120] =	vst v63  }
0x1e6: {  	_ =	swait.ge [sflag:s30], $0x2000  }
0x1e7: {  	[sflag:s30] =	ssyncset.done $0x0  }
0x1e8: {  	s20 =	rddreg [dreg:$0xe];
	[sflag:s30] =	ssyncadd.s32 $0xFFFFE000  }
0x1e9: {  	[spmem:s20] =	stream.linear.scatter [tilespmem:s29], [sflag:$0x3], $0x2000, $0x38;
	[tilespmem:$0x1F120] =	vst v63  }
0x1ea: {  	_ =	swait.ge [sflag:s30], $0x2000  }
0x1eb: {  	[sflag:s30] =	ssyncset.done $0x0  }
0x1ec: {  	s21 =	rddreg [dreg:$0xf];
	[sflag:s30] =	ssyncadd.s32 $0xFFFFE000  }
0x1ed: {  	[spmem:s21] =	stream.linear.scatter [tilespmem:s29], [sflag:$0x3], $0x800, $0x38;
	[tilespmem:$0x1F120] =	vst v63  }
.Ltmp11:
0x1ee: {  	_ =	swait.ge [sflag:s30], $0x800;
	(pc) =	sbr.rel .LBB2_14-.Ltmp11, $4  }
0x1ef: {  	[sflag:s30] =	ssyncset.done $0x0  }
0x1f0: {  	[sflag:s30] =	ssyncadd.s32 $0xFFFFF800  }
0x1f1: {  	[bflag:$0x0] =	sbarrier.arrive $0xFFFF  }
0x1f2: {  	s7 =	simm.s32 $0x0;
	s19 =	simm.s32 $0x0  }
.LBB2_19:
0x1f3: {  	[tilespmem:s9+$0x1A920] =	vst @!p0 v10;
	v10 =	vld @!p0 [tilespmem:s9+$0x1A0F0]  }
0x1f4: {  	v11 =	vld @!p0 [tilespmem:s9+$0x1A0D0];
	[tilespmem:s9+$0x1A970] =	vst @!p0 v7  }
0x1f5: {  	v7 =	vld @!p0 [tilespmem:s9+$0x1A100];
	[tilespmem:s9+$0x1A990] =	vst @!p0 v6  }
0x1f6: {  	[tilespmem:s9+$0x1A980] =	vst @!p0 v8  }
0x1f7: {  	[tilespmem:s9+$0x1A940] =	vst @!p0 v9  }
0x1f8: {  	[tilespmem:s9+$0x1A950] =	vst @!p0 v10  }
0x1f9: {  	[tilespmem:s9+$0x1A930] =	vst @!p0 v11  }
0x1fa: {  	s10 =	simm.s32 @!p0 $0x2;
	[tilespmem:s9+$0x1A960] =	vst @!p0 v7  }
0x1fb: {  	_ =	swait.ge @!p0 [sflag:s10], $0x2000  }
0x1fc: {  	[sflag:s10] =	ssyncset.done @!p0 $0x0  }
0x1fd: {  	s9 =	simm.s32 @!p0 $0x3;
	[sflag:s10] =	ssyncadd.s32 @!p0 $0xFFFFE000  }
0x1fe: {  	[spmem:s1] =	stream.indirect.scatter.add.f32 @!p0 [tilespmem:s21], [sflag:$0x3], $0x40, s13, s8, $0xb8;
	[tilespmem:$0x1F120] =	vst v63  }
0x1ff: {  	_ =	swait.ge @!p0 [sflag:s9], $0x2000  }
0x200: {  	[sflag:s9] =	ssyncset.done @!p0 $0x0  }
0x201: {  	[sflag:s9] =	ssyncadd.s32 @!p0 $0xFFFFE000  }
.LBB2_20:
0x202: {  	s7 =	sadd.s32 $0x1, s7  }
0x203: {  	p0 =	sne.s32 s7, $0x32  }
.Ltmp12:
0x204: {  	_ = 	snop;
	(pc) =	sbr.rel @!p0 .LBB2_21-.Ltmp12, $1  }
0x205: {  	_ =	sdelay $0x3  }
.LBB2_14:
0x206: {  	s8 =	smul.u32 $0x7D0, s7;
	_ =	sdelay $0x1  }
0x207: {  	s8 =	sadd.s32 s22, s8  }
0x208: {  	s8 =	sshrl.u32 s8, $0x3  }
0x209: {  	s9 =	sadd.s32 s5, s8  }
0x20a: {  	[tilespmem:s31], [sflag:$0x3] =	stream.linear.gather [hbm4b:s9+s19], $0x7D0, $0x38;
	[tilespmem:$0x1F120] =	vst v63  }
0x20b: {  	_ =	swait.ge [sflag:s30], $0x7D0  }
0x20c: {  	[sflag:s30] =	ssyncset.done $0x0  }
0x20d: {  	s8 =	sadd.s32 s6, s8;
	[sflag:s30] =	ssyncadd.s32 $0xFFFFF830  }
0x20e: {  	[tilespmem:s0], [sflag:$0x3] =	stream.linear.gather [hbm4b:s8+s19], $0x7D0, $0x38;
	[tilespmem:$0x1F120] =	vst v63  }
0x20f: {  	_ =	swait.ge [sflag:s30], $0x7D0  }
0x210: {  	[sflag:s30] =	ssyncset.done $0x0  }
0x211: {  	s21 =	simm.s32 $0x0;
	[sflag:s30] =	ssyncadd.s32 $0xFFFFF830  }
0x212: {  	v6 =	vld [tilespmem:s21+$0x19010];
	_ =	sdelay $0x4  }
0x213: {  	vm0 =	vge.s32 v6, v1;
	vm1 =	vlt.s32 v6, v2  }
0x214: {  	vm0 =	vmand vm0, vm1  }
0x215: {  	v7 =	vsel vm0, $0x1, v4  }
0x216: {  	(xrf0) =	vadd.scan.msk.s32 $0xffff, v7;
	_ =	sdelay $0x2  }
0x217: {  	v7 =	vmov s19  }
0x218: {  	v7 =	vadd.s32 $0xFFFFFFFF, v7  }
0x219: {  	v7 =	vbroadcast v7, $0x0  }
0x21a: {  	v8, _, _ =	vpop (xrf0)  }
0x21b: {  	v7 =	vadd.s32 v8, v7;
	(v2sf) =	vpush v8, $0xF  }
0x21c: {  	v7 =	vnsel vm0, $0x850, v7  }
0x21d: {  	v9 =	vld [tilespmem:s21+$0x18840];
	_ =	sdelay $0x2  }
0x21e: {  	v6 =	vsub.s32 v6, v1  }
0x21f: {  	[tilespmem:v7+s2+$0x0] =	vst.idx.msk $0xffff, v6  }
0x220: {  	s10 =	simm.s32 $0x80;
	s9 =	simm.s32 $0x0;
	s8 =	simm.s32 $0x10;
	[tilespmem:v7+s23+$0x0] =	vst.idx.msk $0xffff, v9  }
.LBB2_15:
0x221: {  	p0 =	sne.s32 s10, $0x1F00;
	v6 =	vld [tilespmem:s8+$0x19010];
	_ =	sdelay $0x4  }
0x222: {  	vm0 =	vge.s32 v6, v1;
	vm1 =	vlt.s32 v6, v2;
	v6 =	vsub.s32 v6, v1  }
0x223: {  	vm0 =	vmand vm0, vm1  }
0x224: {  	v7 =	vsel vm0, $0x1, v4;
	s11 =	spop (v2sf)  }
0x225: {  	(xrf0) =	vadd.scan.msk.s32 $0xffff, v7;
	s9 =	sadd.s32 s9, s11  }
0x226: {  	v7 =	vmov s9  }
0x227: {  	v7 =	vadd.s32 $0xFFFFFFFF, v7  }
0x228: {  	v7 =	vbroadcast v7, $0x0;
	_ =	sdelay $0x2  }
0x229: {  	v8, _, _ =	vpop (xrf0)  }
0x22a: {  	v7 =	vadd.s32 v8, v7;
	(v2sf) =	vpush v8, $0xF  }
0x22b: {  	v7 =	vnsel vm0, $0x850, v7  }
0x22c: {  	v8 =	vld [tilespmem:s8+$0x18840]  }
.Ltmp13:
0x22d: {  	(pc) =	sbr.rel @p0 .LBB2_15-.Ltmp13, $3  }
0x22e: {  	_ =	sdelay $0x1  }
0x22f: {  	[tilespmem:v7+s2+$0x0] =	vst.idx.msk $0xffff, v6  }
0x230: {  	s8 =	sshra.s32 s10, $0x2;
	s10 =	sadd.s32 $0x40, s10;
	[tilespmem:v7+s23+$0x0] =	vst.idx.msk $0xffff, v8  }
0x231: {  	v6 =	vld [tilespmem:s8+$0x19010];
	_ =	sdelay $0x4  }
0x232: {  	vm0 =	vge.s32 v6, v1;
	vm1 =	vlt.s32 v6, v2  }
0x233: {  	vm0 =	vmand vm0, vm1  }
0x234: {  	v7 =	vsel vm0, $0x1, v4  }
0x235: {  	(xrf0) =	vadd.scan.msk.s32 $0xffff, v7;
	_ =	sdelay $0x5  }
0x236: {  	v7, _, _ =	vpop (xrf0)  }
0x237: {  	(v2sf) =	vpush v7, $0xF;
	_ =	sdelay $0x2  }
0x238: {  	s10 =	spop (v2sf)  }
0x239: {  	s9 =	sadd.s32 s9, s10  }
0x23a: {  	v8 =	vmov s9  }
0x23b: {  	v8 =	vadd.s32 $0xFFFFFFFF, v8  }
0x23c: {  	v8 =	vbroadcast v8, $0x0;
	_ =	sdelay $0x1  }
0x23d: {  	v7 =	vadd.s32 v7, v8  }
0x23e: {  	v7 =	vnsel vm0, $0x850, v7  }
0x23f: {  	v63 =	vld [tilespmem:s8+$0x18840];
	_ =	sdelay $0x2  }
0x240: {  	v6 =	vsub.s32 v6, v1  }
0x241: {  	[tilespmem:v7+s2+$0x0] =	vst.idx.msk $0xffff, v6;
	s12 =	spop (v2sf)  }
0x242: {  	[tilespmem:v7+s23+$0x0] =	vst.idx.msk $0xffff, v63;
	s8 =	sadd.s32 s9, s12  }
0x243: {  	[tilespmem:s8+$0x1A040] =	vst v5  }
0x244: {  	[tilespmem:s8+$0x197E0] =	vst v4  }
0x245: {  	[tilespmem:s8+$0x1A050] =	vst v5  }
0x246: {  	[tilespmem:s8+$0x197F0] =	vst v4  }
0x247: {  	[tilespmem:s8+$0x1A060] =	vst v5  }
0x248: {  	[tilespmem:s8+$0x19800] =	vst v4  }
0x249: {  	[tilespmem:s8+$0x1A070] =	vst v5  }
0x24a: {  	[tilespmem:s8+$0x19810] =	vst v4;
	s9 =	sadd.s32 $0x7F, s8  }
0x24b: {  	[tilespmem:s8+$0x1A080] =	vst v5;
	s13 =	sand.u32 $0x7F, s9  }
0x24c: {  	[tilespmem:s8+$0x19820] =	vst v4;
	s11 =	sshra.s32 s9, $0x1F;
	p0 =	slt.s32 s9, $0x1;
	p1 =	sne.s32 s13, $0x0  }
0x24d: {  	[tilespmem:s8+$0x1A090] =	vst v5;
	s14 =	sshrl.u32 s11, $0x19;
	p0 =	por !p0, !p1  }
0x24e: {  	s10 =	simm.s32 $0x1;
	[tilespmem:s8+$0x19830] =	vst v4;
	s9 =	sadd.s32 s14, s9;
	p0 =	por !p0, !p0  }
0x24f: {  	[tilespmem:s8+$0x1A0A0] =	vst v5;
	s9 =	sshra.s32 s9, $0x7;
	s10 =	simm.s32 @!p0 $0x0  }
0x250: {  	[tilespmem:s8+$0x19840] =	vst v4;
	s20 =	ssub.s32 s9, s10  }
0x251: {  	[tilespmem:s8+$0x1A0B0] =	vst v5;
	p0 =	slt.s32 s20, $0x1  }
0x252: {  	[tilespmem:s8+$0x19850] =	vst v4;
	s15 =	sadd.s32 $0x1, s20;
	s8 =	simm.s32 @!p0 $0x80  }
0x253: {  	s9 =	simm.s32 @!p0 $0x197E0;
	s10 =	simm.s32 @!p0 $0x1B120;
	s16 =	sand.u32 $0x1, s15  }
0x254: {  	[tilespmem:s10], [sflag:$0x1] =	stream.indirect.gather @!p0 [hbm4b:s4+s8], $0x40, s9, s8, $0xb8;
	[tilespmem:$0x1F120] =	vst v63  }
0x255: {  	p5 =	slt.s32 s20, $0x0;
	p6 =	seq.s32 s16, $0x1  }
0x256: {  	s21 =	sshrl.u32 s15, $0x1F;
	p0 =	por !p5, !p6  }
0x257: {  	s8 =	sadd.s32 s21, s15;
	s9 =	simm.s32 $0x1;
	p0 =	por !p0, !p0  }
0x258: {  	s8 =	sshra.s32 s8, $0x1;
	s9 =	simm.s32 @!p0 $0x0  }
0x259: {  	s10 =	ssub.s32 s8, s9  }
0x25a: {  	p0 =	slt.s32 s10, $0x1  }
.Ltmp14:
0x25b: {  	_ = 	snop;
	(pc) =	sbr.rel @p0 .LBB2_20-.Ltmp14, $1  }
0x25c: {  	_ =	sdelay $0x3  }
0x25d: {  	p1 =	sle.s32 s20, $0x1;
	s9 =	simm.s32 $0x0  }
0x25e: {  	s21 =	simm.s32 @!p1 $0x1D120;
	s11 =	simm.s32 @!p1 $0x19860;
	s8 =	simm.s32 @!p1 $0x80  }
0x25f: {  	[tilespmem:s21], [sflag:$0x2] =	stream.indirect.gather @!p1 [hbm4b:s4+s8], $0x40, s11, s8, $0xb8;
	[tilespmem:$0x1F120] =	vst v63  }
0x260: {  	v6 =	vld [tilespmem:s9+$0x1A0B0]  }
0x261: {  	v7 =	vld [tilespmem:s9+$0x1A090]  }
0x262: {  	v8 =	vld [tilespmem:s9+$0x1A0A0]  }
0x263: {  	v9 =	vld [tilespmem:s9+$0x1A070]  }
0x264: {  	v10 =	vld [tilespmem:s9+$0x1A080]  }
0x265: {  	v11 =	vld [tilespmem:s9+$0x1A040];
	[tilespmem:s9+$0x1A910] =	vst v6  }
0x266: {  	v6 =	vld [tilespmem:s9+$0x1A060];
	[tilespmem:s9+$0x1A8F0] =	vst v7  }
0x267: {  	v7 =	vld [tilespmem:s9+$0x1A050];
	[tilespmem:s9+$0x1A900] =	vst v8  }
0x268: {  	[tilespmem:s9+$0x1A8D0] =	vst v9  }
0x269: {  	[tilespmem:s9+$0x1A8E0] =	vst v10  }
0x26a: {  	[tilespmem:s9+$0x1A8A0] =	vst v11  }
0x26b: {  	[tilespmem:s9+$0x1A8C0] =	vst v6  }
0x26c: {  	[tilespmem:s9+$0x1A8B0] =	vst v7  }
0x26d: {  	_ =	swait.ge [sflag:s24], $0x2000  }
0x26e: {  	[sflag:s24] =	ssyncset.done $0x0  }
0x26f: {  	s16 =	simm.s32 $0x1A8A0;
	[sflag:s24] =	ssyncadd.s32 $0xFFFFE000  }
0x270: {  	[spmem:s1] =	stream.indirect.scatter.add.f32 [tilespmem:s29], [sflag:$0x4], $0x40, s16, s25, $0xb8;
	[tilespmem:$0x1F120] =	vst v63  }
0x271: {  	p2 =	sle.s32 s20, $0x2;
	_ =	swait.ge [sflag:s26], $0x2000  }
0x272: {  	s10 =	sadd.s32 $0xFFFFFFFF, s10;
	s12 =	simm.s32 @!p2 $0x198E0;
	[sflag:s26] =	ssyncset.done $0x0  }
0x273: {  	s13 =	simm.s32 @!p2 $0x80;
	s11 =	simm.s32 @!p2 $0x1B120;
	[sflag:s26] =	ssyncadd.s32 $0xFFFFE000  }
0x274: {  	[tilespmem:s11], [sflag:$0x1] =	stream.indirect.gather @!p2 [hbm4b:s4+s13], $0x40, s12, s13, $0xb8;
	[tilespmem:$0x1F120] =	vst v63  }
0x275: {  	p0 =	por p1, p1;
	s9 =	simm.s32 @!p1 $0x0;
	p2 =	sne.s32 s10, $0x0  }
.Ltmp15:
0x276: {  	v10 =	vld @!p0 [tilespmem:s9+$0x1A0C0];
	(pc) =	sbr.rel @!p2 .LBB2_19-.Ltmp15, $4  }
0x277: {  	v7 =	vld @!p0 [tilespmem:s9+$0x1A110]  }
0x278: {  	v6 =	vld @!p0 [tilespmem:s9+$0x1A130]  }
0x279: {  	v8 =	vld @!p0 [tilespmem:s9+$0x1A120]  }
0x27a: {  	s11 =	simm.s32 $0x2;
	s12 =	simm.s32 $0x0;
	s13 =	simm.s32 @!p1 $0x1A920;
	v9 =	vld @!p0 [tilespmem:s9+$0x1A0E0]  }
.LBB2_18:
0x27b: {  	s10 =	sadd.s32 $0xFFFFFFFF, s10;
	[tilespmem:s9+$0x1A920] =	vst @!p0 v10;
	v10 =	vld @!p0 [tilespmem:s9+$0x1A0F0];
	s11 =	sadd.s32 $0x2, s11;
	s12 =	sadd.s32 $0x400, s12  }
0x27c: {  	p1 =	sne.s32 s10, $0x0;
	v11 =	vld @!p0 [tilespmem:s9+$0x1A0D0];
	[tilespmem:s9+$0x1A970] =	vst @!p0 v7  }
0x27d: {  	v7 =	vld @!p0 [tilespmem:s9+$0x1A100];
	[tilespmem:s9+$0x1A990] =	vst @!p0 v6  }
0x27e: {  	[tilespmem:s9+$0x1A980] =	vst @!p0 v8  }
0x27f: {  	[tilespmem:s9+$0x1A940] =	vst @!p0 v9  }
0x280: {  	[tilespmem:s9+$0x1A950] =	vst @!p0 v10  }
0x281: {  	s14 =	simm.s32 @!p0 $0x2;
	[tilespmem:s9+$0x1A930] =	vst @!p0 v11  }
0x282: {  	[tilespmem:s9+$0x1A960] =	vst @!p0 v7  }
0x283: {  	_ =	swait.ge @!p0 [sflag:s14], $0x2000  }
0x284: {  	[sflag:s14] =	ssyncset.done @!p0 $0x0  }
0x285: {  	s9 =	sadd.s32 $0xFFFFFFFF, s11;
	[sflag:s14] =	ssyncadd.s32 @!p0 $0xFFFFE000;
	s14 =	simm.s32 @!p0 $0x3  }
0x286: {  	[spmem:s1] =	stream.indirect.scatter.add.f32 @!p0 [tilespmem:s21], [sflag:$0x3], $0x40, s13, s8, $0xb8;
	[tilespmem:$0x1F120] =	vst v63  }
0x287: {  	s15 =	sshra.s32 s12, $0x2;
	p2 =	sge.s32 s9, s20;
	_ =	swait.ge @!p0 [sflag:s14], $0x2000  }
0x288: {  	s9 =	sshra.s32 @!p2 s12, $0x2;
	s21 =	simm.s32 @!p2 $0x1D120;
	[sflag:s14] =	ssyncset.done @!p0 $0x0  }
0x289: {  	s13 =	sadd.s32 @!p2 $0x19860, s9;
	s8 =	simm.s32 @!p2 $0x80;
	[sflag:s14] =	ssyncadd.s32 @!p0 $0xFFFFE000  }
0x28a: {  	[tilespmem:s21], [sflag:$0x2] =	stream.indirect.gather @!p2 [hbm4b:s4+s8], $0x40, s13, s8, $0xb8;
	[tilespmem:$0x1F120] =	vst v63  }
0x28b: {  	p0 =	por p2, p2;
	s13 =	sadd.s32 @!p2 $0x1A920, s9;
	v6 =	vld [tilespmem:s15+$0x1A0B0]  }
0x28c: {  	v7 =	vld [tilespmem:s15+$0x1A090]  }
0x28d: {  	v8 =	vld [tilespmem:s15+$0x1A0A0]  }
0x28e: {  	v9 =	vld [tilespmem:s15+$0x1A070]  }
0x28f: {  	v10 =	vld [tilespmem:s15+$0x1A080]  }
0x290: {  	v11 =	vld [tilespmem:s15+$0x1A040];
	[tilespmem:s15+$0x1A910] =	vst v6  }
0x291: {  	v6 =	vld [tilespmem:s15+$0x1A060];
	[tilespmem:s15+$0x1A8F0] =	vst v7  }
0x292: {  	v7 =	vld [tilespmem:s15+$0x1A050];
	[tilespmem:s15+$0x1A900] =	vst v8  }
0x293: {  	[tilespmem:s15+$0x1A8D0] =	vst v9  }
0x294: {  	[tilespmem:s15+$0x1A8E0] =	vst v10  }
0x295: {  	[tilespmem:s15+$0x1A8A0] =	vst v11  }
0x296: {  	[tilespmem:s15+$0x1A8C0] =	vst v6  }
0x297: {  	[tilespmem:s15+$0x1A8B0] =	vst v7  }
0x298: {  	_ =	swait.ge [sflag:s24], $0x2000  }
0x299: {  	[sflag:s24] =	ssyncset.done $0x0  }
0x29a: {  	s14 =	sadd.s32 $0x1A8A0, s15;
	[sflag:s24] =	ssyncadd.s32 $0xFFFFE000  }
0x29b: {  	[spmem:s1] =	stream.indirect.scatter.add.f32 [tilespmem:s29], [sflag:$0x4], $0x40, s14, s25, $0xb8;
	[tilespmem:$0x1F120] =	vst v63  }
0x29c: {  	p2 =	sge.s32 s11, s20;
	_ =	swait.ge [sflag:s26], $0x2000  }
0x29d: {  	s15 =	simm.s32 @!p2 $0x1B120;
	s14 =	sshra.s32 @!p2 s12, $0x2;
	[sflag:s26] =	ssyncset.done $0x0  }
0x29e: {  	s16 =	simm.s32 @!p2 $0x80;
	s14 =	sadd.s32 @!p2 $0x198E0, s14;
	[sflag:s26] =	ssyncadd.s32 $0xFFFFE000  }
0x29f: {  	[tilespmem:s15], [sflag:$0x1] =	stream.indirect.gather @!p2 [hbm4b:s4+s16], $0x40, s14, s16, $0xb8;
	[tilespmem:$0x1F120] =	vst v63  }
.Ltmp16:
0x2a0: {  	v10 =	vld @!p0 [tilespmem:s9+$0x1A0C0];
	(pc) =	sbr.rel @p1 .LBB2_18-.Ltmp16, $4  }
0x2a1: {  	v7 =	vld @!p0 [tilespmem:s9+$0x1A110]  }
0x2a2: {  	v6 =	vld @!p0 [tilespmem:s9+$0x1A130]  }
0x2a3: {  	v8 =	vld @!p0 [tilespmem:s9+$0x1A120]  }
0x2a4: {  	v9 =	vld @!p0 [tilespmem:s9+$0x1A0E0]  }
.Ltmp17:
0x2a5: {  	_ = 	snop;
	(pc) =	sbr.rel .LBB2_19-.Ltmp17, $1  }
0x2a6: {  	_ =	sdelay $0x3  }
.LBB2_22:
0x2a7: {  	_ =	sfence.sel $0x180000  }
0x2a8: {  	[bflag:$0x0] =	sbarrier.arrive $0xFFFF  }
0x2a9: {  	_ =	strace $0x90000047  }
0x2aa: {  	s0 =	stileid.u32;
	[bflag:$0x2] =	sbarrier.arrive $0xFFFF  }
0x2ab: {  	p0 =	sne.s32 s0, $0x0;
	s0 =	rddreg [dreg:$0x2]  }
0x2ac: {  	s0 =	sadd.s32 @!p0 $0x100000, s0  }
0x2ad: {  	[sflag:s0] =	ssyncadd.tile.s32 @!p0 $0x1;
	_ =	shalt  }
.Lfunc_end2:
_tile_overlayer_lowered:
.L_overlay_start_2:
0x2ae: {  	(tag) =	ssettag $0x2  }
0x2af: {  	s0 =	rddreg [dreg:$0x0];
	s2 =	stileid.u32  }
0x2b0: {  	s1 =	rddreg [dreg:$0x1];
	p0 =	sne.s32 s2, $0x0  }
0x2b1: {  	s3 =	rddreg [dreg:$0x2];
	[bflag:$0x3] =	sbarrier.arrive $0xFFFF;
	s2 =	simm.s32 @!p0 $0x1C03  }
0x2b2: {  	[timem:s3], [sflag:s2] =	dma.local @!p0 [hbm:s0], s1  }
0x2b3: {  	s0 =	simm.s32 @!p0 $0x3  }
0x2b4: {  	_ =	swait.ge @!p0 [sflag:s0], s1  }
0x2b5: {  	s1 =	ssub.s32 @!p0 $0x0, s1;
	[sflag:s0] =	ssyncset.done @!p0 $0x0  }
0x2b6: {  	[sflag:s0] =	ssyncadd.s32 @!p0 s1  }
0x2b7: {  	[bflag:$0x3] =	sbarrier.arrive $0xFFFF  }
0x2b8: {  	_ =	shalt  }

</sc_bundles>
